<compile_context>
chip_gen: v7x
topology: tpu7x:2x2x1
jax: 0.10.2.dev20260603
libtpu: 0.0.44.dev20260713+nightly
codegen_flags: <defaults>
</compile_context>

<pallas_src>
import functools

import jax
import jax.numpy as jnp
from jax import lax
from jax.experimental import pallas as pl
from jax.experimental.pallas import tpu as pltpu
from jax.experimental.pallas import tpu_sc as plsc

B = 4
S = 8192
D = 128
NC = 2
NS = 16
NW = NC * NS
P = 256
RD = P + 8
PPB = S // P
NPIECE = B * PPB
LANES = 16
SUBL = D // LANES
TAIL_POS = S - P
BCAST = 128
NB = 3
CSLOTS = 4
FSLOTS = 4


def _sel4(b, v0, v1, v2, v3):
    return jnp.where(b == 0, v0, jnp.where(b == 1, v1, jnp.where(b == 2, v2, v3)))


def _body(len_hbm, table_hbm, out_nat, len_v, buf0, buf1, buf2, bcast,
          lsem, bsem, fsem, rsem0, rsem1, rsem2, wsem0, wsem1, wsem2):
    out_hbm = out_nat.reshape(B * S, D)
    wid = lax.axis_index("s") * NC + lax.axis_index("c")

    bufs = [buf0, buf1, buf2]
    rsems = [rsem0, rsem1, rsem2]
    wsems = [wsem0, wsem1, wsem2]

    h_len = pltpu.make_async_copy(len_hbm, len_v.at[pl.ds(0, B)], lsem)
    h_row0 = pltpu.make_async_copy(
        table_hbm.at[pl.ds(0, 8)], bcast.at[pl.ds(0, 8)], bsem)
    h_len.start()
    h_row0.start()
    h_len.wait()
    lvec = len_v[...]
    l0, l1, l2, l3 = lvec[0], lvec[1], lvec[2], lvec[3]

    c0 = (l0 + P - 1) // P
    c1 = (l1 + P - 1) // P
    c2 = (l2 + P - 1) // P
    c3 = (l3 + P - 1) // P
    s1, s2, s3 = c0, c0 + c1, c0 + c1 + c2
    ncopy = s3 + c3
    nfill = NPIECE - ncopy
    f1 = PPB - c0
    f2 = f1 + PPB - c1
    f3 = f2 + PPB - c2

    clo = (wid * ncopy + NW - 1) // NW
    chi = ((wid + 1) * ncopy + NW - 1) // NW
    wf = NW - 1 - wid
    flo = (wf * nfill + NW - 1) // NW
    fhi = ((wf + 1) * nfill + NW - 1) // NW

    def copy_piece(s):
        ci = clo + s
        b = ((ci >= s1).astype(jnp.int32) + (ci >= s2).astype(jnp.int32)
             + (ci >= s3).astype(jnp.int32))
        pos = (ci - _sel4(b, 0, s1, s2, s3)) * P
        lb = _sel4(b, l0, l1, l2, l3)
        return ci < chi, b, pos, lb

    def read_pair(s):
        _, _, pos, _ = copy_piece(s)
        buf = bufs[s % NB]
        sem = rsems[s % NB]
        full = pltpu.make_async_copy(
            table_hbm.at[pl.ds(pos, RD)], buf.at[pl.ds(0, RD)], sem)
        short = pltpu.make_async_copy(
            table_hbm.at[pl.ds(pos, P)], buf.at[pl.ds(0, P)], sem)
        return full, short

    def read_op(s, op):
        active, _, pos, _ = copy_piece(s)
        full, short = read_pair(s)

        @pl.when(active)
        def _():
            @pl.when(pos == TAIL_POS)
            def _():
                getattr(short, op)()

            @pl.when(pos != TAIL_POS)
            def _():
                getattr(full, op)()

    for s in range(min(NB, CSLOTS)):
        read_op(s, "start")

    h_row0.wait()
    row0 = [bcast[0, pl.ds(u * LANES, LANES)] for u in range(SUBL)]

    def bcast_body(r, carry):
        for u in range(SUBL):
            bcast[r, pl.ds(u * LANES, LANES)] = row0[u]
        return carry
    lax.fori_loop(1, BCAST, bcast_body, 0)

    def fill_piece(s):
        fi = flo + s
        b = ((fi >= f1).astype(jnp.int32) + (fi >= f2).astype(jnp.int32)
             + (fi >= f3).astype(jnp.int32))
        cb = _sel4(b, c0, c1, c2, c3)
        fpos = cb * P + (fi - _sel4(b, 0, f1, f2, f3)) * P
        return fi < fhi, b * S + fpos

    for s in range(FSLOTS):
        active, obase = fill_piece(s)

        @pl.when(active)
        def _():
            for h in range(P // BCAST):
                pltpu.make_async_copy(
                    bcast, out_hbm.at[pl.ds(obase + h * BCAST, BCAST)],
                    fsem).start()

    def fixup(s):
        active, _, pos, lb = copy_piece(s)
        buf = bufs[s % NB]

        @pl.when(jnp.logical_and(active, lb < pos + P))
        def _():
            def body(r, carry):
                for u in range(SUBL):
                    buf[r, pl.ds(u * LANES, LANES)] = row0[u]
                return carry
            lax.fori_loop(lb - pos + 1, P + 1, body, 0)

    def copy_write(s):
        _, b, pos, _ = copy_piece(s)
        out_slc = out_hbm.at[pl.ds(b * S + pos, P)]
        return pltpu.make_async_copy(
            bufs[s % NB].at[pl.ds(1, P)], out_slc, wsems[s % NB])

    for s in range(CSLOTS):
        active, _, _, _ = copy_piece(s)
        read_op(s, "wait")
        fixup(s)

        @pl.when(active)
        def _():
            copy_write(s).start()
        if s + NB < CSLOTS:
            @pl.when(active)
            def _():
                copy_write(s).wait()
            read_op(s + NB, "start")

    for s in range(max(0, CSLOTS - NB), CSLOTS):
        active, _, _, _ = copy_piece(s)

        @pl.when(active)
        def _():
            copy_write(s).wait()

    for s in range(FSLOTS):
        active, obase = fill_piece(s)

        @pl.when(active)
        def _():
            pltpu.make_async_copy(
                bcast, out_hbm.at[pl.ds(obase, BCAST)], fsem).wait()
            pltpu.make_async_copy(
                bcast, out_hbm.at[pl.ds(obase + BCAST, BCAST)], fsem).wait()


@jax.jit
def _run(lengths4, table):
    k = functools.partial(
        pl.kernel,
        mesh=plsc.VectorSubcoreMesh(core_axis_name="c", subcore_axis_name="s"),
        out_type=jax.ShapeDtypeStruct((B, S, D), jnp.float32),
        scratch_types=[
            pltpu.VMEM((LANES,), jnp.int32),
            pltpu.VMEM((RD, D), jnp.float32),
            pltpu.VMEM((RD, D), jnp.float32),
            pltpu.VMEM((RD, D), jnp.float32),
            pltpu.VMEM((BCAST, D), jnp.float32),
            pltpu.SemaphoreType.DMA,
            pltpu.SemaphoreType.DMA,
            pltpu.SemaphoreType.DMA,
            pltpu.SemaphoreType.DMA,
            pltpu.SemaphoreType.DMA,
            pltpu.SemaphoreType.DMA,
            pltpu.SemaphoreType.DMA,
            pltpu.SemaphoreType.DMA,
            pltpu.SemaphoreType.DMA,
        ],
    )(_body)
    return k(lengths4, table)


def kernel(input, attention_mask, table):
    return _run(attention_mask[:, 0], table)

# --- scband reference (transcript-rebuilt; emitter-appended) ---
"""Pipeline reference for scband-abs-position-embedding-67207648247875 (READ-ONLY COPY).

The authoritative reference and input builder live on the scoring server;
editing this copy changes nothing except your own understanding.
"""

import jax, jax.numpy as jnp
import numpy as np


def setup_inputs(seed: int = 0) -> dict:
    key = jax.random.key(seed)
    k1, k2, k3 = jax.random.split(key, 3)
    inp = jax.random.normal(k1, (4, 8192), dtype=jnp.float32)
    attention_mask = jax.random.randint(k2, (4, 1), 0, 8192, dtype=jnp.int32)
    # learned embedding table: (max_position, abs_pos_embed_dim)
    table = jax.random.normal(k3, (8192, 128), dtype=jnp.float32) * 0.02
    return {"input": inp, "attention_mask": attention_mask, "table": table}


def reference(input, attention_mask, table):
    # Faithful translation of the torch forward:
    #   pos_init[i][j] = j + 1 for j in [0, attention_mask[i][0]), else 0
    #   return embedding(pos_init.long())
    max_seq_len = input.shape[1]
    pos = jnp.arange(max_seq_len, dtype=jnp.int32)  # [S]
    lengths = attention_mask[:, 0:1]                # [B, 1]
    positions = jnp.where(pos[None, :] < lengths, pos[None, :] + 1, 0)  # [B, S]
    return jnp.take(table, positions, axis=0)       # [B, S, D]

if __name__ == "__main__":
    import jax
    _d = setup_inputs()
    print(jax.jit(kernel)(*tuple(_d.values())))

</pallas_src>

<mosaic_0001>
#map = affine_map<(d0, d1) -> (0)>
#map1 = affine_map<(d0, d1) -> (0, 0)>
#map2 = affine_map<(d0, d1) -> (0, 0, 0)>
module attributes {stable_mosaic.version = 14 : i64} {
  func.func @_body(%arg0: i32, %arg1: i32, %arg2: memref<4xi32, #tpu.memory_space<hbm>>, %arg3: memref<8192x128xf32, #tpu.memory_space<hbm>>, %arg4: memref<4x8192x128xf32, #tpu.memory_space<hbm>>, %arg5: memref<16xi32, #tpu.memory_space<vmem>>, %arg6: memref<264x128xf32, #tpu.memory_space<vmem>>, %arg7: memref<264x128xf32, #tpu.memory_space<vmem>>, %arg8: memref<264x128xf32, #tpu.memory_space<vmem>>, %arg9: memref<128x128xf32, #tpu.memory_space<vmem>>, %arg10: memref<!tpu.dma_semaphore, #tpu.memory_space<semaphore_mem>>, %arg11: memref<!tpu.dma_semaphore, #tpu.memory_space<semaphore_mem>>, %arg12: memref<!tpu.dma_semaphore, #tpu.memory_space<semaphore_mem>>, %arg13: memref<!tpu.dma_semaphore, #tpu.memory_space<semaphore_mem>>, %arg14: memref<!tpu.dma_semaphore, #tpu.memory_space<semaphore_mem>>, %arg15: memref<!tpu.dma_semaphore, #tpu.memory_space<semaphore_mem>>, %arg16: memref<!tpu.dma_semaphore, #tpu.memory_space<semaphore_mem>>, %arg17: memref<!tpu.dma_semaphore, #tpu.memory_space<semaphore_mem>>, %arg18: memref<!tpu.dma_semaphore, #tpu.memory_space<semaphore_mem>>) attributes {dimension_semantics = [#tpu.dimension_semantics<core_parallel>, #tpu.dimension_semantics<subcore_parallel>], iteration_bounds = array<i64: 2, 16>, scalar_prefetch = 0 : i64, scratch_operands = 14 : i64, tpu.core_type = #tpu.core_type<sc_vector_subcore>, window_params = [{transform_indices = #map}, {transform_indices = #map1}, {transform_indices = #map2}]} {
    %mul3A = arith.constant 2 : i32
    %mul3A_0 = arith.muli %arg1, %mul3A : i32
    %add3A = arith.addi %mul3A_0, %arg0 : i32
    %dma_start3A = arith.constant 0 : i32
    %dma_start3A_1 = tpu.memref_slice %arg5[%dma_start3A] : memref<16xi32, #tpu.memory_space<vmem>> -> memref<4xi32, #tpu.memory_space<vmem>>
    %dma_start3A_2 = arith.constant 0 : i32
    %dma_start3A_3 = tpu.memref_slice %arg5[%dma_start3A_2] : memref<16xi32, #tpu.memory_space<vmem>> -> memref<4xi32, #tpu.memory_space<vmem>>
    tpu.enqueue_dma source(%arg2 : memref<4xi32, #tpu.memory_space<hbm>>) target(%dma_start3A_3 : memref<4xi32, #tpu.memory_space<vmem>>) target_semaphore(%arg10 : memref<!tpu.dma_semaphore, #tpu.memory_space<semaphore_mem>>)
    %dma_start3A_4 = arith.constant 0 : i32
    %dma_start3A_5 = arith.constant 0 : i32
    %dma_start3A_6 = tpu.memref_slice %arg9[%dma_start3A_4, %dma_start3A_5] : memref<128x128xf32, #tpu.memory_space<vmem>> -> memref<8x128xf32, #tpu.memory_space<vmem>>
    %dma_start3A_7 = arith.constant 0 : i32
    %dma_start3A_8 = arith.constant 0 : i32
    %dma_start3A_9 = tpu.memref_slice %arg3[%dma_start3A_7, %dma_start3A_8] : memref<8192x128xf32, #tpu.memory_space<hbm>> -> memref<8x128xf32, #tpu.memory_space<hbm>>
    %dma_start3A_10 = arith.constant 0 : i32
    %dma_start3A_11 = arith.constant 0 : i32
    %dma_start3A_12 = tpu.memref_slice %arg9[%dma_start3A_10, %dma_start3A_11] : memref<128x128xf32, #tpu.memory_space<vmem>> -> memref<8x128xf32, #tpu.memory_space<vmem>>
    %dma_start3A_13 = arith.constant 0 : i32
    %dma_start3A_14 = arith.constant 0 : i32
    %dma_start3A_15 = tpu.memref_slice %arg3[%dma_start3A_13, %dma_start3A_14] : memref<8192x128xf32, #tpu.memory_space<hbm>> -> memref<8x128xf32, #tpu.memory_space<hbm>>
    tpu.enqueue_dma source(%dma_start3A_15 : memref<8x128xf32, #tpu.memory_space<hbm>>) target(%dma_start3A_12 : memref<8x128xf32, #tpu.memory_space<vmem>>) target_semaphore(%arg11 : memref<!tpu.dma_semaphore, #tpu.memory_space<semaphore_mem>>)
    %dma_wait3A = arith.constant 0 : i32
    %dma_wait3A_16 = tpu.memref_slice %arg5[%dma_wait3A] : memref<16xi32, #tpu.memory_space<vmem>> -> memref<4xi32, #tpu.memory_space<vmem>>
    %dma_wait3A_17 = arith.constant 0 : i32
    %dma_wait3A_18 = tpu.memref_slice %arg5[%dma_wait3A_17] : memref<16xi32, #tpu.memory_space<vmem>> -> memref<4xi32, #tpu.memory_space<vmem>>
    tpu.wait_dma2 semaphore(%arg10 : memref<!tpu.dma_semaphore, #tpu.memory_space<semaphore_mem>>) src(%arg2 : memref<4xi32, #tpu.memory_space<hbm>>) dst(%dma_wait3A_18 : memref<4xi32, #tpu.memory_space<vmem>>)
    %get3A = arith.constant 0 : index
    %get3A_19 = tpu.vector_load %arg5[%get3A] {strides = array<i32>} : memref<16xi32, #tpu.memory_space<vmem>>, vector<16xi32>,
    %get3A_20 = vector.shape_cast %get3A_19 : vector<16xi32> to vector<16xi32>
    %slice3A = vector.extract_strided_slice %get3A_20 {offsets = [0], sizes = [1], strides = [1]} : vector<16xi32> to vector<1xi32>
    %squeeze3A = vector.extract %slice3A[0] : i32 from vector<1xi32>
    %slice3A_21 = vector.extract_strided_slice %get3A_20 {offsets = [1], sizes = [1], strides = [1]} : vector<16xi32> to vector<1xi32>
    %squeeze3A_22 = vector.extract %slice3A_21[0] : i32 from vector<1xi32>
    %slice3A_23 = vector.extract_strided_slice %get3A_20 {offsets = [2], sizes = [1], strides = [1]} : vector<16xi32> to vector<1xi32>
    %squeeze3A_24 = vector.extract %slice3A_23[0] : i32 from vector<1xi32>
    %slice3A_25 = vector.extract_strided_slice %get3A_20 {offsets = [3], sizes = [1], strides = [1]} : vector<16xi32> to vector<1xi32>
    %squeeze3A_26 = vector.extract %slice3A_25[0] : i32 from vector<1xi32>
    %add3A_27 = arith.constant 256 : i32
    %add3A_28 = arith.addi %squeeze3A, %add3A_27 : i32
    %sub3A = arith.constant 1 : i32
    %sub3A_29 = arith.subi %add3A_28, %sub3A : i32
    %jit3A = arith.constant 256 : i32
    %div3A = arith.divsi %sub3A_29, %jit3A : i32
    %sign3A = arith.constant 0 : i32
    %sign3A_30 = arith.cmpi sgt, %sub3A_29, %sign3A : i32
    %sign3A_31 = arith.extui %sign3A_30 : i1 to i32
    %sign3A_32 = arith.constant 0 : i32
    %sign3A_33 = arith.cmpi slt, %sub3A_29, %sign3A_32 : i32
    %sign3A_34 = arith.extui %sign3A_33 : i1 to i32
    %sign3A_35 = arith.subi %sign3A_31, %sign3A_34 : i32
    %sign3A_36 = arith.constant 0 : i32
    %sign3A_37 = arith.cmpi sgt, %jit3A, %sign3A_36 : i32
    %sign3A_38 = arith.extui %sign3A_37 : i1 to i32
    %sign3A_39 = arith.constant 0 : i32
    %sign3A_40 = arith.cmpi slt, %jit3A, %sign3A_39 : i32
    %sign3A_41 = arith.extui %sign3A_40 : i1 to i32
    %sign3A_42 = arith.subi %sign3A_38, %sign3A_41 : i32
    %ne3A = arith.cmpi ne, %sign3A_35, %sign3A_42 : i32
    %rem3A = arith.remsi %sub3A_29, %jit3A : i32
    %ne3A_43 = arith.constant 0 : i32
    %ne3A_44 = arith.cmpi ne, %rem3A, %ne3A_43 : i32
    %and3A = arith.andi %ne3A, %ne3A_44 : i1
    %sub3A_45 = arith.constant 1 : i32
    %sub3A_46 = arith.subi %div3A, %sub3A_45 : i32
    %select_n3A = arith.select %and3A, %sub3A_46, %div3A : i32
    %add3A_47 = arith.constant 256 : i32
    %add3A_48 = arith.addi %squeeze3A_22, %add3A_47 : i32
    %sub3A_49 = arith.constant 1 : i32
    %sub3A_50 = arith.subi %add3A_48, %sub3A_49 : i32
    %jit3A_51 = arith.constant 256 : i32
    %div3A_52 = arith.divsi %sub3A_50, %jit3A_51 : i32
    %sign3A_53 = arith.constant 0 : i32
    %sign3A_54 = arith.cmpi sgt, %sub3A_50, %sign3A_53 : i32
    %sign3A_55 = arith.extui %sign3A_54 : i1 to i32
    %sign3A_56 = arith.constant 0 : i32
    %sign3A_57 = arith.cmpi slt, %sub3A_50, %sign3A_56 : i32
    %sign3A_58 = arith.extui %sign3A_57 : i1 to i32
    %sign3A_59 = arith.subi %sign3A_55, %sign3A_58 : i32
    %sign3A_60 = arith.constant 0 : i32
    %sign3A_61 = arith.cmpi sgt, %jit3A_51, %sign3A_60 : i32
    %sign3A_62 = arith.extui %sign3A_61 : i1 to i32
    %sign3A_63 = arith.constant 0 : i32
    %sign3A_64 = arith.cmpi slt, %jit3A_51, %sign3A_63 : i32
    %sign3A_65 = arith.extui %sign3A_64 : i1 to i32
    %sign3A_66 = arith.subi %sign3A_62, %sign3A_65 : i32
    %ne3A_67 = arith.cmpi ne, %sign3A_59, %sign3A_66 : i32
    %rem3A_68 = arith.remsi %sub3A_50, %jit3A_51 : i32
    %ne3A_69 = arith.constant 0 : i32
    %ne3A_70 = arith.cmpi ne, %rem3A_68, %ne3A_69 : i32
    %and3A_71 = arith.andi %ne3A_67, %ne3A_70 : i1
    %sub3A_72 = arith.constant 1 : i32
    %sub3A_73 = arith.subi %div3A_52, %sub3A_72 : i32
    %select_n3A_74 = arith.select %and3A_71, %sub3A_73, %div3A_52 : i32
    %add3A_75 = arith.constant 256 : i32
    %add3A_76 = arith.addi %squeeze3A_24, %add3A_75 : i32
    %sub3A_77 = arith.constant 1 : i32
    %sub3A_78 = arith.subi %add3A_76, %sub3A_77 : i32
    %jit3A_79 = arith.constant 256 : i32
    %div3A_80 = arith.divsi %sub3A_78, %jit3A_79 : i32
    %sign3A_81 = arith.constant 0 : i32
    %sign3A_82 = arith.cmpi sgt, %sub3A_78, %sign3A_81 : i32
    %sign3A_83 = arith.extui %sign3A_82 : i1 to i32
    %sign3A_84 = arith.constant 0 : i32
    %sign3A_85 = arith.cmpi slt, %sub3A_78, %sign3A_84 : i32
    %sign3A_86 = arith.extui %sign3A_85 : i1 to i32
    %sign3A_87 = arith.subi %sign3A_83, %sign3A_86 : i32
    %sign3A_88 = arith.constant 0 : i32
    %sign3A_89 = arith.cmpi sgt, %jit3A_79, %sign3A_88 : i32
    %sign3A_90 = arith.extui %sign3A_89 : i1 to i32
    %sign3A_91 = arith.constant 0 : i32
    %sign3A_92 = arith.cmpi slt, %jit3A_79, %sign3A_91 : i32
    %sign3A_93 = arith.extui %sign3A_92 : i1 to i32
    %sign3A_94 = arith.subi %sign3A_90, %sign3A_93 : i32
    %ne3A_95 = arith.cmpi ne, %sign3A_87, %sign3A_94 : i32
    %rem3A_96 = arith.remsi %sub3A_78, %jit3A_79 : i32
    %ne3A_97 = arith.constant 0 : i32
    %ne3A_98 = arith.cmpi ne, %rem3A_96, %ne3A_97 : i32
    %and3A_99 = arith.andi %ne3A_95, %ne3A_98 : i1
    %sub3A_100 = arith.constant 1 : i32
    %sub3A_101 = arith.subi %div3A_80, %sub3A_100 : i32
    %select_n3A_102 = arith.select %and3A_99, %sub3A_101, %div3A_80 : i32
    %add3A_103 = arith.constant 256 : i32
    %add3A_104 = arith.addi %squeeze3A_26, %add3A_103 : i32
    %sub3A_105 = arith.constant 1 : i32
    %sub3A_106 = arith.subi %add3A_104, %sub3A_105 : i32
    %jit3A_107 = arith.constant 256 : i32
    %div3A_108 = arith.divsi %sub3A_106, %jit3A_107 : i32
    %sign3A_109 = arith.constant 0 : i32
    %sign3A_110 = arith.cmpi sgt, %sub3A_106, %sign3A_109 : i32
    %sign3A_111 = arith.extui %sign3A_110 : i1 to i32
    %sign3A_112 = arith.constant 0 : i32
    %sign3A_113 = arith.cmpi slt, %sub3A_106, %sign3A_112 : i32
    %sign3A_114 = arith.extui %sign3A_113 : i1 to i32
    %sign3A_115 = arith.subi %sign3A_111, %sign3A_114 : i32
    %sign3A_116 = arith.constant 0 : i32
    %sign3A_117 = arith.cmpi sgt, %jit3A_107, %sign3A_116 : i32
    %sign3A_118 = arith.extui %sign3A_117 : i1 to i32
    %sign3A_119 = arith.constant 0 : i32
    %sign3A_120 = arith.cmpi slt, %jit3A_107, %sign3A_119 : i32
    %sign3A_121 = arith.extui %sign3A_120 : i1 to i32
    %sign3A_122 = arith.subi %sign3A_118, %sign3A_121 : i32
    %ne3A_123 = arith.cmpi ne, %sign3A_115, %sign3A_122 : i32
    %rem3A_124 = arith.remsi %sub3A_106, %jit3A_107 : i32
    %ne3A_125 = arith.constant 0 : i32
    %ne3A_126 = arith.cmpi ne, %rem3A_124, %ne3A_125 : i32
    %and3A_127 = arith.andi %ne3A_123, %ne3A_126 : i1
    %sub3A_128 = arith.constant 1 : i32
    %sub3A_129 = arith.subi %div3A_108, %sub3A_128 : i32
    %select_n3A_130 = arith.select %and3A_127, %sub3A_129, %div3A_108 : i32
    %add3A_131 = arith.addi %select_n3A, %select_n3A_74 : i32
    %add3A_132 = arith.addi %select_n3A, %select_n3A_74 : i32
    %add3A_133 = arith.addi %add3A_132, %select_n3A_102 : i32
    %add3A_134 = arith.addi %add3A_133, %select_n3A_130 : i32
    %sub3A_135 = arith.constant 128 : i32
    %sub3A_136 = arith.subi %sub3A_135, %add3A_134 : i32
    %sub3A_137 = arith.constant 32 : i32
    %sub3A_138 = arith.subi %sub3A_137, %select_n3A : i32
    %add3A_139 = arith.constant 32 : i32
    %add3A_140 = arith.addi %sub3A_138, %add3A_139 : i32
    %sub3A_141 = arith.subi %add3A_140, %select_n3A_74 : i32
    %add3A_142 = arith.constant 32 : i32
    %add3A_143 = arith.addi %sub3A_141, %add3A_142 : i32
    %sub3A_144 = arith.subi %add3A_143, %select_n3A_102 : i32
    %mul3A_145 = arith.muli %add3A, %add3A_134 : i32
    %add3A_146 = arith.constant 32 : i32
    %add3A_147 = arith.addi %mul3A_145, %add3A_146 : i32
    %sub3A_148 = arith.constant 1 : i32
    %sub3A_149 = arith.subi %add3A_147, %sub3A_148 : i32
    %jit3A_150 = arith.constant 32 : i32
    %div3A_151 = arith.divsi %sub3A_149, %jit3A_150 : i32
    %sign3A_152 = arith.constant 0 : i32
    %sign3A_153 = arith.cmpi sgt, %sub3A_149, %sign3A_152 : i32
    %sign3A_154 = arith.extui %sign3A_153 : i1 to i32
    %sign3A_155 = arith.constant 0 : i32
    %sign3A_156 = arith.cmpi slt, %sub3A_149, %sign3A_155 : i32
    %sign3A_157 = arith.extui %sign3A_156 : i1 to i32
    %sign3A_158 = arith.subi %sign3A_154, %sign3A_157 : i32
    %sign3A_159 = arith.constant 0 : i32
    %sign3A_160 = arith.cmpi sgt, %jit3A_150, %sign3A_159 : i32
    %sign3A_161 = arith.extui %sign3A_160 : i1 to i32
    %sign3A_162 = arith.constant 0 : i32
    %sign3A_163 = arith.cmpi slt, %jit3A_150, %sign3A_162 : i32
    %sign3A_164 = arith.extui %sign3A_163 : i1 to i32
    %sign3A_165 = arith.subi %sign3A_161, %sign3A_164 : i32
    %ne3A_166 = arith.cmpi ne, %sign3A_158, %sign3A_165 : i32
    %rem3A_167 = arith.remsi %sub3A_149, %jit3A_150 : i32
    %ne3A_168 = arith.constant 0 : i32
    %ne3A_169 = arith.cmpi ne, %rem3A_167, %ne3A_168 : i32
    %and3A_170 = arith.andi %ne3A_166, %ne3A_169 : i1
    %sub3A_171 = arith.constant 1 : i32
    %sub3A_172 = arith.subi %div3A_151, %sub3A_171 : i32
    %select_n3A_173 = arith.select %and3A_170, %sub3A_172, %div3A_151 : i32
    %add3A_174 = arith.constant 1 : i32
    %add3A_175 = arith.addi %add3A, %add3A_174 : i32
    %mul3A_176 = arith.muli %add3A_175, %add3A_134 : i32
    %add3A_177 = arith.constant 32 : i32
    %add3A_178 = arith.addi %mul3A_176, %add3A_177 : i32
    %sub3A_179 = arith.constant 1 : i32
    %sub3A_180 = arith.subi %add3A_178, %sub3A_179 : i32
    %jit3A_181 = arith.constant 32 : i32
    %div3A_182 = arith.divsi %sub3A_180, %jit3A_181 : i32
    %sign3A_183 = arith.constant 0 : i32
    %sign3A_184 = arith.cmpi sgt, %sub3A_180, %sign3A_183 : i32
    %sign3A_185 = arith.extui %sign3A_184 : i1 to i32
    %sign3A_186 = arith.constant 0 : i32
    %sign3A_187 = arith.cmpi slt, %sub3A_180, %sign3A_186 : i32
    %sign3A_188 = arith.extui %sign3A_187 : i1 to i32
    %sign3A_189 = arith.subi %sign3A_185, %sign3A_188 : i32
    %sign3A_190 = arith.constant 0 : i32
    %sign3A_191 = arith.cmpi sgt, %jit3A_181, %sign3A_190 : i32
    %sign3A_192 = arith.extui %sign3A_191 : i1 to i32
    %sign3A_193 = arith.constant 0 : i32
    %sign3A_194 = arith.cmpi slt, %jit3A_181, %sign3A_193 : i32
    %sign3A_195 = arith.extui %sign3A_194 : i1 to i32
    %sign3A_196 = arith.subi %sign3A_192, %sign3A_195 : i32
    %ne3A_197 = arith.cmpi ne, %sign3A_189, %sign3A_196 : i32
    %rem3A_198 = arith.remsi %sub3A_180, %jit3A_181 : i32
    %ne3A_199 = arith.constant 0 : i32
    %ne3A_200 = arith.cmpi ne, %rem3A_198, %ne3A_199 : i32
    %and3A_201 = arith.andi %ne3A_197, %ne3A_200 : i1
    %sub3A_202 = arith.constant 1 : i32
    %sub3A_203 = arith.subi %div3A_182, %sub3A_202 : i32
    %select_n3A_204 = arith.select %and3A_201, %sub3A_203, %div3A_182 : i32
    %sub3A_205 = arith.constant 31 : i32
    %sub3A_206 = arith.subi %sub3A_205, %add3A : i32
    %mul3A_207 = arith.muli %sub3A_206, %sub3A_136 : i32
    %add3A_208 = arith.constant 32 : i32
    %add3A_209 = arith.addi %mul3A_207, %add3A_208 : i32
    %sub3A_210 = arith.constant 1 : i32
    %sub3A_211 = arith.subi %add3A_209, %sub3A_210 : i32
    %jit3A_212 = arith.constant 32 : i32
    %div3A_213 = arith.divsi %sub3A_211, %jit3A_212 : i32
    %sign3A_214 = arith.constant 0 : i32
    %sign3A_215 = arith.cmpi sgt, %sub3A_211, %sign3A_214 : i32
    %sign3A_216 = arith.extui %sign3A_215 : i1 to i32
    %sign3A_217 = arith.constant 0 : i32
    %sign3A_218 = arith.cmpi slt, %sub3A_211, %sign3A_217 : i32
    %sign3A_219 = arith.extui %sign3A_218 : i1 to i32
    %sign3A_220 = arith.subi %sign3A_216, %sign3A_219 : i32
    %sign3A_221 = arith.constant 0 : i32
    %sign3A_222 = arith.cmpi sgt, %jit3A_212, %sign3A_221 : i32
    %sign3A_223 = arith.extui %sign3A_222 : i1 to i32
    %sign3A_224 = arith.constant 0 : i32
    %sign3A_225 = arith.cmpi slt, %jit3A_212, %sign3A_224 : i32
    %sign3A_226 = arith.extui %sign3A_225 : i1 to i32
    %sign3A_227 = arith.subi %sign3A_223, %sign3A_226 : i32
    %ne3A_228 = arith.cmpi ne, %sign3A_220, %sign3A_227 : i32
    %rem3A_229 = arith.remsi %sub3A_211, %jit3A_212 : i32
    %ne3A_230 = arith.constant 0 : i32
    %ne3A_231 = arith.cmpi ne, %rem3A_229, %ne3A_230 : i32
    %and3A_232 = arith.andi %ne3A_228, %ne3A_231 : i1
    %sub3A_233 = arith.constant 1 : i32
    %sub3A_234 = arith.subi %div3A_213, %sub3A_233 : i32
    %select_n3A_235 = arith.select %and3A_232, %sub3A_234, %div3A_213 : i32
    %add3A_236 = arith.constant 1 : i32
    %add3A_237 = arith.addi %sub3A_206, %add3A_236 : i32
    %mul3A_238 = arith.muli %add3A_237, %sub3A_136 : i32
    %add3A_239 = arith.constant 32 : i32
    %add3A_240 = arith.addi %mul3A_238, %add3A_239 : i32
    %sub3A_241 = arith.constant 1 : i32
    %sub3A_242 = arith.subi %add3A_240, %sub3A_241 : i32
    %jit3A_243 = arith.constant 32 : i32
    %div3A_244 = arith.divsi %sub3A_242, %jit3A_243 : i32
    %sign3A_245 = arith.constant 0 : i32
    %sign3A_246 = arith.cmpi sgt, %sub3A_242, %sign3A_245 : i32
    %sign3A_247 = arith.extui %sign3A_246 : i1 to i32
    %sign3A_248 = arith.constant 0 : i32
    %sign3A_249 = arith.cmpi slt, %sub3A_242, %sign3A_248 : i32
    %sign3A_250 = arith.extui %sign3A_249 : i1 to i32
    %sign3A_251 = arith.subi %sign3A_247, %sign3A_250 : i32
    %sign3A_252 = arith.constant 0 : i32
    %sign3A_253 = arith.cmpi sgt, %jit3A_243, %sign3A_252 : i32
    %sign3A_254 = arith.extui %sign3A_253 : i1 to i32
    %sign3A_255 = arith.constant 0 : i32
    %sign3A_256 = arith.cmpi slt, %jit3A_243, %sign3A_255 : i32
    %sign3A_257 = arith.extui %sign3A_256 : i1 to i32
    %sign3A_258 = arith.subi %sign3A_254, %sign3A_257 : i32
    %ne3A_259 = arith.cmpi ne, %sign3A_251, %sign3A_258 : i32
    %rem3A_260 = arith.remsi %sub3A_242, %jit3A_243 : i32
    %ne3A_261 = arith.constant 0 : i32
    %ne3A_262 = arith.cmpi ne, %rem3A_260, %ne3A_261 : i32
    %and3A_263 = arith.andi %ne3A_259, %ne3A_262 : i1
    %sub3A_264 = arith.constant 1 : i32
    %sub3A_265 = arith.subi %div3A_244, %sub3A_264 : i32
    %select_n3A_266 = arith.select %and3A_263, %sub3A_265, %div3A_244 : i32
    %add3A_267 = arith.constant 0 : i32
    %add3A_268 = arith.addi %select_n3A_173, %add3A_267 : i32
    %ge3A = arith.cmpi sge, %add3A_268, %select_n3A : i32
    %convert_element_type3A = arith.extui %ge3A : i1 to i32
    %ge3A_269 = arith.cmpi sge, %add3A_268, %add3A_131 : i32
    %convert_element_type3A_270 = arith.extui %ge3A_269 : i1 to i32
    %add3A_271 = arith.addi %convert_element_type3A, %convert_element_type3A_270 : i32
    %ge3A_272 = arith.cmpi sge, %add3A_268, %add3A_133 : i32
    %convert_element_type3A_273 = arith.extui %ge3A_272 : i1 to i32
    %add3A_274 = arith.addi %add3A_271, %convert_element_type3A_273 : i32
    %eq3A = arith.constant 0 : i32
    %eq3A_275 = arith.cmpi eq, %add3A_274, %eq3A : i32
    %eq3A_276 = arith.constant 1 : i32
    %eq3A_277 = arith.cmpi eq, %add3A_274, %eq3A_276 : i32
    %eq3A_278 = arith.constant 2 : i32
    %eq3A_279 = arith.cmpi eq, %add3A_274, %eq3A_278 : i32
    %select_n3A_280 = arith.select %eq3A_279, %add3A_131, %add3A_133 : i32
    %select_n3A_281 = arith.select %eq3A_277, %select_n3A, %select_n3A_280 : i32
    %jit3A_282 = arith.constant 0 : i32
    %select_n3A_283 = arith.select %eq3A_275, %jit3A_282, %select_n3A_281 : i32
    %sub3A_284 = arith.subi %add3A_268, %select_n3A_283 : i32
    %mul3A_285 = arith.constant 256 : i32
    %mul3A_286 = arith.muli %sub3A_284, %mul3A_285 : i32
    %eq3A_287 = arith.constant 0 : i32
    %eq3A_288 = arith.cmpi eq, %add3A_274, %eq3A_287 : i32
    %eq3A_289 = arith.constant 1 : i32
    %eq3A_290 = arith.cmpi eq, %add3A_274, %eq3A_289 : i32
    %eq3A_291 = arith.constant 2 : i32
    %eq3A_292 = arith.cmpi eq, %add3A_274, %eq3A_291 : i32
    %select_n3A_293 = arith.select %eq3A_292, %squeeze3A_24, %squeeze3A_26 : i32
    %select_n3A_294 = arith.select %eq3A_290, %squeeze3A_22, %select_n3A_293 : i32
    %select_n3A_295 = arith.select %eq3A_288, %squeeze3A, %select_n3A_294 : i32
    %lt3A = arith.cmpi slt, %add3A_268, %select_n3A_204 : i32
    %add3A_296 = arith.constant 0 : i32
    %add3A_297 = arith.addi %select_n3A_173, %add3A_296 : i32
    %ge3A_298 = arith.cmpi sge, %add3A_297, %select_n3A : i32
    %convert_element_type3A_299 = arith.extui %ge3A_298 : i1 to i32
    %ge3A_300 = arith.cmpi sge, %add3A_297, %add3A_131 : i32
    %convert_element_type3A_301 = arith.extui %ge3A_300 : i1 to i32
    %add3A_302 = arith.addi %convert_element_type3A_299, %convert_element_type3A_301 : i32
    %ge3A_303 = arith.cmpi sge, %add3A_297, %add3A_133 : i32
    %convert_element_type3A_304 = arith.extui %ge3A_303 : i1 to i32
    %add3A_305 = arith.addi %add3A_302, %convert_element_type3A_304 : i32
    %eq3A_306 = arith.constant 0 : i32
    %eq3A_307 = arith.cmpi eq, %add3A_305, %eq3A_306 : i32
    %eq3A_308 = arith.constant 1 : i32
    %eq3A_309 = arith.cmpi eq, %add3A_305, %eq3A_308 : i32
    %eq3A_310 = arith.constant 2 : i32
    %eq3A_311 = arith.cmpi eq, %add3A_305, %eq3A_310 : i32
    %select_n3A_312 = arith.select %eq3A_311, %add3A_131, %add3A_133 : i32
    %select_n3A_313 = arith.select %eq3A_309, %select_n3A, %select_n3A_312 : i32
    %jit3A_314 = arith.constant 0 : i32
    %select_n3A_315 = arith.select %eq3A_307, %jit3A_314, %select_n3A_313 : i32
    %sub3A_316 = arith.subi %add3A_297, %select_n3A_315 : i32
    %mul3A_317 = arith.constant 256 : i32
    %mul3A_318 = arith.muli %sub3A_316, %mul3A_317 : i32
    %eq3A_319 = arith.constant 0 : i32
    %eq3A_320 = arith.cmpi eq, %add3A_305, %eq3A_319 : i32
    %eq3A_321 = arith.constant 1 : i32
    %eq3A_322 = arith.cmpi eq, %add3A_305, %eq3A_321 : i32
    %eq3A_323 = arith.constant 2 : i32
    %eq3A_324 = arith.cmpi eq, %add3A_305, %eq3A_323 : i32
    %select_n3A_325 = arith.select %eq3A_324, %squeeze3A_24, %squeeze3A_26 : i32
    %select_n3A_326 = arith.select %eq3A_322, %squeeze3A_22, %select_n3A_325 : i32
    %select_n3A_327 = arith.select %eq3A_320, %squeeze3A, %select_n3A_326 : i32
    %lt3A_328 = arith.cmpi slt, %add3A_297, %select_n3A_204 : i32
    %convert_element_type3A_329 = arith.extui %lt3A : i1 to i32
    %cond3A = arith.constant 0 : i32
    %cond3A_330 = arith.cmpi ne, %convert_element_type3A_329, %cond3A : i32
    scf.if %cond3A_330 {
      %eq3A_1622 = arith.constant 7936 : i32
      %eq3A_1623 = arith.cmpi eq, %mul3A_286, %eq3A_1622 : i32
      %convert_element_type3A_1624 = arith.extui %eq3A_1623 : i1 to i32
      %cond3A_1625 = arith.constant 0 : i32
      %cond3A_1626 = arith.cmpi ne, %convert_element_type3A_1624, %cond3A_1625 : i32
      scf.if %cond3A_1626 {
        %dma_start3A_1632 = arith.constant 0 : i32
        %dma_start3A_1633 = arith.constant 0 : i32
        %dma_start3A_1634 = tpu.memref_slice %arg6[%dma_start3A_1632, %dma_start3A_1633] : memref<264x128xf32, #tpu.memory_space<vmem>> -> memref<256x128xf32, #tpu.memory_space<vmem>>
        %dma_start3A_1635 = arith.constant 0 : i32
        %dma_start3A_1636 = tpu.memref_slice %arg3[%mul3A_318, %dma_start3A_1635] : memref<8192x128xf32, #tpu.memory_space<hbm>> -> memref<256x128xf32, #tpu.memory_space<hbm>>
        %dma_start3A_1637 = arith.constant 0 : i32
        %dma_start3A_1638 = arith.constant 0 : i32
        %dma_start3A_1639 = tpu.memref_slice %arg6[%dma_start3A_1637, %dma_start3A_1638] : memref<264x128xf32, #tpu.memory_space<vmem>> -> memref<256x128xf32, #tpu.memory_space<vmem>>
        %dma_start3A_1640 = arith.constant 0 : i32
        %dma_start3A_1641 = tpu.memref_slice %arg3[%mul3A_318, %dma_start3A_1640] : memref<8192x128xf32, #tpu.memory_space<hbm>> -> memref<256x128xf32, #tpu.memory_space<hbm>>
        tpu.enqueue_dma source(%dma_start3A_1641 : memref<256x128xf32, #tpu.memory_space<hbm>>) target(%dma_start3A_1639 : memref<256x128xf32, #tpu.memory_space<vmem>>) target_semaphore(%arg13 : memref<!tpu.dma_semaphore, #tpu.memory_space<semaphore_mem>>)
      } else {
      }
      %ne3A_1627 = arith.constant 7936 : i32
      %ne3A_1628 = arith.cmpi ne, %mul3A_286, %ne3A_1627 : i32
      %convert_element_type3A_1629 = arith.extui %ne3A_1628 : i1 to i32
      %cond3A_1630 = arith.constant 0 : i32
      %cond3A_1631 = arith.cmpi ne, %convert_element_type3A_1629, %cond3A_1630 : i32
      scf.if %cond3A_1631 {
        %dma_start3A_1632 = arith.constant 0 : i32
        %dma_start3A_1633 = arith.constant 0 : i32
        %dma_start3A_1634 = tpu.memref_slice %arg6[%dma_start3A_1632, %dma_start3A_1633] : memref<264x128xf32, #tpu.memory_space<vmem>> -> memref<264x128xf32, #tpu.memory_space<vmem>>
        %dma_start3A_1635 = arith.constant 0 : i32
        %dma_start3A_1636 = tpu.memref_slice %arg3[%mul3A_318, %dma_start3A_1635] : memref<8192x128xf32, #tpu.memory_space<hbm>> -> memref<264x128xf32, #tpu.memory_space<hbm>>
        %dma_start3A_1637 = arith.constant 0 : i32
        %dma_start3A_1638 = arith.constant 0 : i32
        %dma_start3A_1639 = tpu.memref_slice %arg6[%dma_start3A_1637, %dma_start3A_1638] : memref<264x128xf32, #tpu.memory_space<vmem>> -> memref<264x128xf32, #tpu.memory_space<vmem>>
        %dma_start3A_1640 = arith.constant 0 : i32
        %dma_start3A_1641 = tpu.memref_slice %arg3[%mul3A_318, %dma_start3A_1640] : memref<8192x128xf32, #tpu.memory_space<hbm>> -> memref<264x128xf32, #tpu.memory_space<hbm>>
        tpu.enqueue_dma source(%dma_start3A_1641 : memref<264x128xf32, #tpu.memory_space<hbm>>) target(%dma_start3A_1639 : memref<264x128xf32, #tpu.memory_space<vmem>>) target_semaphore(%arg13 : memref<!tpu.dma_semaphore, #tpu.memory_space<semaphore_mem>>)
      } else {
      }
    } else {
    }
    %add3A_331 = arith.constant 1 : i32
    %add3A_332 = arith.addi %select_n3A_173, %add3A_331 : i32
    %ge3A_333 = arith.cmpi sge, %add3A_332, %select_n3A : i32
    %convert_element_type3A_334 = arith.extui %ge3A_333 : i1 to i32
    %ge3A_335 = arith.cmpi sge, %add3A_332, %add3A_131 : i32
    %convert_element_type3A_336 = arith.extui %ge3A_335 : i1 to i32
    %add3A_337 = arith.addi %convert_element_type3A_334, %convert_element_type3A_336 : i32
    %ge3A_338 = arith.cmpi sge, %add3A_332, %add3A_133 : i32
    %convert_element_type3A_339 = arith.extui %ge3A_338 : i1 to i32
    %add3A_340 = arith.addi %add3A_337, %convert_element_type3A_339 : i32
    %eq3A_341 = arith.constant 0 : i32
    %eq3A_342 = arith.cmpi eq, %add3A_340, %eq3A_341 : i32
    %eq3A_343 = arith.constant 1 : i32
    %eq3A_344 = arith.cmpi eq, %add3A_340, %eq3A_343 : i32
    %eq3A_345 = arith.constant 2 : i32
    %eq3A_346 = arith.cmpi eq, %add3A_340, %eq3A_345 : i32
    %select_n3A_347 = arith.select %eq3A_346, %add3A_131, %add3A_133 : i32
    %select_n3A_348 = arith.select %eq3A_344, %select_n3A, %select_n3A_347 : i32
    %jit3A_349 = arith.constant 0 : i32
    %select_n3A_350 = arith.select %eq3A_342, %jit3A_349, %select_n3A_348 : i32
    %sub3A_351 = arith.subi %add3A_332, %select_n3A_350 : i32
    %mul3A_352 = arith.constant 256 : i32
    %mul3A_353 = arith.muli %sub3A_351, %mul3A_352 : i32
    %eq3A_354 = arith.constant 0 : i32
    %eq3A_355 = arith.cmpi eq, %add3A_340, %eq3A_354 : i32
    %eq3A_356 = arith.constant 1 : i32
    %eq3A_357 = arith.cmpi eq, %add3A_340, %eq3A_356 : i32
    %eq3A_358 = arith.constant 2 : i32
    %eq3A_359 = arith.cmpi eq, %add3A_340, %eq3A_358 : i32
    %select_n3A_360 = arith.select %eq3A_359, %squeeze3A_24, %squeeze3A_26 : i32
    %select_n3A_361 = arith.select %eq3A_357, %squeeze3A_22, %select_n3A_360 : i32
    %select_n3A_362 = arith.select %eq3A_355, %squeeze3A, %select_n3A_361 : i32
    %lt3A_363 = arith.cmpi slt, %add3A_332, %select_n3A_204 : i32
    %add3A_364 = arith.constant 1 : i32
    %add3A_365 = arith.addi %select_n3A_173, %add3A_364 : i32
    %ge3A_366 = arith.cmpi sge, %add3A_365, %select_n3A : i32
    %convert_element_type3A_367 = arith.extui %ge3A_366 : i1 to i32
    %ge3A_368 = arith.cmpi sge, %add3A_365, %add3A_131 : i32
    %convert_element_type3A_369 = arith.extui %ge3A_368 : i1 to i32
    %add3A_370 = arith.addi %convert_element_type3A_367, %convert_element_type3A_369 : i32
    %ge3A_371 = arith.cmpi sge, %add3A_365, %add3A_133 : i32
    %convert_element_type3A_372 = arith.extui %ge3A_371 : i1 to i32
    %add3A_373 = arith.addi %add3A_370, %convert_element_type3A_372 : i32
    %eq3A_374 = arith.constant 0 : i32
    %eq3A_375 = arith.cmpi eq, %add3A_373, %eq3A_374 : i32
    %eq3A_376 = arith.constant 1 : i32
    %eq3A_377 = arith.cmpi eq, %add3A_373, %eq3A_376 : i32
    %eq3A_378 = arith.constant 2 : i32
    %eq3A_379 = arith.cmpi eq, %add3A_373, %eq3A_378 : i32
    %select_n3A_380 = arith.select %eq3A_379, %add3A_131, %add3A_133 : i32
    %select_n3A_381 = arith.select %eq3A_377, %select_n3A, %select_n3A_380 : i32
    %jit3A_382 = arith.constant 0 : i32
    %select_n3A_383 = arith.select %eq3A_375, %jit3A_382, %select_n3A_381 : i32
    %sub3A_384 = arith.subi %add3A_365, %select_n3A_383 : i32
    %mul3A_385 = arith.constant 256 : i32
    %mul3A_386 = arith.muli %sub3A_384, %mul3A_385 : i32
    %eq3A_387 = arith.constant 0 : i32
    %eq3A_388 = arith.cmpi eq, %add3A_373, %eq3A_387 : i32
    %eq3A_389 = arith.constant 1 : i32
    %eq3A_390 = arith.cmpi eq, %add3A_373, %eq3A_389 : i32
    %eq3A_391 = arith.constant 2 : i32
    %eq3A_392 = arith.cmpi eq, %add3A_373, %eq3A_391 : i32
    %select_n3A_393 = arith.select %eq3A_392, %squeeze3A_24, %squeeze3A_26 : i32
    %select_n3A_394 = arith.select %eq3A_390, %squeeze3A_22, %select_n3A_393 : i32
    %select_n3A_395 = arith.select %eq3A_388, %squeeze3A, %select_n3A_394 : i32
    %lt3A_396 = arith.cmpi slt, %add3A_365, %select_n3A_204 : i32
    %convert_element_type3A_397 = arith.extui %lt3A_363 : i1 to i32
    %cond3A_398 = arith.constant 0 : i32
    %cond3A_399 = arith.cmpi ne, %convert_element_type3A_397, %cond3A_398 : i32
    scf.if %cond3A_399 {
      %eq3A_1622 = arith.constant 7936 : i32
      %eq3A_1623 = arith.cmpi eq, %mul3A_353, %eq3A_1622 : i32
      %convert_element_type3A_1624 = arith.extui %eq3A_1623 : i1 to i32
      %cond3A_1625 = arith.constant 0 : i32
      %cond3A_1626 = arith.cmpi ne, %convert_element_type3A_1624, %cond3A_1625 : i32
      scf.if %cond3A_1626 {
        %dma_start3A_1632 = arith.constant 0 : i32
        %dma_start3A_1633 = arith.constant 0 : i32
        %dma_start3A_1634 = tpu.memref_slice %arg7[%dma_start3A_1632, %dma_start3A_1633] : memref<264x128xf32, #tpu.memory_space<vmem>> -> memref<256x128xf32, #tpu.memory_space<vmem>>
        %dma_start3A_1635 = arith.constant 0 : i32
        %dma_start3A_1636 = tpu.memref_slice %arg3[%mul3A_386, %dma_start3A_1635] : memref<8192x128xf32, #tpu.memory_space<hbm>> -> memref<256x128xf32, #tpu.memory_space<hbm>>
        %dma_start3A_1637 = arith.constant 0 : i32
        %dma_start3A_1638 = arith.constant 0 : i32
        %dma_start3A_1639 = tpu.memref_slice %arg7[%dma_start3A_1637, %dma_start3A_1638] : memref<264x128xf32, #tpu.memory_space<vmem>> -> memref<256x128xf32, #tpu.memory_space<vmem>>
        %dma_start3A_1640 = arith.constant 0 : i32
        %dma_start3A_1641 = tpu.memref_slice %arg3[%mul3A_386, %dma_start3A_1640] : memref<8192x128xf32, #tpu.memory_space<hbm>> -> memref<256x128xf32, #tpu.memory_space<hbm>>
        tpu.enqueue_dma source(%dma_start3A_1641 : memref<256x128xf32, #tpu.memory_space<hbm>>) target(%dma_start3A_1639 : memref<256x128xf32, #tpu.memory_space<vmem>>) target_semaphore(%arg14 : memref<!tpu.dma_semaphore, #tpu.memory_space<semaphore_mem>>)
      } else {
      }
      %ne3A_1627 = arith.constant 7936 : i32
      %ne3A_1628 = arith.cmpi ne, %mul3A_353, %ne3A_1627 : i32
      %convert_element_type3A_1629 = arith.extui %ne3A_1628 : i1 to i32
      %cond3A_1630 = arith.constant 0 : i32
      %cond3A_1631 = arith.cmpi ne, %convert_element_type3A_1629, %cond3A_1630 : i32
      scf.if %cond3A_1631 {
        %dma_start3A_1632 = arith.constant 0 : i32
        %dma_start3A_1633 = arith.constant 0 : i32
        %dma_start3A_1634 = tpu.memref_slice %arg7[%dma_start3A_1632, %dma_start3A_1633] : memref<264x128xf32, #tpu.memory_space<vmem>> -> memref<264x128xf32, #tpu.memory_space<vmem>>
        %dma_start3A_1635 = arith.constant 0 : i32
        %dma_start3A_1636 = tpu.memref_slice %arg3[%mul3A_386, %dma_start3A_1635] : memref<8192x128xf32, #tpu.memory_space<hbm>> -> memref<264x128xf32, #tpu.memory_space<hbm>>
        %dma_start3A_1637 = arith.constant 0 : i32
        %dma_start3A_1638 = arith.constant 0 : i32
        %dma_start3A_1639 = tpu.memref_slice %arg7[%dma_start3A_1637, %dma_start3A_1638] : memref<264x128xf32, #tpu.memory_space<vmem>> -> memref<264x128xf32, #tpu.memory_space<vmem>>
        %dma_start3A_1640 = arith.constant 0 : i32
        %dma_start3A_1641 = tpu.memref_slice %arg3[%mul3A_386, %dma_start3A_1640] : memref<8192x128xf32, #tpu.memory_space<hbm>> -> memref<264x128xf32, #tpu.memory_space<hbm>>
        tpu.enqueue_dma source(%dma_start3A_1641 : memref<264x128xf32, #tpu.memory_space<hbm>>) target(%dma_start3A_1639 : memref<264x128xf32, #tpu.memory_space<vmem>>) target_semaphore(%arg14 : memref<!tpu.dma_semaphore, #tpu.memory_space<semaphore_mem>>)
      } else {
      }
    } else {
    }
    %add3A_400 = arith.constant 2 : i32
    %add3A_401 = arith.addi %select_n3A_173, %add3A_400 : i32
    %ge3A_402 = arith.cmpi sge, %add3A_401, %select_n3A : i32
    %convert_element_type3A_403 = arith.extui %ge3A_402 : i1 to i32
    %ge3A_404 = arith.cmpi sge, %add3A_401, %add3A_131 : i32
    %convert_element_type3A_405 = arith.extui %ge3A_404 : i1 to i32
    %add3A_406 = arith.addi %convert_element_type3A_403, %convert_element_type3A_405 : i32
    %ge3A_407 = arith.cmpi sge, %add3A_401, %add3A_133 : i32
    %convert_element_type3A_408 = arith.extui %ge3A_407 : i1 to i32
    %add3A_409 = arith.addi %add3A_406, %convert_element_type3A_408 : i32
    %eq3A_410 = arith.constant 0 : i32
    %eq3A_411 = arith.cmpi eq, %add3A_409, %eq3A_410 : i32
    %eq3A_412 = arith.constant 1 : i32
    %eq3A_413 = arith.cmpi eq, %add3A_409, %eq3A_412 : i32
    %eq3A_414 = arith.constant 2 : i32
    %eq3A_415 = arith.cmpi eq, %add3A_409, %eq3A_414 : i32
    %select_n3A_416 = arith.select %eq3A_415, %add3A_131, %add3A_133 : i32
    %select_n3A_417 = arith.select %eq3A_413, %select_n3A, %select_n3A_416 : i32
    %jit3A_418 = arith.constant 0 : i32
    %select_n3A_419 = arith.select %eq3A_411, %jit3A_418, %select_n3A_417 : i32
    %sub3A_420 = arith.subi %add3A_401, %select_n3A_419 : i32
    %mul3A_421 = arith.constant 256 : i32
    %mul3A_422 = arith.muli %sub3A_420, %mul3A_421 : i32
    %eq3A_423 = arith.constant 0 : i32
    %eq3A_424 = arith.cmpi eq, %add3A_409, %eq3A_423 : i32
    %eq3A_425 = arith.constant 1 : i32
    %eq3A_426 = arith.cmpi eq, %add3A_409, %eq3A_425 : i32
    %eq3A_427 = arith.constant 2 : i32
    %eq3A_428 = arith.cmpi eq, %add3A_409, %eq3A_427 : i32
    %select_n3A_429 = arith.select %eq3A_428, %squeeze3A_24, %squeeze3A_26 : i32
    %select_n3A_430 = arith.select %eq3A_426, %squeeze3A_22, %select_n3A_429 : i32
    %select_n3A_431 = arith.select %eq3A_424, %squeeze3A, %select_n3A_430 : i32
    %lt3A_432 = arith.cmpi slt, %add3A_401, %select_n3A_204 : i32
    %add3A_433 = arith.constant 2 : i32
    %add3A_434 = arith.addi %select_n3A_173, %add3A_433 : i32
    %ge3A_435 = arith.cmpi sge, %add3A_434, %select_n3A : i32
    %convert_element_type3A_436 = arith.extui %ge3A_435 : i1 to i32
    %ge3A_437 = arith.cmpi sge, %add3A_434, %add3A_131 : i32
    %convert_element_type3A_438 = arith.extui %ge3A_437 : i1 to i32
    %add3A_439 = arith.addi %convert_element_type3A_436, %convert_element_type3A_438 : i32
    %ge3A_440 = arith.cmpi sge, %add3A_434, %add3A_133 : i32
    %convert_element_type3A_441 = arith.extui %ge3A_440 : i1 to i32
    %add3A_442 = arith.addi %add3A_439, %convert_element_type3A_441 : i32
    %eq3A_443 = arith.constant 0 : i32
    %eq3A_444 = arith.cmpi eq, %add3A_442, %eq3A_443 : i32
    %eq3A_445 = arith.constant 1 : i32
    %eq3A_446 = arith.cmpi eq, %add3A_442, %eq3A_445 : i32
    %eq3A_447 = arith.constant 2 : i32
    %eq3A_448 = arith.cmpi eq, %add3A_442, %eq3A_447 : i32
    %select_n3A_449 = arith.select %eq3A_448, %add3A_131, %add3A_133 : i32
    %select_n3A_450 = arith.select %eq3A_446, %select_n3A, %select_n3A_449 : i32
    %jit3A_451 = arith.constant 0 : i32
    %select_n3A_452 = arith.select %eq3A_444, %jit3A_451, %select_n3A_450 : i32
    %sub3A_453 = arith.subi %add3A_434, %select_n3A_452 : i32
    %mul3A_454 = arith.constant 256 : i32
    %mul3A_455 = arith.muli %sub3A_453, %mul3A_454 : i32
    %eq3A_456 = arith.constant 0 : i32
    %eq3A_457 = arith.cmpi eq, %add3A_442, %eq3A_456 : i32
    %eq3A_458 = arith.constant 1 : i32
    %eq3A_459 = arith.cmpi eq, %add3A_442, %eq3A_458 : i32
    %eq3A_460 = arith.constant 2 : i32
    %eq3A_461 = arith.cmpi eq, %add3A_442, %eq3A_460 : i32
    %select_n3A_462 = arith.select %eq3A_461, %squeeze3A_24, %squeeze3A_26 : i32
    %select_n3A_463 = arith.select %eq3A_459, %squeeze3A_22, %select_n3A_462 : i32
    %select_n3A_464 = arith.select %eq3A_457, %squeeze3A, %select_n3A_463 : i32
    %lt3A_465 = arith.cmpi slt, %add3A_434, %select_n3A_204 : i32
    %convert_element_type3A_466 = arith.extui %lt3A_432 : i1 to i32
    %cond3A_467 = arith.constant 0 : i32
    %cond3A_468 = arith.cmpi ne, %convert_element_type3A_466, %cond3A_467 : i32
    scf.if %cond3A_468 {
      %eq3A_1622 = arith.constant 7936 : i32
      %eq3A_1623 = arith.cmpi eq, %mul3A_422, %eq3A_1622 : i32
      %convert_element_type3A_1624 = arith.extui %eq3A_1623 : i1 to i32
      %cond3A_1625 = arith.constant 0 : i32
      %cond3A_1626 = arith.cmpi ne, %convert_element_type3A_1624, %cond3A_1625 : i32
      scf.if %cond3A_1626 {
        %dma_start3A_1632 = arith.constant 0 : i32
        %dma_start3A_1633 = arith.constant 0 : i32
        %dma_start3A_1634 = tpu.memref_slice %arg8[%dma_start3A_1632, %dma_start3A_1633] : memref<264x128xf32, #tpu.memory_space<vmem>> -> memref<256x128xf32, #tpu.memory_space<vmem>>
        %dma_start3A_1635 = arith.constant 0 : i32
        %dma_start3A_1636 = tpu.memref_slice %arg3[%mul3A_455, %dma_start3A_1635] : memref<8192x128xf32, #tpu.memory_space<hbm>> -> memref<256x128xf32, #tpu.memory_space<hbm>>
        %dma_start3A_1637 = arith.constant 0 : i32
        %dma_start3A_1638 = arith.constant 0 : i32
        %dma_start3A_1639 = tpu.memref_slice %arg8[%dma_start3A_1637, %dma_start3A_1638] : memref<264x128xf32, #tpu.memory_space<vmem>> -> memref<256x128xf32, #tpu.memory_space<vmem>>
        %dma_start3A_1640 = arith.constant 0 : i32
        %dma_start3A_1641 = tpu.memref_slice %arg3[%mul3A_455, %dma_start3A_1640] : memref<8192x128xf32, #tpu.memory_space<hbm>> -> memref<256x128xf32, #tpu.memory_space<hbm>>
        tpu.enqueue_dma source(%dma_start3A_1641 : memref<256x128xf32, #tpu.memory_space<hbm>>) target(%dma_start3A_1639 : memref<256x128xf32, #tpu.memory_space<vmem>>) target_semaphore(%arg15 : memref<!tpu.dma_semaphore, #tpu.memory_space<semaphore_mem>>)
      } else {
      }
      %ne3A_1627 = arith.constant 7936 : i32
      %ne3A_1628 = arith.cmpi ne, %mul3A_422, %ne3A_1627 : i32
      %convert_element_type3A_1629 = arith.extui %ne3A_1628 : i1 to i32
      %cond3A_1630 = arith.constant 0 : i32
      %cond3A_1631 = arith.cmpi ne, %convert_element_type3A_1629, %cond3A_1630 : i32
      scf.if %cond3A_1631 {
        %dma_start3A_1632 = arith.constant 0 : i32
        %dma_start3A_1633 = arith.constant 0 : i32
        %dma_start3A_1634 = tpu.memref_slice %arg8[%dma_start3A_1632, %dma_start3A_1633] : memref<264x128xf32, #tpu.memory_space<vmem>> -> memref<264x128xf32, #tpu.memory_space<vmem>>
        %dma_start3A_1635 = arith.constant 0 : i32
        %dma_start3A_1636 = tpu.memref_slice %arg3[%mul3A_455, %dma_start3A_1635] : memref<8192x128xf32, #tpu.memory_space<hbm>> -> memref<264x128xf32, #tpu.memory_space<hbm>>
        %dma_start3A_1637 = arith.constant 0 : i32
        %dma_start3A_1638 = arith.constant 0 : i32
        %dma_start3A_1639 = tpu.memref_slice %arg8[%dma_start3A_1637, %dma_start3A_1638] : memref<264x128xf32, #tpu.memory_space<vmem>> -> memref<264x128xf32, #tpu.memory_space<vmem>>
        %dma_start3A_1640 = arith.constant 0 : i32
        %dma_start3A_1641 = tpu.memref_slice %arg3[%mul3A_455, %dma_start3A_1640] : memref<8192x128xf32, #tpu.memory_space<hbm>> -> memref<264x128xf32, #tpu.memory_space<hbm>>
        tpu.enqueue_dma source(%dma_start3A_1641 : memref<264x128xf32, #tpu.memory_space<hbm>>) target(%dma_start3A_1639 : memref<264x128xf32, #tpu.memory_space<vmem>>) target_semaphore(%arg15 : memref<!tpu.dma_semaphore, #tpu.memory_space<semaphore_mem>>)
      } else {
      }
    } else {
    }
    %dma_wait3A_469 = arith.constant 0 : i32
    %dma_wait3A_470 = arith.constant 0 : i32
    %dma_wait3A_471 = tpu.memref_slice %arg9[%dma_wait3A_469, %dma_wait3A_470] : memref<128x128xf32, #tpu.memory_space<vmem>> -> memref<8x128xf32, #tpu.memory_space<vmem>>
    %dma_wait3A_472 = arith.constant 0 : i32
    %dma_wait3A_473 = arith.constant 0 : i32
    %dma_wait3A_474 = tpu.memref_slice %arg3[%dma_wait3A_472, %dma_wait3A_473] : memref<8192x128xf32, #tpu.memory_space<hbm>> -> memref<8x128xf32, #tpu.memory_space<hbm>>
    %dma_wait3A_475 = arith.constant 0 : i32
    %dma_wait3A_476 = arith.constant 0 : i32
    %dma_wait3A_477 = tpu.memref_slice %arg9[%dma_wait3A_475, %dma_wait3A_476] : memref<128x128xf32, #tpu.memory_space<vmem>> -> memref<8x128xf32, #tpu.memory_space<vmem>>
    %dma_wait3A_478 = arith.constant 0 : i32
    %dma_wait3A_479 = arith.constant 0 : i32
    %dma_wait3A_480 = tpu.memref_slice %arg3[%dma_wait3A_478, %dma_wait3A_479] : memref<8192x128xf32, #tpu.memory_space<hbm>> -> memref<8x128xf32, #tpu.memory_space<hbm>>
    tpu.wait_dma2 semaphore(%arg11 : memref<!tpu.dma_semaphore, #tpu.memory_space<semaphore_mem>>) src(%dma_wait3A_480 : memref<8x128xf32, #tpu.memory_space<hbm>>) dst(%dma_wait3A_477 : memref<8x128xf32, #tpu.memory_space<vmem>>)
    %get3A_481 = arith.constant 0 : i32
    %get3A_482 = arith.index_cast %get3A_481 : i32 to index
    %get3A_483 = arith.constant 0 : index
    %get3A_484 = tpu.vector_load %arg9[%get3A_482, %get3A_483] {strides = array<i32>} : memref<128x128xf32, #tpu.memory_space<vmem>>, vector<1x16xf32>,
    %get3A_485 = vector.shape_cast %get3A_484 : vector<1x16xf32> to vector<16xf32>
    %get3A_486 = arith.constant 0 : i32
    %get3A_487 = arith.index_cast %get3A_486 : i32 to index
    %get3A_488 = arith.constant 16 : index
    %get3A_489 = tpu.vector_load %arg9[%get3A_487, %get3A_488] {strides = array<i32>} : memref<128x128xf32, #tpu.memory_space<vmem>>, vector<1x16xf32>,
    %get3A_490 = vector.shape_cast %get3A_489 : vector<1x16xf32> to vector<16xf32>
    %get3A_491 = arith.constant 0 : i32
    %get3A_492 = arith.index_cast %get3A_491 : i32 to index
    %get3A_493 = arith.constant 32 : index
    %get3A_494 = tpu.vector_load %arg9[%get3A_492, %get3A_493] {strides = array<i32>} : memref<128x128xf32, #tpu.memory_space<vmem>>, vector<1x16xf32>,
    %get3A_495 = vector.shape_cast %get3A_494 : vector<1x16xf32> to vector<16xf32>
    %get3A_496 = arith.constant 0 : i32
    %get3A_497 = arith.index_cast %get3A_496 : i32 to index
    %get3A_498 = arith.constant 48 : index
    %get3A_499 = tpu.vector_load %arg9[%get3A_497, %get3A_498] {strides = array<i32>} : memref<128x128xf32, #tpu.memory_space<vmem>>, vector<1x16xf32>,
    %get3A_500 = vector.shape_cast %get3A_499 : vector<1x16xf32> to vector<16xf32>
    %get3A_501 = arith.constant 0 : i32
    %get3A_502 = arith.index_cast %get3A_501 : i32 to index
    %get3A_503 = arith.constant 64 : index
    %get3A_504 = tpu.vector_load %arg9[%get3A_502, %get3A_503] {strides = array<i32>} : memref<128x128xf32, #tpu.memory_space<vmem>>, vector<1x16xf32>,
    %get3A_505 = vector.shape_cast %get3A_504 : vector<1x16xf32> to vector<16xf32>
    %get3A_506 = arith.constant 0 : i32
    %get3A_507 = arith.index_cast %get3A_506 : i32 to index
    %get3A_508 = arith.constant 80 : index
    %get3A_509 = tpu.vector_load %arg9[%get3A_507, %get3A_508] {strides = array<i32>} : memref<128x128xf32, #tpu.memory_space<vmem>>, vector<1x16xf32>,
    %get3A_510 = vector.shape_cast %get3A_509 : vector<1x16xf32> to vector<16xf32>
    %get3A_511 = arith.constant 0 : i32
    %get3A_512 = arith.index_cast %get3A_511 : i32 to index
    %get3A_513 = arith.constant 96 : index
    %get3A_514 = tpu.vector_load %arg9[%get3A_512, %get3A_513] {strides = array<i32>} : memref<128x128xf32, #tpu.memory_space<vmem>>, vector<1x16xf32>,
    %get3A_515 = vector.shape_cast %get3A_514 : vector<1x16xf32> to vector<16xf32>
    %get3A_516 = arith.constant 0 : i32
    %get3A_517 = arith.index_cast %get3A_516 : i32 to index
    %get3A_518 = arith.constant 112 : index
    %get3A_519 = tpu.vector_load %arg9[%get3A_517, %get3A_518] {strides = array<i32>} : memref<128x128xf32, #tpu.memory_space<vmem>>, vector<1x16xf32>,
    %get3A_520 = vector.shape_cast %get3A_519 : vector<1x16xf32> to vector<16xf32>
    %scan3A = arith.constant 0 : i32
    %scan3A_521 = arith.constant 1 : i32
    %scan3A_522 = arith.constant 127 : i32
    %scan3A_523 = arith.addi %scan3A_521, %scan3A_522 : i32
    %scan3A_524 = arith.constant 1 : i32
    scf.for %scan3A_1622 = %scan3A_521 to %scan3A_523 step %scan3A_524  : i32 {
      %swap3A = arith.index_cast %scan3A_1622 : i32 to index
      %swap3A_1623 = arith.constant 0 : index
      %swap3A_1624 = tpu.vector_load %arg9[%swap3A, %swap3A_1623] {strides = array<i32>} : memref<128x128xf32, #tpu.memory_space<vmem>>, vector<1x16xf32>,
      %swap3A_1625 = vector.shape_cast %swap3A_1624 : vector<1x16xf32> to vector<16xf32>
      %swap3A_1626 = vector.shape_cast %get3A_485 : vector<16xf32> to vector<1x16xf32>
      tpu.vector_store %arg9[%swap3A, %swap3A_1623], %swap3A_1626 {strides = array<i32>} : memref<128x128xf32, #tpu.memory_space<vmem>>, vector<1x16xf32>,
      %swap3A_1627 = arith.index_cast %scan3A_1622 : i32 to index
      %swap3A_1628 = arith.constant 16 : index
      %swap3A_1629 = tpu.vector_load %arg9[%swap3A_1627, %swap3A_1628] {strides = array<i32>} : memref<128x128xf32, #tpu.memory_space<vmem>>, vector<1x16xf32>,
      %swap3A_1630 = vector.shape_cast %swap3A_1629 : vector<1x16xf32> to vector<16xf32>
      %swap3A_1631 = vector.shape_cast %get3A_490 : vector<16xf32> to vector<1x16xf32>
      tpu.vector_store %arg9[%swap3A_1627, %swap3A_1628], %swap3A_1631 {strides = array<i32>} : memref<128x128xf32, #tpu.memory_space<vmem>>, vector<1x16xf32>,
      %swap3A_1632 = arith.index_cast %scan3A_1622 : i32 to index
      %swap3A_1633 = arith.constant 32 : index
      %swap3A_1634 = tpu.vector_load %arg9[%swap3A_1632, %swap3A_1633] {strides = array<i32>} : memref<128x128xf32, #tpu.memory_space<vmem>>, vector<1x16xf32>,
      %swap3A_1635 = vector.shape_cast %swap3A_1634 : vector<1x16xf32> to vector<16xf32>
      %swap3A_1636 = vector.shape_cast %get3A_495 : vector<16xf32> to vector<1x16xf32>
      tpu.vector_store %arg9[%swap3A_1632, %swap3A_1633], %swap3A_1636 {strides = array<i32>} : memref<128x128xf32, #tpu.memory_space<vmem>>, vector<1x16xf32>,
      %swap3A_1637 = arith.index_cast %scan3A_1622 : i32 to index
      %swap3A_1638 = arith.constant 48 : index
      %swap3A_1639 = tpu.vector_load %arg9[%swap3A_1637, %swap3A_1638] {strides = array<i32>} : memref<128x128xf32, #tpu.memory_space<vmem>>, vector<1x16xf32>,
      %swap3A_1640 = vector.shape_cast %swap3A_1639 : vector<1x16xf32> to vector<16xf32>
      %swap3A_1641 = vector.shape_cast %get3A_500 : vector<16xf32> to vector<1x16xf32>
      tpu.vector_store %arg9[%swap3A_1637, %swap3A_1638], %swap3A_1641 {strides = array<i32>} : memref<128x128xf32, #tpu.memory_space<vmem>>, vector<1x16xf32>,
      %swap3A_1642 = arith.index_cast %scan3A_1622 : i32 to index
      %swap3A_1643 = arith.constant 64 : index
      %swap3A_1644 = tpu.vector_load %arg9[%swap3A_1642, %swap3A_1643] {strides = array<i32>} : memref<128x128xf32, #tpu.memory_space<vmem>>, vector<1x16xf32>,
      %swap3A_1645 = vector.shape_cast %swap3A_1644 : vector<1x16xf32> to vector<16xf32>
      %swap3A_1646 = vector.shape_cast %get3A_505 : vector<16xf32> to vector<1x16xf32>
      tpu.vector_store %arg9[%swap3A_1642, %swap3A_1643], %swap3A_1646 {strides = array<i32>} : memref<128x128xf32, #tpu.memory_space<vmem>>, vector<1x16xf32>,
      %swap3A_1647 = arith.index_cast %scan3A_1622 : i32 to index
      %swap3A_1648 = arith.constant 80 : index
      %swap3A_1649 = tpu.vector_load %arg9[%swap3A_1647, %swap3A_1648] {strides = array<i32>} : memref<128x128xf32, #tpu.memory_space<vmem>>, vector<1x16xf32>,
      %swap3A_1650 = vector.shape_cast %swap3A_1649 : vector<1x16xf32> to vector<16xf32>
      %swap3A_1651 = vector.shape_cast %get3A_510 : vector<16xf32> to vector<1x16xf32>
      tpu.vector_store %arg9[%swap3A_1647, %swap3A_1648], %swap3A_1651 {strides = array<i32>} : memref<128x128xf32, #tpu.memory_space<vmem>>, vector<1x16xf32>,
      %swap3A_1652 = arith.index_cast %scan3A_1622 : i32 to index
      %swap3A_1653 = arith.constant 96 : index
      %swap3A_1654 = tpu.vector_load %arg9[%swap3A_1652, %swap3A_1653] {strides = array<i32>} : memref<128x128xf32, #tpu.memory_space<vmem>>, vector<1x16xf32>,
      %swap3A_1655 = vector.shape_cast %swap3A_1654 : vector<1x16xf32> to vector<16xf32>
      %swap3A_1656 = vector.shape_cast %get3A_515 : vector<16xf32> to vector<1x16xf32>
      tpu.vector_store %arg9[%swap3A_1652, %swap3A_1653], %swap3A_1656 {strides = array<i32>} : memref<128x128xf32, #tpu.memory_space<vmem>>, vector<1x16xf32>,
      %swap3A_1657 = arith.index_cast %scan3A_1622 : i32 to index
      %swap3A_1658 = arith.constant 112 : index
      %swap3A_1659 = tpu.vector_load %arg9[%swap3A_1657, %swap3A_1658] {strides = array<i32>} : memref<128x128xf32, #tpu.memory_space<vmem>>, vector<1x16xf32>,
      %swap3A_1660 = vector.shape_cast %swap3A_1659 : vector<1x16xf32> to vector<16xf32>
      %swap3A_1661 = vector.shape_cast %get3A_520 : vector<16xf32> to vector<1x16xf32>
      tpu.vector_store %arg9[%swap3A_1657, %swap3A_1658], %swap3A_1661 {strides = array<i32>} : memref<128x128xf32, #tpu.memory_space<vmem>>, vector<1x16xf32>,
    }
    %scan3A_525 = arith.constant 127 : i32
    %add3A_526 = arith.constant 0 : i32
    %add3A_527 = arith.addi %select_n3A_235, %add3A_526 : i32
    %ge3A_528 = arith.cmpi sge, %add3A_527, %sub3A_138 : i32
    %convert_element_type3A_529 = arith.extui %ge3A_528 : i1 to i32
    %ge3A_530 = arith.cmpi sge, %add3A_527, %sub3A_141 : i32
    %convert_element_type3A_531 = arith.extui %ge3A_530 : i1 to i32
    %add3A_532 = arith.addi %convert_element_type3A_529, %convert_element_type3A_531 : i32
    %ge3A_533 = arith.cmpi sge, %add3A_527, %sub3A_144 : i32
    %convert_element_type3A_534 = arith.extui %ge3A_533 : i1 to i32
    %add3A_535 = arith.addi %add3A_532, %convert_element_type3A_534 : i32
    %eq3A_536 = arith.constant 0 : i32
    %eq3A_537 = arith.cmpi eq, %add3A_535, %eq3A_536 : i32
    %eq3A_538 = arith.constant 1 : i32
    %eq3A_539 = arith.cmpi eq, %add3A_535, %eq3A_538 : i32
    %eq3A_540 = arith.constant 2 : i32
    %eq3A_541 = arith.cmpi eq, %add3A_535, %eq3A_540 : i32
    %select_n3A_542 = arith.select %eq3A_541, %select_n3A_102, %select_n3A_130 : i32
    %select_n3A_543 = arith.select %eq3A_539, %select_n3A_74, %select_n3A_542 : i32
    %select_n3A_544 = arith.select %eq3A_537, %select_n3A, %select_n3A_543 : i32
    %mul3A_545 = arith.constant 256 : i32
    %mul3A_546 = arith.muli %select_n3A_544, %mul3A_545 : i32
    %eq3A_547 = arith.constant 0 : i32
    %eq3A_548 = arith.cmpi eq, %add3A_535, %eq3A_547 : i32
    %eq3A_549 = arith.constant 1 : i32
    %eq3A_550 = arith.cmpi eq, %add3A_535, %eq3A_549 : i32
    %eq3A_551 = arith.constant 2 : i32
    %eq3A_552 = arith.cmpi eq, %add3A_535, %eq3A_551 : i32
    %select_n3A_553 = arith.select %eq3A_552, %sub3A_141, %sub3A_144 : i32
    %select_n3A_554 = arith.select %eq3A_550, %sub3A_138, %select_n3A_553 : i32
    %jit3A_555 = arith.constant 0 : i32
    %select_n3A_556 = arith.select %eq3A_548, %jit3A_555, %select_n3A_554 : i32
    %sub3A_557 = arith.subi %add3A_527, %select_n3A_556 : i32
    %mul3A_558 = arith.constant 256 : i32
    %mul3A_559 = arith.muli %sub3A_557, %mul3A_558 : i32
    %add3A_560 = arith.addi %mul3A_546, %mul3A_559 : i32
    %lt3A_561 = arith.cmpi slt, %add3A_527, %select_n3A_266 : i32
    %mul3A_562 = arith.constant 8192 : i32
    %mul3A_563 = arith.muli %add3A_535, %mul3A_562 : i32
    %add3A_564 = arith.addi %mul3A_563, %add3A_560 : i32
    %convert_element_type3A_565 = arith.extui %lt3A_561 : i1 to i32
    %cond3A_566 = arith.constant 0 : i32
    %cond3A_567 = arith.cmpi ne, %convert_element_type3A_565, %cond3A_566 : i32
    scf.if %cond3A_567 {
      %add3A_1622 = arith.constant 0 : i32
      %add3A_1623 = arith.addi %add3A_564, %add3A_1622 : i32
      %dma_start3A_1624 = tpu.memref_reshape %arg4 : memref<4x8192x128xf32, #tpu.memory_space<hbm>> -> memref<32768x128xf32, #tpu.memory_space<hbm>>
      %dma_start3A_1625 = arith.constant 0 : i32
      %dma_start3A_1626 = tpu.memref_slice %dma_start3A_1624[%add3A_1623, %dma_start3A_1625] : memref<32768x128xf32, #tpu.memory_space<hbm>> -> memref<128x128xf32, #tpu.memory_space<hbm>>
      %dma_start3A_1627 = tpu.memref_reshape %arg4 : memref<4x8192x128xf32, #tpu.memory_space<hbm>> -> memref<32768x128xf32, #tpu.memory_space<hbm>>
      %dma_start3A_1628 = arith.constant 0 : i32
      %dma_start3A_1629 = tpu.memref_slice %dma_start3A_1627[%add3A_1623, %dma_start3A_1628] : memref<32768x128xf32, #tpu.memory_space<hbm>> -> memref<128x128xf32, #tpu.memory_space<hbm>>
      tpu.enqueue_dma source(%arg9 : memref<128x128xf32, #tpu.memory_space<vmem>>) target(%dma_start3A_1629 : memref<128x128xf32, #tpu.memory_space<hbm>>) target_semaphore(%arg12 : memref<!tpu.dma_semaphore, #tpu.memory_space<semaphore_mem>>)
      %add3A_1630 = arith.constant 128 : i32
      %add3A_1631 = arith.addi %add3A_564, %add3A_1630 : i32
      %dma_start3A_1632 = tpu.memref_reshape %arg4 : memref<4x8192x128xf32, #tpu.memory_space<hbm>> -> memref<32768x128xf32, #tpu.memory_space<hbm>>
      %dma_start3A_1633 = arith.constant 0 : i32
      %dma_start3A_1634 = tpu.memref_slice %dma_start3A_1632[%add3A_1631, %dma_start3A_1633] : memref<32768x128xf32, #tpu.memory_space<hbm>> -> memref<128x128xf32, #tpu.memory_space<hbm>>
      %dma_start3A_1635 = tpu.memref_reshape %arg4 : memref<4x8192x128xf32, #tpu.memory_space<hbm>> -> memref<32768x128xf32, #tpu.memory_space<hbm>>
      %dma_start3A_1636 = arith.constant 0 : i32
      %dma_start3A_1637 = tpu.memref_slice %dma_start3A_1635[%add3A_1631, %dma_start3A_1636] : memref<32768x128xf32, #tpu.memory_space<hbm>> -> memref<128x128xf32, #tpu.memory_space<hbm>>
      tpu.enqueue_dma source(%arg9 : memref<128x128xf32, #tpu.memory_space<vmem>>) target(%dma_start3A_1637 : memref<128x128xf32, #tpu.memory_space<hbm>>) target_semaphore(%arg12 : memref<!tpu.dma_semaphore, #tpu.memory_space<semaphore_mem>>)
    } else {
    }
    %add3A_568 = arith.constant 1 : i32
    %add3A_569 = arith.addi %select_n3A_235, %add3A_568 : i32
    %ge3A_570 = arith.cmpi sge, %add3A_569, %sub3A_138 : i32
    %convert_element_type3A_571 = arith.extui %ge3A_570 : i1 to i32
    %ge3A_572 = arith.cmpi sge, %add3A_569, %sub3A_141 : i32
    %convert_element_type3A_573 = arith.extui %ge3A_572 : i1 to i32
    %add3A_574 = arith.addi %convert_element_type3A_571, %convert_element_type3A_573 : i32
    %ge3A_575 = arith.cmpi sge, %add3A_569, %sub3A_144 : i32
    %convert_element_type3A_576 = arith.extui %ge3A_575 : i1 to i32
    %add3A_577 = arith.addi %add3A_574, %convert_element_type3A_576 : i32
    %eq3A_578 = arith.constant 0 : i32
    %eq3A_579 = arith.cmpi eq, %add3A_577, %eq3A_578 : i32
    %eq3A_580 = arith.constant 1 : i32
    %eq3A_581 = arith.cmpi eq, %add3A_577, %eq3A_580 : i32
    %eq3A_582 = arith.constant 2 : i32
    %eq3A_583 = arith.cmpi eq, %add3A_577, %eq3A_582 : i32
    %select_n3A_584 = arith.select %eq3A_583, %select_n3A_102, %select_n3A_130 : i32
    %select_n3A_585 = arith.select %eq3A_581, %select_n3A_74, %select_n3A_584 : i32
    %select_n3A_586 = arith.select %eq3A_579, %select_n3A, %select_n3A_585 : i32
    %mul3A_587 = arith.constant 256 : i32
    %mul3A_588 = arith.muli %select_n3A_586, %mul3A_587 : i32
    %eq3A_589 = arith.constant 0 : i32
    %eq3A_590 = arith.cmpi eq, %add3A_577, %eq3A_589 : i32
    %eq3A_591 = arith.constant 1 : i32
    %eq3A_592 = arith.cmpi eq, %add3A_577, %eq3A_591 : i32
    %eq3A_593 = arith.constant 2 : i32
    %eq3A_594 = arith.cmpi eq, %add3A_577, %eq3A_593 : i32
    %select_n3A_595 = arith.select %eq3A_594, %sub3A_141, %sub3A_144 : i32
    %select_n3A_596 = arith.select %eq3A_592, %sub3A_138, %select_n3A_595 : i32
    %jit3A_597 = arith.constant 0 : i32
    %select_n3A_598 = arith.select %eq3A_590, %jit3A_597, %select_n3A_596 : i32
    %sub3A_599 = arith.subi %add3A_569, %select_n3A_598 : i32
    %mul3A_600 = arith.constant 256 : i32
    %mul3A_601 = arith.muli %sub3A_599, %mul3A_600 : i32
    %add3A_602 = arith.addi %mul3A_588, %mul3A_601 : i32
    %lt3A_603 = arith.cmpi slt, %add3A_569, %select_n3A_266 : i32
    %mul3A_604 = arith.constant 8192 : i32
    %mul3A_605 = arith.muli %add3A_577, %mul3A_604 : i32
    %add3A_606 = arith.addi %mul3A_605, %add3A_602 : i32
    %convert_element_type3A_607 = arith.extui %lt3A_603 : i1 to i32
    %cond3A_608 = arith.constant 0 : i32
    %cond3A_609 = arith.cmpi ne, %convert_element_type3A_607, %cond3A_608 : i32
    scf.if %cond3A_609 {
      %add3A_1622 = arith.constant 0 : i32
      %add3A_1623 = arith.addi %add3A_606, %add3A_1622 : i32
      %dma_start3A_1624 = tpu.memref_reshape %arg4 : memref<4x8192x128xf32, #tpu.memory_space<hbm>> -> memref<32768x128xf32, #tpu.memory_space<hbm>>
      %dma_start3A_1625 = arith.constant 0 : i32
      %dma_start3A_1626 = tpu.memref_slice %dma_start3A_1624[%add3A_1623, %dma_start3A_1625] : memref<32768x128xf32, #tpu.memory_space<hbm>> -> memref<128x128xf32, #tpu.memory_space<hbm>>
      %dma_start3A_1627 = tpu.memref_reshape %arg4 : memref<4x8192x128xf32, #tpu.memory_space<hbm>> -> memref<32768x128xf32, #tpu.memory_space<hbm>>
      %dma_start3A_1628 = arith.constant 0 : i32
      %dma_start3A_1629 = tpu.memref_slice %dma_start3A_1627[%add3A_1623, %dma_start3A_1628] : memref<32768x128xf32, #tpu.memory_space<hbm>> -> memref<128x128xf32, #tpu.memory_space<hbm>>
      tpu.enqueue_dma source(%arg9 : memref<128x128xf32, #tpu.memory_space<vmem>>) target(%dma_start3A_1629 : memref<128x128xf32, #tpu.memory_space<hbm>>) target_semaphore(%arg12 : memref<!tpu.dma_semaphore, #tpu.memory_space<semaphore_mem>>)
      %add3A_1630 = arith.constant 128 : i32
      %add3A_1631 = arith.addi %add3A_606, %add3A_1630 : i32
      %dma_start3A_1632 = tpu.memref_reshape %arg4 : memref<4x8192x128xf32, #tpu.memory_space<hbm>> -> memref<32768x128xf32, #tpu.memory_space<hbm>>
      %dma_start3A_1633 = arith.constant 0 : i32
      %dma_start3A_1634 = tpu.memref_slice %dma_start3A_1632[%add3A_1631, %dma_start3A_1633] : memref<32768x128xf32, #tpu.memory_space<hbm>> -> memref<128x128xf32, #tpu.memory_space<hbm>>
      %dma_start3A_1635 = tpu.memref_reshape %arg4 : memref<4x8192x128xf32, #tpu.memory_space<hbm>> -> memref<32768x128xf32, #tpu.memory_space<hbm>>
      %dma_start3A_1636 = arith.constant 0 : i32
      %dma_start3A_1637 = tpu.memref_slice %dma_start3A_1635[%add3A_1631, %dma_start3A_1636] : memref<32768x128xf32, #tpu.memory_space<hbm>> -> memref<128x128xf32, #tpu.memory_space<hbm>>
      tpu.enqueue_dma source(%arg9 : memref<128x128xf32, #tpu.memory_space<vmem>>) target(%dma_start3A_1637 : memref<128x128xf32, #tpu.memory_space<hbm>>) target_semaphore(%arg12 : memref<!tpu.dma_semaphore, #tpu.memory_space<semaphore_mem>>)
    } else {
    }
    %add3A_610 = arith.constant 2 : i32
    %add3A_611 = arith.addi %select_n3A_235, %add3A_610 : i32
    %ge3A_612 = arith.cmpi sge, %add3A_611, %sub3A_138 : i32
    %convert_element_type3A_613 = arith.extui %ge3A_612 : i1 to i32
    %ge3A_614 = arith.cmpi sge, %add3A_611, %sub3A_141 : i32
    %convert_element_type3A_615 = arith.extui %ge3A_614 : i1 to i32
    %add3A_616 = arith.addi %convert_element_type3A_613, %convert_element_type3A_615 : i32
    %ge3A_617 = arith.cmpi sge, %add3A_611, %sub3A_144 : i32
    %convert_element_type3A_618 = arith.extui %ge3A_617 : i1 to i32
    %add3A_619 = arith.addi %add3A_616, %convert_element_type3A_618 : i32
    %eq3A_620 = arith.constant 0 : i32
    %eq3A_621 = arith.cmpi eq, %add3A_619, %eq3A_620 : i32
    %eq3A_622 = arith.constant 1 : i32
    %eq3A_623 = arith.cmpi eq, %add3A_619, %eq3A_622 : i32
    %eq3A_624 = arith.constant 2 : i32
    %eq3A_625 = arith.cmpi eq, %add3A_619, %eq3A_624 : i32
    %select_n3A_626 = arith.select %eq3A_625, %select_n3A_102, %select_n3A_130 : i32
    %select_n3A_627 = arith.select %eq3A_623, %select_n3A_74, %select_n3A_626 : i32
    %select_n3A_628 = arith.select %eq3A_621, %select_n3A, %select_n3A_627 : i32
    %mul3A_629 = arith.constant 256 : i32
    %mul3A_630 = arith.muli %select_n3A_628, %mul3A_629 : i32
    %eq3A_631 = arith.constant 0 : i32
    %eq3A_632 = arith.cmpi eq, %add3A_619, %eq3A_631 : i32
    %eq3A_633 = arith.constant 1 : i32
    %eq3A_634 = arith.cmpi eq, %add3A_619, %eq3A_633 : i32
    %eq3A_635 = arith.constant 2 : i32
    %eq3A_636 = arith.cmpi eq, %add3A_619, %eq3A_635 : i32
    %select_n3A_637 = arith.select %eq3A_636, %sub3A_141, %sub3A_144 : i32
    %select_n3A_638 = arith.select %eq3A_634, %sub3A_138, %select_n3A_637 : i32
    %jit3A_639 = arith.constant 0 : i32
    %select_n3A_640 = arith.select %eq3A_632, %jit3A_639, %select_n3A_638 : i32
    %sub3A_641 = arith.subi %add3A_611, %select_n3A_640 : i32
    %mul3A_642 = arith.constant 256 : i32
    %mul3A_643 = arith.muli %sub3A_641, %mul3A_642 : i32
    %add3A_644 = arith.addi %mul3A_630, %mul3A_643 : i32
    %lt3A_645 = arith.cmpi slt, %add3A_611, %select_n3A_266 : i32
    %mul3A_646 = arith.constant 8192 : i32
    %mul3A_647 = arith.muli %add3A_619, %mul3A_646 : i32
    %add3A_648 = arith.addi %mul3A_647, %add3A_644 : i32
    %convert_element_type3A_649 = arith.extui %lt3A_645 : i1 to i32
    %cond3A_650 = arith.constant 0 : i32
    %cond3A_651 = arith.cmpi ne, %convert_element_type3A_649, %cond3A_650 : i32
    scf.if %cond3A_651 {
      %add3A_1622 = arith.constant 0 : i32
      %add3A_1623 = arith.addi %add3A_648, %add3A_1622 : i32
      %dma_start3A_1624 = tpu.memref_reshape %arg4 : memref<4x8192x128xf32, #tpu.memory_space<hbm>> -> memref<32768x128xf32, #tpu.memory_space<hbm>>
      %dma_start3A_1625 = arith.constant 0 : i32
      %dma_start3A_1626 = tpu.memref_slice %dma_start3A_1624[%add3A_1623, %dma_start3A_1625] : memref<32768x128xf32, #tpu.memory_space<hbm>> -> memref<128x128xf32, #tpu.memory_space<hbm>>
      %dma_start3A_1627 = tpu.memref_reshape %arg4 : memref<4x8192x128xf32, #tpu.memory_space<hbm>> -> memref<32768x128xf32, #tpu.memory_space<hbm>>
      %dma_start3A_1628 = arith.constant 0 : i32
      %dma_start3A_1629 = tpu.memref_slice %dma_start3A_1627[%add3A_1623, %dma_start3A_1628] : memref<32768x128xf32, #tpu.memory_space<hbm>> -> memref<128x128xf32, #tpu.memory_space<hbm>>
      tpu.enqueue_dma source(%arg9 : memref<128x128xf32, #tpu.memory_space<vmem>>) target(%dma_start3A_1629 : memref<128x128xf32, #tpu.memory_space<hbm>>) target_semaphore(%arg12 : memref<!tpu.dma_semaphore, #tpu.memory_space<semaphore_mem>>)
      %add3A_1630 = arith.constant 128 : i32
      %add3A_1631 = arith.addi %add3A_648, %add3A_1630 : i32
      %dma_start3A_1632 = tpu.memref_reshape %arg4 : memref<4x8192x128xf32, #tpu.memory_space<hbm>> -> memref<32768x128xf32, #tpu.memory_space<hbm>>
      %dma_start3A_1633 = arith.constant 0 : i32
      %dma_start3A_1634 = tpu.memref_slice %dma_start3A_1632[%add3A_1631, %dma_start3A_1633] : memref<32768x128xf32, #tpu.memory_space<hbm>> -> memref<128x128xf32, #tpu.memory_space<hbm>>
      %dma_start3A_1635 = tpu.memref_reshape %arg4 : memref<4x8192x128xf32, #tpu.memory_space<hbm>> -> memref<32768x128xf32, #tpu.memory_space<hbm>>
      %dma_start3A_1636 = arith.constant 0 : i32
      %dma_start3A_1637 = tpu.memref_slice %dma_start3A_1635[%add3A_1631, %dma_start3A_1636] : memref<32768x128xf32, #tpu.memory_space<hbm>> -> memref<128x128xf32, #tpu.memory_space<hbm>>
      tpu.enqueue_dma source(%arg9 : memref<128x128xf32, #tpu.memory_space<vmem>>) target(%dma_start3A_1637 : memref<128x128xf32, #tpu.memory_space<hbm>>) target_semaphore(%arg12 : memref<!tpu.dma_semaphore, #tpu.memory_space<semaphore_mem>>)
    } else {
    }
    %add3A_652 = arith.constant 3 : i32
    %add3A_653 = arith.addi %select_n3A_235, %add3A_652 : i32
    %ge3A_654 = arith.cmpi sge, %add3A_653, %sub3A_138 : i32
    %convert_element_type3A_655 = arith.extui %ge3A_654 : i1 to i32
    %ge3A_656 = arith.cmpi sge, %add3A_653, %sub3A_141 : i32
    %convert_element_type3A_657 = arith.extui %ge3A_656 : i1 to i32
    %add3A_658 = arith.addi %convert_element_type3A_655, %convert_element_type3A_657 : i32
    %ge3A_659 = arith.cmpi sge, %add3A_653, %sub3A_144 : i32
    %convert_element_type3A_660 = arith.extui %ge3A_659 : i1 to i32
    %add3A_661 = arith.addi %add3A_658, %convert_element_type3A_660 : i32
    %eq3A_662 = arith.constant 0 : i32
    %eq3A_663 = arith.cmpi eq, %add3A_661, %eq3A_662 : i32
    %eq3A_664 = arith.constant 1 : i32
    %eq3A_665 = arith.cmpi eq, %add3A_661, %eq3A_664 : i32
    %eq3A_666 = arith.constant 2 : i32
    %eq3A_667 = arith.cmpi eq, %add3A_661, %eq3A_666 : i32
    %select_n3A_668 = arith.select %eq3A_667, %select_n3A_102, %select_n3A_130 : i32
    %select_n3A_669 = arith.select %eq3A_665, %select_n3A_74, %select_n3A_668 : i32
    %select_n3A_670 = arith.select %eq3A_663, %select_n3A, %select_n3A_669 : i32
    %mul3A_671 = arith.constant 256 : i32
    %mul3A_672 = arith.muli %select_n3A_670, %mul3A_671 : i32
    %eq3A_673 = arith.constant 0 : i32
    %eq3A_674 = arith.cmpi eq, %add3A_661, %eq3A_673 : i32
    %eq3A_675 = arith.constant 1 : i32
    %eq3A_676 = arith.cmpi eq, %add3A_661, %eq3A_675 : i32
    %eq3A_677 = arith.constant 2 : i32
    %eq3A_678 = arith.cmpi eq, %add3A_661, %eq3A_677 : i32
    %select_n3A_679 = arith.select %eq3A_678, %sub3A_141, %sub3A_144 : i32
    %select_n3A_680 = arith.select %eq3A_676, %sub3A_138, %select_n3A_679 : i32
    %jit3A_681 = arith.constant 0 : i32
    %select_n3A_682 = arith.select %eq3A_674, %jit3A_681, %select_n3A_680 : i32
    %sub3A_683 = arith.subi %add3A_653, %select_n3A_682 : i32
    %mul3A_684 = arith.constant 256 : i32
    %mul3A_685 = arith.muli %sub3A_683, %mul3A_684 : i32
    %add3A_686 = arith.addi %mul3A_672, %mul3A_685 : i32
    %lt3A_687 = arith.cmpi slt, %add3A_653, %select_n3A_266 : i32
    %mul3A_688 = arith.constant 8192 : i32
    %mul3A_689 = arith.muli %add3A_661, %mul3A_688 : i32
    %add3A_690 = arith.addi %mul3A_689, %add3A_686 : i32
    %convert_element_type3A_691 = arith.extui %lt3A_687 : i1 to i32
    %cond3A_692 = arith.constant 0 : i32
    %cond3A_693 = arith.cmpi ne, %convert_element_type3A_691, %cond3A_692 : i32
    scf.if %cond3A_693 {
      %add3A_1622 = arith.constant 0 : i32
      %add3A_1623 = arith.addi %add3A_690, %add3A_1622 : i32
      %dma_start3A_1624 = tpu.memref_reshape %arg4 : memref<4x8192x128xf32, #tpu.memory_space<hbm>> -> memref<32768x128xf32, #tpu.memory_space<hbm>>
      %dma_start3A_1625 = arith.constant 0 : i32
      %dma_start3A_1626 = tpu.memref_slice %dma_start3A_1624[%add3A_1623, %dma_start3A_1625] : memref<32768x128xf32, #tpu.memory_space<hbm>> -> memref<128x128xf32, #tpu.memory_space<hbm>>
      %dma_start3A_1627 = tpu.memref_reshape %arg4 : memref<4x8192x128xf32, #tpu.memory_space<hbm>> -> memref<32768x128xf32, #tpu.memory_space<hbm>>
      %dma_start3A_1628 = arith.constant 0 : i32
      %dma_start3A_1629 = tpu.memref_slice %dma_start3A_1627[%add3A_1623, %dma_start3A_1628] : memref<32768x128xf32, #tpu.memory_space<hbm>> -> memref<128x128xf32, #tpu.memory_space<hbm>>
      tpu.enqueue_dma source(%arg9 : memref<128x128xf32, #tpu.memory_space<vmem>>) target(%dma_start3A_1629 : memref<128x128xf32, #tpu.memory_space<hbm>>) target_semaphore(%arg12 : memref<!tpu.dma_semaphore, #tpu.memory_space<semaphore_mem>>)
      %add3A_1630 = arith.constant 128 : i32
      %add3A_1631 = arith.addi %add3A_690, %add3A_1630 : i32
      %dma_start3A_1632 = tpu.memref_reshape %arg4 : memref<4x8192x128xf32, #tpu.memory_space<hbm>> -> memref<32768x128xf32, #tpu.memory_space<hbm>>
      %dma_start3A_1633 = arith.constant 0 : i32
      %dma_start3A_1634 = tpu.memref_slice %dma_start3A_1632[%add3A_1631, %dma_start3A_1633] : memref<32768x128xf32, #tpu.memory_space<hbm>> -> memref<128x128xf32, #tpu.memory_space<hbm>>
      %dma_start3A_1635 = tpu.memref_reshape %arg4 : memref<4x8192x128xf32, #tpu.memory_space<hbm>> -> memref<32768x128xf32, #tpu.memory_space<hbm>>
      %dma_start3A_1636 = arith.constant 0 : i32
      %dma_start3A_1637 = tpu.memref_slice %dma_start3A_1635[%add3A_1631, %dma_start3A_1636] : memref<32768x128xf32, #tpu.memory_space<hbm>> -> memref<128x128xf32, #tpu.memory_space<hbm>>
      tpu.enqueue_dma source(%arg9 : memref<128x128xf32, #tpu.memory_space<vmem>>) target(%dma_start3A_1637 : memref<128x128xf32, #tpu.memory_space<hbm>>) target_semaphore(%arg12 : memref<!tpu.dma_semaphore, #tpu.memory_space<semaphore_mem>>)
    } else {
    }
    %add3A_694 = arith.constant 0 : i32
    %add3A_695 = arith.addi %select_n3A_173, %add3A_694 : i32
    %ge3A_696 = arith.cmpi sge, %add3A_695, %select_n3A : i32
    %convert_element_type3A_697 = arith.extui %ge3A_696 : i1 to i32
    %ge3A_698 = arith.cmpi sge, %add3A_695, %add3A_131 : i32
    %convert_element_type3A_699 = arith.extui %ge3A_698 : i1 to i32
    %add3A_700 = arith.addi %convert_element_type3A_697, %convert_element_type3A_699 : i32
    %ge3A_701 = arith.cmpi sge, %add3A_695, %add3A_133 : i32
    %convert_element_type3A_702 = arith.extui %ge3A_701 : i1 to i32
    %add3A_703 = arith.addi %add3A_700, %convert_element_type3A_702 : i32
    %eq3A_704 = arith.constant 0 : i32
    %eq3A_705 = arith.cmpi eq, %add3A_703, %eq3A_704 : i32
    %eq3A_706 = arith.constant 1 : i32
    %eq3A_707 = arith.cmpi eq, %add3A_703, %eq3A_706 : i32
    %eq3A_708 = arith.constant 2 : i32
    %eq3A_709 = arith.cmpi eq, %add3A_703, %eq3A_708 : i32
    %select_n3A_710 = arith.select %eq3A_709, %add3A_131, %add3A_133 : i32
    %select_n3A_711 = arith.select %eq3A_707, %select_n3A, %select_n3A_710 : i32
    %jit3A_712 = arith.constant 0 : i32
    %select_n3A_713 = arith.select %eq3A_705, %jit3A_712, %select_n3A_711 : i32
    %sub3A_714 = arith.subi %add3A_695, %select_n3A_713 : i32
    %mul3A_715 = arith.constant 256 : i32
    %mul3A_716 = arith.muli %sub3A_714, %mul3A_715 : i32
    %eq3A_717 = arith.constant 0 : i32
    %eq3A_718 = arith.cmpi eq, %add3A_703, %eq3A_717 : i32
    %eq3A_719 = arith.constant 1 : i32
    %eq3A_720 = arith.cmpi eq, %add3A_703, %eq3A_719 : i32
    %eq3A_721 = arith.constant 2 : i32
    %eq3A_722 = arith.cmpi eq, %add3A_703, %eq3A_721 : i32
    %select_n3A_723 = arith.select %eq3A_722, %squeeze3A_24, %squeeze3A_26 : i32
    %select_n3A_724 = arith.select %eq3A_720, %squeeze3A_22, %select_n3A_723 : i32
    %select_n3A_725 = arith.select %eq3A_718, %squeeze3A, %select_n3A_724 : i32
    %lt3A_726 = arith.cmpi slt, %add3A_695, %select_n3A_204 : i32
    %add3A_727 = arith.constant 0 : i32
    %add3A_728 = arith.addi %select_n3A_173, %add3A_727 : i32
    %ge3A_729 = arith.cmpi sge, %add3A_728, %select_n3A : i32
    %convert_element_type3A_730 = arith.extui %ge3A_729 : i1 to i32
    %ge3A_731 = arith.cmpi sge, %add3A_728, %add3A_131 : i32
    %convert_element_type3A_732 = arith.extui %ge3A_731 : i1 to i32
    %add3A_733 = arith.addi %convert_element_type3A_730, %convert_element_type3A_732 : i32
    %ge3A_734 = arith.cmpi sge, %add3A_728, %add3A_133 : i32
    %convert_element_type3A_735 = arith.extui %ge3A_734 : i1 to i32
    %add3A_736 = arith.addi %add3A_733, %convert_element_type3A_735 : i32
    %eq3A_737 = arith.constant 0 : i32
    %eq3A_738 = arith.cmpi eq, %add3A_736, %eq3A_737 : i32
    %eq3A_739 = arith.constant 1 : i32
    %eq3A_740 = arith.cmpi eq, %add3A_736, %eq3A_739 : i32
    %eq3A_741 = arith.constant 2 : i32
    %eq3A_742 = arith.cmpi eq, %add3A_736, %eq3A_741 : i32
    %select_n3A_743 = arith.select %eq3A_742, %add3A_131, %add3A_133 : i32
    %select_n3A_744 = arith.select %eq3A_740, %select_n3A, %select_n3A_743 : i32
    %jit3A_745 = arith.constant 0 : i32
    %select_n3A_746 = arith.select %eq3A_738, %jit3A_745, %select_n3A_744 : i32
    %sub3A_747 = arith.subi %add3A_728, %select_n3A_746 : i32
    %mul3A_748 = arith.constant 256 : i32
    %mul3A_749 = arith.muli %sub3A_747, %mul3A_748 : i32
    %eq3A_750 = arith.constant 0 : i32
    %eq3A_751 = arith.cmpi eq, %add3A_736, %eq3A_750 : i32
    %eq3A_752 = arith.constant 1 : i32
    %eq3A_753 = arith.cmpi eq, %add3A_736, %eq3A_752 : i32
    %eq3A_754 = arith.constant 2 : i32
    %eq3A_755 = arith.cmpi eq, %add3A_736, %eq3A_754 : i32
    %select_n3A_756 = arith.select %eq3A_755, %squeeze3A_24, %squeeze3A_26 : i32
    %select_n3A_757 = arith.select %eq3A_753, %squeeze3A_22, %select_n3A_756 : i32
    %select_n3A_758 = arith.select %eq3A_751, %squeeze3A, %select_n3A_757 : i32
    %lt3A_759 = arith.cmpi slt, %add3A_728, %select_n3A_204 : i32
    %add3A_760 = arith.constant 0 : i32
    %add3A_761 = arith.addi %select_n3A_173, %add3A_760 : i32
    %ge3A_762 = arith.cmpi sge, %add3A_761, %select_n3A : i32
    %convert_element_type3A_763 = arith.extui %ge3A_762 : i1 to i32
    %ge3A_764 = arith.cmpi sge, %add3A_761, %add3A_131 : i32
    %convert_element_type3A_765 = arith.extui %ge3A_764 : i1 to i32
    %add3A_766 = arith.addi %convert_element_type3A_763, %convert_element_type3A_765 : i32
    %ge3A_767 = arith.cmpi sge, %add3A_761, %add3A_133 : i32
    %convert_element_type3A_768 = arith.extui %ge3A_767 : i1 to i32
    %add3A_769 = arith.addi %add3A_766, %convert_element_type3A_768 : i32
    %eq3A_770 = arith.constant 0 : i32
    %eq3A_771 = arith.cmpi eq, %add3A_769, %eq3A_770 : i32
    %eq3A_772 = arith.constant 1 : i32
    %eq3A_773 = arith.cmpi eq, %add3A_769, %eq3A_772 : i32
    %eq3A_774 = arith.constant 2 : i32
    %eq3A_775 = arith.cmpi eq, %add3A_769, %eq3A_774 : i32
    %select_n3A_776 = arith.select %eq3A_775, %add3A_131, %add3A_133 : i32
    %select_n3A_777 = arith.select %eq3A_773, %select_n3A, %select_n3A_776 : i32
    %jit3A_778 = arith.constant 0 : i32
    %select_n3A_779 = arith.select %eq3A_771, %jit3A_778, %select_n3A_777 : i32
    %sub3A_780 = arith.subi %add3A_761, %select_n3A_779 : i32
    %mul3A_781 = arith.constant 256 : i32
    %mul3A_782 = arith.muli %sub3A_780, %mul3A_781 : i32
    %eq3A_783 = arith.constant 0 : i32
    %eq3A_784 = arith.cmpi eq, %add3A_769, %eq3A_783 : i32
    %eq3A_785 = arith.constant 1 : i32
    %eq3A_786 = arith.cmpi eq, %add3A_769, %eq3A_785 : i32
    %eq3A_787 = arith.constant 2 : i32
    %eq3A_788 = arith.cmpi eq, %add3A_769, %eq3A_787 : i32
    %select_n3A_789 = arith.select %eq3A_788, %squeeze3A_24, %squeeze3A_26 : i32
    %select_n3A_790 = arith.select %eq3A_786, %squeeze3A_22, %select_n3A_789 : i32
    %select_n3A_791 = arith.select %eq3A_784, %squeeze3A, %select_n3A_790 : i32
    %lt3A_792 = arith.cmpi slt, %add3A_761, %select_n3A_204 : i32
    %convert_element_type3A_793 = arith.extui %lt3A_759 : i1 to i32
    %cond3A_794 = arith.constant 0 : i32
    %cond3A_795 = arith.cmpi ne, %convert_element_type3A_793, %cond3A_794 : i32
    scf.if %cond3A_795 {
      %eq3A_1622 = arith.constant 7936 : i32
      %eq3A_1623 = arith.cmpi eq, %mul3A_749, %eq3A_1622 : i32
      %convert_element_type3A_1624 = arith.extui %eq3A_1623 : i1 to i32
      %cond3A_1625 = arith.constant 0 : i32
      %cond3A_1626 = arith.cmpi ne, %convert_element_type3A_1624, %cond3A_1625 : i32
      scf.if %cond3A_1626 {
        %dma_wait3A_1632 = arith.constant 0 : i32
        %dma_wait3A_1633 = arith.constant 0 : i32
        %dma_wait3A_1634 = tpu.memref_slice %arg6[%dma_wait3A_1632, %dma_wait3A_1633] : memref<264x128xf32, #tpu.memory_space<vmem>> -> memref<256x128xf32, #tpu.memory_space<vmem>>
        %dma_wait3A_1635 = arith.constant 0 : i32
        %dma_wait3A_1636 = tpu.memref_slice %arg3[%mul3A_782, %dma_wait3A_1635] : memref<8192x128xf32, #tpu.memory_space<hbm>> -> memref<256x128xf32, #tpu.memory_space<hbm>>
        %dma_wait3A_1637 = arith.constant 0 : i32
        %dma_wait3A_1638 = arith.constant 0 : i32
        %dma_wait3A_1639 = tpu.memref_slice %arg6[%dma_wait3A_1637, %dma_wait3A_1638] : memref<264x128xf32, #tpu.memory_space<vmem>> -> memref<256x128xf32, #tpu.memory_space<vmem>>
        %dma_wait3A_1640 = arith.constant 0 : i32
        %dma_wait3A_1641 = tpu.memref_slice %arg3[%mul3A_782, %dma_wait3A_1640] : memref<8192x128xf32, #tpu.memory_space<hbm>> -> memref<256x128xf32, #tpu.memory_space<hbm>>
        tpu.wait_dma2 semaphore(%arg13 : memref<!tpu.dma_semaphore, #tpu.memory_space<semaphore_mem>>) src(%dma_wait3A_1641 : memref<256x128xf32, #tpu.memory_space<hbm>>) dst(%dma_wait3A_1639 : memref<256x128xf32, #tpu.memory_space<vmem>>)
      } else {
      }
      %ne3A_1627 = arith.constant 7936 : i32
      %ne3A_1628 = arith.cmpi ne, %mul3A_749, %ne3A_1627 : i32
      %convert_element_type3A_1629 = arith.extui %ne3A_1628 : i1 to i32
      %cond3A_1630 = arith.constant 0 : i32
      %cond3A_1631 = arith.cmpi ne, %convert_element_type3A_1629, %cond3A_1630 : i32
      scf.if %cond3A_1631 {
        %dma_wait3A_1632 = arith.constant 0 : i32
        %dma_wait3A_1633 = arith.constant 0 : i32
        %dma_wait3A_1634 = tpu.memref_slice %arg6[%dma_wait3A_1632, %dma_wait3A_1633] : memref<264x128xf32, #tpu.memory_space<vmem>> -> memref<264x128xf32, #tpu.memory_space<vmem>>
        %dma_wait3A_1635 = arith.constant 0 : i32
        %dma_wait3A_1636 = tpu.memref_slice %arg3[%mul3A_782, %dma_wait3A_1635] : memref<8192x128xf32, #tpu.memory_space<hbm>> -> memref<264x128xf32, #tpu.memory_space<hbm>>
        %dma_wait3A_1637 = arith.constant 0 : i32
        %dma_wait3A_1638 = arith.constant 0 : i32
        %dma_wait3A_1639 = tpu.memref_slice %arg6[%dma_wait3A_1637, %dma_wait3A_1638] : memref<264x128xf32, #tpu.memory_space<vmem>> -> memref<264x128xf32, #tpu.memory_space<vmem>>
        %dma_wait3A_1640 = arith.constant 0 : i32
        %dma_wait3A_1641 = tpu.memref_slice %arg3[%mul3A_782, %dma_wait3A_1640] : memref<8192x128xf32, #tpu.memory_space<hbm>> -> memref<264x128xf32, #tpu.memory_space<hbm>>
        tpu.wait_dma2 semaphore(%arg13 : memref<!tpu.dma_semaphore, #tpu.memory_space<semaphore_mem>>) src(%dma_wait3A_1641 : memref<264x128xf32, #tpu.memory_space<hbm>>) dst(%dma_wait3A_1639 : memref<264x128xf32, #tpu.memory_space<vmem>>)
      } else {
      }
    } else {
    }
    %add3A_796 = arith.constant 0 : i32
    %add3A_797 = arith.addi %select_n3A_173, %add3A_796 : i32
    %ge3A_798 = arith.cmpi sge, %add3A_797, %select_n3A : i32
    %convert_element_type3A_799 = arith.extui %ge3A_798 : i1 to i32
    %ge3A_800 = arith.cmpi sge, %add3A_797, %add3A_131 : i32
    %convert_element_type3A_801 = arith.extui %ge3A_800 : i1 to i32
    %add3A_802 = arith.addi %convert_element_type3A_799, %convert_element_type3A_801 : i32
    %ge3A_803 = arith.cmpi sge, %add3A_797, %add3A_133 : i32
    %convert_element_type3A_804 = arith.extui %ge3A_803 : i1 to i32
    %add3A_805 = arith.addi %add3A_802, %convert_element_type3A_804 : i32
    %eq3A_806 = arith.constant 0 : i32
    %eq3A_807 = arith.cmpi eq, %add3A_805, %eq3A_806 : i32
    %eq3A_808 = arith.constant 1 : i32
    %eq3A_809 = arith.cmpi eq, %add3A_805, %eq3A_808 : i32
    %eq3A_810 = arith.constant 2 : i32
    %eq3A_811 = arith.cmpi eq, %add3A_805, %eq3A_810 : i32
    %select_n3A_812 = arith.select %eq3A_811, %add3A_131, %add3A_133 : i32
    %select_n3A_813 = arith.select %eq3A_809, %select_n3A, %select_n3A_812 : i32
    %jit3A_814 = arith.constant 0 : i32
    %select_n3A_815 = arith.select %eq3A_807, %jit3A_814, %select_n3A_813 : i32
    %sub3A_816 = arith.subi %add3A_797, %select_n3A_815 : i32
    %mul3A_817 = arith.constant 256 : i32
    %mul3A_818 = arith.muli %sub3A_816, %mul3A_817 : i32
    %eq3A_819 = arith.constant 0 : i32
    %eq3A_820 = arith.cmpi eq, %add3A_805, %eq3A_819 : i32
    %eq3A_821 = arith.constant 1 : i32
    %eq3A_822 = arith.cmpi eq, %add3A_805, %eq3A_821 : i32
    %eq3A_823 = arith.constant 2 : i32
    %eq3A_824 = arith.cmpi eq, %add3A_805, %eq3A_823 : i32
    %select_n3A_825 = arith.select %eq3A_824, %squeeze3A_24, %squeeze3A_26 : i32
    %select_n3A_826 = arith.select %eq3A_822, %squeeze3A_22, %select_n3A_825 : i32
    %select_n3A_827 = arith.select %eq3A_820, %squeeze3A, %select_n3A_826 : i32
    %lt3A_828 = arith.cmpi slt, %add3A_797, %select_n3A_204 : i32
    %add3A_829 = arith.constant 256 : i32
    %add3A_830 = arith.addi %mul3A_818, %add3A_829 : i32
    %lt3A_831 = arith.cmpi slt, %select_n3A_827, %add3A_830 : i32
    %and3A_832 = arith.andi %lt3A_828, %lt3A_831 : i1
    %convert_element_type3A_833 = arith.extui %and3A_832 : i1 to i32
    %cond3A_834 = arith.constant 0 : i32
    %cond3A_835 = arith.cmpi ne, %convert_element_type3A_833, %cond3A_834 : i32
    scf.if %cond3A_835 {
      %sub3A_1622 = arith.subi %select_n3A_827, %mul3A_818 : i32
      %add3A_1623 = arith.constant 1 : i32
      %add3A_1624 = arith.addi %sub3A_1622, %add3A_1623 : i32
      %while3A = arith.constant 0 : i32
      %while3A_1625 = arith.constant 257 : i32
      %while3A_1626 = arith.subi %while3A_1625, %add3A_1624 : i32
      %while3A_1627 = arith.addi %add3A_1624, %while3A_1626 : i32
      %while3A_1628 = arith.constant 1 : i32
      %while3A_1629 = arith.divsi %while3A_1626, %while3A_1628 : i32
      %while3A_1630 = arith.muli %while3A_1629, %while3A_1628 : i32
      %while3A_1631 = arith.addi %add3A_1624, %while3A_1630 : i32
      %while3A_1632 = arith.constant 1 : i32
      scf.for %while3A_1634 = %add3A_1624 to %while3A_1631 step %while3A_1632  : i32 {
        %swap3A = arith.index_cast %while3A_1634 : i32 to index
        %swap3A_1635 = arith.constant 0 : index
        %swap3A_1636 = tpu.vector_load %arg6[%swap3A, %swap3A_1635] {strides = array<i32>} : memref<264x128xf32, #tpu.memory_space<vmem>>, vector<1x16xf32>,
        %swap3A_1637 = vector.shape_cast %swap3A_1636 : vector<1x16xf32> to vector<16xf32>
        %swap3A_1638 = vector.shape_cast %get3A_485 : vector<16xf32> to vector<1x16xf32>
        tpu.vector_store %arg6[%swap3A, %swap3A_1635], %swap3A_1638 {strides = array<i32>} : memref<264x128xf32, #tpu.memory_space<vmem>>, vector<1x16xf32>,
        %swap3A_1639 = arith.index_cast %while3A_1634 : i32 to index
        %swap3A_1640 = arith.constant 16 : index
        %swap3A_1641 = tpu.vector_load %arg6[%swap3A_1639, %swap3A_1640] {strides = array<i32>} : memref<264x128xf32, #tpu.memory_space<vmem>>, vector<1x16xf32>,
        %swap3A_1642 = vector.shape_cast %swap3A_1641 : vector<1x16xf32> to vector<16xf32>
        %swap3A_1643 = vector.shape_cast %get3A_490 : vector<16xf32> to vector<1x16xf32>
        tpu.vector_store %arg6[%swap3A_1639, %swap3A_1640], %swap3A_1643 {strides = array<i32>} : memref<264x128xf32, #tpu.memory_space<vmem>>, vector<1x16xf32>,
        %swap3A_1644 = arith.index_cast %while3A_1634 : i32 to index
        %swap3A_1645 = arith.constant 32 : index
        %swap3A_1646 = tpu.vector_load %arg6[%swap3A_1644, %swap3A_1645] {strides = array<i32>} : memref<264x128xf32, #tpu.memory_space<vmem>>, vector<1x16xf32>,
        %swap3A_1647 = vector.shape_cast %swap3A_1646 : vector<1x16xf32> to vector<16xf32>
        %swap3A_1648 = vector.shape_cast %get3A_495 : vector<16xf32> to vector<1x16xf32>
        tpu.vector_store %arg6[%swap3A_1644, %swap3A_1645], %swap3A_1648 {strides = array<i32>} : memref<264x128xf32, #tpu.memory_space<vmem>>, vector<1x16xf32>,
        %swap3A_1649 = arith.index_cast %while3A_1634 : i32 to index
        %swap3A_1650 = arith.constant 48 : index
        %swap3A_1651 = tpu.vector_load %arg6[%swap3A_1649, %swap3A_1650] {strides = array<i32>} : memref<264x128xf32, #tpu.memory_space<vmem>>, vector<1x16xf32>,
        %swap3A_1652 = vector.shape_cast %swap3A_1651 : vector<1x16xf32> to vector<16xf32>
        %swap3A_1653 = vector.shape_cast %get3A_500 : vector<16xf32> to vector<1x16xf32>
        tpu.vector_store %arg6[%swap3A_1649, %swap3A_1650], %swap3A_1653 {strides = array<i32>} : memref<264x128xf32, #tpu.memory_space<vmem>>, vector<1x16xf32>,
        %swap3A_1654 = arith.index_cast %while3A_1634 : i32 to index
        %swap3A_1655 = arith.constant 64 : index
        %swap3A_1656 = tpu.vector_load %arg6[%swap3A_1654, %swap3A_1655] {strides = array<i32>} : memref<264x128xf32, #tpu.memory_space<vmem>>, vector<1x16xf32>,
        %swap3A_1657 = vector.shape_cast %swap3A_1656 : vector<1x16xf32> to vector<16xf32>
        %swap3A_1658 = vector.shape_cast %get3A_505 : vector<16xf32> to vector<1x16xf32>
        tpu.vector_store %arg6[%swap3A_1654, %swap3A_1655], %swap3A_1658 {strides = array<i32>} : memref<264x128xf32, #tpu.memory_space<vmem>>, vector<1x16xf32>,
        %swap3A_1659 = arith.index_cast %while3A_1634 : i32 to index
        %swap3A_1660 = arith.constant 80 : index
        %swap3A_1661 = tpu.vector_load %arg6[%swap3A_1659, %swap3A_1660] {strides = array<i32>} : memref<264x128xf32, #tpu.memory_space<vmem>>, vector<1x16xf32>,
        %swap3A_1662 = vector.shape_cast %swap3A_1661 : vector<1x16xf32> to vector<16xf32>
        %swap3A_1663 = vector.shape_cast %get3A_510 : vector<16xf32> to vector<1x16xf32>
        tpu.vector_store %arg6[%swap3A_1659, %swap3A_1660], %swap3A_1663 {strides = array<i32>} : memref<264x128xf32, #tpu.memory_space<vmem>>, vector<1x16xf32>,
        %swap3A_1664 = arith.index_cast %while3A_1634 : i32 to index
        %swap3A_1665 = arith.constant 96 : index
        %swap3A_1666 = tpu.vector_load %arg6[%swap3A_1664, %swap3A_1665] {strides = array<i32>} : memref<264x128xf32, #tpu.memory_space<vmem>>, vector<1x16xf32>,
        %swap3A_1667 = vector.shape_cast %swap3A_1666 : vector<1x16xf32> to vector<16xf32>
        %swap3A_1668 = vector.shape_cast %get3A_515 : vector<16xf32> to vector<1x16xf32>
        tpu.vector_store %arg6[%swap3A_1664, %swap3A_1665], %swap3A_1668 {strides = array<i32>} : memref<264x128xf32, #tpu.memory_space<vmem>>, vector<1x16xf32>,
        %swap3A_1669 = arith.index_cast %while3A_1634 : i32 to index
        %swap3A_1670 = arith.constant 112 : index
        %swap3A_1671 = tpu.vector_load %arg6[%swap3A_1669, %swap3A_1670] {strides = array<i32>} : memref<264x128xf32, #tpu.memory_space<vmem>>, vector<1x16xf32>,
        %swap3A_1672 = vector.shape_cast %swap3A_1671 : vector<1x16xf32> to vector<16xf32>
        %swap3A_1673 = vector.shape_cast %get3A_520 : vector<16xf32> to vector<1x16xf32>
        tpu.vector_store %arg6[%swap3A_1669, %swap3A_1670], %swap3A_1673 {strides = array<i32>} : memref<264x128xf32, #tpu.memory_space<vmem>>, vector<1x16xf32>,
      }
      %while3A_1633 = arith.constant 1 : i32
      scf.for %while3A_1634 = %while3A_1631 to %while3A_1627 step %while3A_1633  : i32 {
        %swap3A = arith.index_cast %while3A_1634 : i32 to index
        %swap3A_1635 = arith.constant 0 : index
        %swap3A_1636 = tpu.vector_load %arg6[%swap3A, %swap3A_1635] {strides = array<i32>} : memref<264x128xf32, #tpu.memory_space<vmem>>, vector<1x16xf32>,
        %swap3A_1637 = vector.shape_cast %swap3A_1636 : vector<1x16xf32> to vector<16xf32>
        %swap3A_1638 = vector.shape_cast %get3A_485 : vector<16xf32> to vector<1x16xf32>
        tpu.vector_store %arg6[%swap3A, %swap3A_1635], %swap3A_1638 {strides = array<i32>} : memref<264x128xf32, #tpu.memory_space<vmem>>, vector<1x16xf32>,
        %swap3A_1639 = arith.index_cast %while3A_1634 : i32 to index
        %swap3A_1640 = arith.constant 16 : index
        %swap3A_1641 = tpu.vector_load %arg6[%swap3A_1639, %swap3A_1640] {strides = array<i32>} : memref<264x128xf32, #tpu.memory_space<vmem>>, vector<1x16xf32>,
        %swap3A_1642 = vector.shape_cast %swap3A_1641 : vector<1x16xf32> to vector<16xf32>
        %swap3A_1643 = vector.shape_cast %get3A_490 : vector<16xf32> to vector<1x16xf32>
        tpu.vector_store %arg6[%swap3A_1639, %swap3A_1640], %swap3A_1643 {strides = array<i32>} : memref<264x128xf32, #tpu.memory_space<vmem>>, vector<1x16xf32>,
        %swap3A_1644 = arith.index_cast %while3A_1634 : i32 to index
        %swap3A_1645 = arith.constant 32 : index
        %swap3A_1646 = tpu.vector_load %arg6[%swap3A_1644, %swap3A_1645] {strides = array<i32>} : memref<264x128xf32, #tpu.memory_space<vmem>>, vector<1x16xf32>,
        %swap3A_1647 = vector.shape_cast %swap3A_1646 : vector<1x16xf32> to vector<16xf32>
        %swap3A_1648 = vector.shape_cast %get3A_495 : vector<16xf32> to vector<1x16xf32>
        tpu.vector_store %arg6[%swap3A_1644, %swap3A_1645], %swap3A_1648 {strides = array<i32>} : memref<264x128xf32, #tpu.memory_space<vmem>>, vector<1x16xf32>,
        %swap3A_1649 = arith.index_cast %while3A_1634 : i32 to index
        %swap3A_1650 = arith.constant 48 : index
        %swap3A_1651 = tpu.vector_load %arg6[%swap3A_1649, %swap3A_1650] {strides = array<i32>} : memref<264x128xf32, #tpu.memory_space<vmem>>, vector<1x16xf32>,
        %swap3A_1652 = vector.shape_cast %swap3A_1651 : vector<1x16xf32> to vector<16xf32>
        %swap3A_1653 = vector.shape_cast %get3A_500 : vector<16xf32> to vector<1x16xf32>
        tpu.vector_store %arg6[%swap3A_1649, %swap3A_1650], %swap3A_1653 {strides = array<i32>} : memref<264x128xf32, #tpu.memory_space<vmem>>, vector<1x16xf32>,
        %swap3A_1654 = arith.index_cast %while3A_1634 : i32 to index
        %swap3A_1655 = arith.constant 64 : index
        %swap3A_1656 = tpu.vector_load %arg6[%swap3A_1654, %swap3A_1655] {strides = array<i32>} : memref<264x128xf32, #tpu.memory_space<vmem>>, vector<1x16xf32>,
        %swap3A_1657 = vector.shape_cast %swap3A_1656 : vector<1x16xf32> to vector<16xf32>
        %swap3A_1658 = vector.shape_cast %get3A_505 : vector<16xf32> to vector<1x16xf32>
        tpu.vector_store %arg6[%swap3A_1654, %swap3A_1655], %swap3A_1658 {strides = array<i32>} : memref<264x128xf32, #tpu.memory_space<vmem>>, vector<1x16xf32>,
        %swap3A_1659 = arith.index_cast %while3A_1634 : i32 to index
        %swap3A_1660 = arith.constant 80 : index
        %swap3A_1661 = tpu.vector_load %arg6[%swap3A_1659, %swap3A_1660] {strides = array<i32>} : memref<264x128xf32, #tpu.memory_space<vmem>>, vector<1x16xf32>,
        %swap3A_1662 = vector.shape_cast %swap3A_1661 : vector<1x16xf32> to vector<16xf32>
        %swap3A_1663 = vector.shape_cast %get3A_510 : vector<16xf32> to vector<1x16xf32>
        tpu.vector_store %arg6[%swap3A_1659, %swap3A_1660], %swap3A_1663 {strides = array<i32>} : memref<264x128xf32, #tpu.memory_space<vmem>>, vector<1x16xf32>,
        %swap3A_1664 = arith.index_cast %while3A_1634 : i32 to index
        %swap3A_1665 = arith.constant 96 : index
        %swap3A_1666 = tpu.vector_load %arg6[%swap3A_1664, %swap3A_1665] {strides = array<i32>} : memref<264x128xf32, #tpu.memory_space<vmem>>, vector<1x16xf32>,
        %swap3A_1667 = vector.shape_cast %swap3A_1666 : vector<1x16xf32> to vector<16xf32>
        %swap3A_1668 = vector.shape_cast %get3A_515 : vector<16xf32> to vector<1x16xf32>
        tpu.vector_store %arg6[%swap3A_1664, %swap3A_1665], %swap3A_1668 {strides = array<i32>} : memref<264x128xf32, #tpu.memory_space<vmem>>, vector<1x16xf32>,
        %swap3A_1669 = arith.index_cast %while3A_1634 : i32 to index
        %swap3A_1670 = arith.constant 112 : index
        %swap3A_1671 = tpu.vector_load %arg6[%swap3A_1669, %swap3A_1670] {strides = array<i32>} : memref<264x128xf32, #tpu.memory_space<vmem>>, vector<1x16xf32>,
        %swap3A_1672 = vector.shape_cast %swap3A_1671 : vector<1x16xf32> to vector<16xf32>
        %swap3A_1673 = vector.shape_cast %get3A_520 : vector<16xf32> to vector<1x16xf32>
        tpu.vector_store %arg6[%swap3A_1669, %swap3A_1670], %swap3A_1673 {strides = array<i32>} : memref<264x128xf32, #tpu.memory_space<vmem>>, vector<1x16xf32>,
      }
    } else {
    }
    %convert_element_type3A_836 = arith.extui %lt3A_726 : i1 to i32
    %cond3A_837 = arith.constant 0 : i32
    %cond3A_838 = arith.cmpi ne, %convert_element_type3A_836, %cond3A_837 : i32
    scf.if %cond3A_838 {
      %add3A_1622 = arith.constant 0 : i32
      %add3A_1623 = arith.addi %select_n3A_173, %add3A_1622 : i32
      %ge3A_1624 = arith.cmpi sge, %add3A_1623, %select_n3A : i32
      %convert_element_type3A_1625 = arith.extui %ge3A_1624 : i1 to i32
      %ge3A_1626 = arith.cmpi sge, %add3A_1623, %add3A_131 : i32
      %convert_element_type3A_1627 = arith.extui %ge3A_1626 : i1 to i32
      %add3A_1628 = arith.addi %convert_element_type3A_1625, %convert_element_type3A_1627 : i32
      %ge3A_1629 = arith.cmpi sge, %add3A_1623, %add3A_133 : i32
      %convert_element_type3A_1630 = arith.extui %ge3A_1629 : i1 to i32
      %add3A_1631 = arith.addi %add3A_1628, %convert_element_type3A_1630 : i32
      %eq3A_1632 = arith.constant 0 : i32
      %eq3A_1633 = arith.cmpi eq, %add3A_1631, %eq3A_1632 : i32
      %eq3A_1634 = arith.constant 1 : i32
      %eq3A_1635 = arith.cmpi eq, %add3A_1631, %eq3A_1634 : i32
      %eq3A_1636 = arith.constant 2 : i32
      %eq3A_1637 = arith.cmpi eq, %add3A_1631, %eq3A_1636 : i32
      %select_n3A_1638 = arith.select %eq3A_1637, %add3A_131, %add3A_133 : i32
      %select_n3A_1639 = arith.select %eq3A_1635, %select_n3A, %select_n3A_1638 : i32
      %jit3A_1640 = arith.constant 0 : i32
      %select_n3A_1641 = arith.select %eq3A_1633, %jit3A_1640, %select_n3A_1639 : i32
      %sub3A_1642 = arith.subi %add3A_1623, %select_n3A_1641 : i32
      %mul3A_1643 = arith.constant 256 : i32
      %mul3A_1644 = arith.muli %sub3A_1642, %mul3A_1643 : i32
      %eq3A_1645 = arith.constant 0 : i32
      %eq3A_1646 = arith.cmpi eq, %add3A_1631, %eq3A_1645 : i32
      %eq3A_1647 = arith.constant 1 : i32
      %eq3A_1648 = arith.cmpi eq, %add3A_1631, %eq3A_1647 : i32
      %eq3A_1649 = arith.constant 2 : i32
      %eq3A_1650 = arith.cmpi eq, %add3A_1631, %eq3A_1649 : i32
      %select_n3A_1651 = arith.select %eq3A_1650, %squeeze3A_24, %squeeze3A_26 : i32
      %select_n3A_1652 = arith.select %eq3A_1648, %squeeze3A_22, %select_n3A_1651 : i32
      %select_n3A_1653 = arith.select %eq3A_1646, %squeeze3A, %select_n3A_1652 : i32
      %lt3A_1654 = arith.cmpi slt, %add3A_1623, %select_n3A_204 : i32
      %mul3A_1655 = arith.constant 8192 : i32
      %mul3A_1656 = arith.muli %add3A_1631, %mul3A_1655 : i32
      %add3A_1657 = arith.addi %mul3A_1656, %mul3A_1644 : i32
      %dma_start3A_1658 = arith.constant 1 : i32
      %dma_start3A_1659 = arith.constant 0 : i32
      %dma_start3A_1660 = tpu.memref_slice %arg6[%dma_start3A_1658, %dma_start3A_1659] : memref<264x128xf32, #tpu.memory_space<vmem>> -> memref<256x128xf32, #tpu.memory_space<vmem>>
      %dma_start3A_1661 = tpu.memref_reshape %arg4 : memref<4x8192x128xf32, #tpu.memory_space<hbm>> -> memref<32768x128xf32, #tpu.memory_space<hbm>>
      %dma_start3A_1662 = arith.constant 0 : i32
      %dma_start3A_1663 = tpu.memref_slice %dma_start3A_1661[%add3A_1657, %dma_start3A_1662] : memref<32768x128xf32, #tpu.memory_space<hbm>> -> memref<256x128xf32, #tpu.memory_space<hbm>>
      %dma_start3A_1664 = tpu.memref_reshape %arg4 : memref<4x8192x128xf32, #tpu.memory_space<hbm>> -> memref<32768x128xf32, #tpu.memory_space<hbm>>
      %dma_start3A_1665 = arith.constant 0 : i32
      %dma_start3A_1666 = tpu.memref_slice %dma_start3A_1664[%add3A_1657, %dma_start3A_1665] : memref<32768x128xf32, #tpu.memory_space<hbm>> -> memref<256x128xf32, #tpu.memory_space<hbm>>
      %dma_start3A_1667 = arith.constant 1 : i32
      %dma_start3A_1668 = arith.constant 0 : i32
      %dma_start3A_1669 = tpu.memref_slice %arg6[%dma_start3A_1667, %dma_start3A_1668] : memref<264x128xf32, #tpu.memory_space<vmem>> -> memref<256x128xf32, #tpu.memory_space<vmem>>
      tpu.enqueue_dma source(%dma_start3A_1669 : memref<256x128xf32, #tpu.memory_space<vmem>>) target(%dma_start3A_1666 : memref<256x128xf32, #tpu.memory_space<hbm>>) target_semaphore(%arg16 : memref<!tpu.dma_semaphore, #tpu.memory_space<semaphore_mem>>)
    } else {
    }
    %convert_element_type3A_839 = arith.extui %lt3A_726 : i1 to i32
    %cond3A_840 = arith.constant 0 : i32
    %cond3A_841 = arith.cmpi ne, %convert_element_type3A_839, %cond3A_840 : i32
    scf.if %cond3A_841 {
      %add3A_1622 = arith.constant 0 : i32
      %add3A_1623 = arith.addi %select_n3A_173, %add3A_1622 : i32
      %ge3A_1624 = arith.cmpi sge, %add3A_1623, %select_n3A : i32
      %convert_element_type3A_1625 = arith.extui %ge3A_1624 : i1 to i32
      %ge3A_1626 = arith.cmpi sge, %add3A_1623, %add3A_131 : i32
      %convert_element_type3A_1627 = arith.extui %ge3A_1626 : i1 to i32
      %add3A_1628 = arith.addi %convert_element_type3A_1625, %convert_element_type3A_1627 : i32
      %ge3A_1629 = arith.cmpi sge, %add3A_1623, %add3A_133 : i32
      %convert_element_type3A_1630 = arith.extui %ge3A_1629 : i1 to i32
      %add3A_1631 = arith.addi %add3A_1628, %convert_element_type3A_1630 : i32
      %eq3A_1632 = arith.constant 0 : i32
      %eq3A_1633 = arith.cmpi eq, %add3A_1631, %eq3A_1632 : i32
      %eq3A_1634 = arith.constant 1 : i32
      %eq3A_1635 = arith.cmpi eq, %add3A_1631, %eq3A_1634 : i32
      %eq3A_1636 = arith.constant 2 : i32
      %eq3A_1637 = arith.cmpi eq, %add3A_1631, %eq3A_1636 : i32
      %select_n3A_1638 = arith.select %eq3A_1637, %add3A_131, %add3A_133 : i32
      %select_n3A_1639 = arith.select %eq3A_1635, %select_n3A, %select_n3A_1638 : i32
      %jit3A_1640 = arith.constant 0 : i32
      %select_n3A_1641 = arith.select %eq3A_1633, %jit3A_1640, %select_n3A_1639 : i32
      %sub3A_1642 = arith.subi %add3A_1623, %select_n3A_1641 : i32
      %mul3A_1643 = arith.constant 256 : i32
      %mul3A_1644 = arith.muli %sub3A_1642, %mul3A_1643 : i32
      %eq3A_1645 = arith.constant 0 : i32
      %eq3A_1646 = arith.cmpi eq, %add3A_1631, %eq3A_1645 : i32
      %eq3A_1647 = arith.constant 1 : i32
      %eq3A_1648 = arith.cmpi eq, %add3A_1631, %eq3A_1647 : i32
      %eq3A_1649 = arith.constant 2 : i32
      %eq3A_1650 = arith.cmpi eq, %add3A_1631, %eq3A_1649 : i32
      %select_n3A_1651 = arith.select %eq3A_1650, %squeeze3A_24, %squeeze3A_26 : i32
      %select_n3A_1652 = arith.select %eq3A_1648, %squeeze3A_22, %select_n3A_1651 : i32
      %select_n3A_1653 = arith.select %eq3A_1646, %squeeze3A, %select_n3A_1652 : i32
      %lt3A_1654 = arith.cmpi slt, %add3A_1623, %select_n3A_204 : i32
      %mul3A_1655 = arith.constant 8192 : i32
      %mul3A_1656 = arith.muli %add3A_1631, %mul3A_1655 : i32
      %add3A_1657 = arith.addi %mul3A_1656, %mul3A_1644 : i32
      %dma_wait3A_1658 = arith.constant 1 : i32
      %dma_wait3A_1659 = arith.constant 0 : i32
      %dma_wait3A_1660 = tpu.memref_slice %arg6[%dma_wait3A_1658, %dma_wait3A_1659] : memref<264x128xf32, #tpu.memory_space<vmem>> -> memref<256x128xf32, #tpu.memory_space<vmem>>
      %dma_wait3A_1661 = tpu.memref_reshape %arg4 : memref<4x8192x128xf32, #tpu.memory_space<hbm>> -> memref<32768x128xf32, #tpu.memory_space<hbm>>
      %dma_wait3A_1662 = arith.constant 0 : i32
      %dma_wait3A_1663 = tpu.memref_slice %dma_wait3A_1661[%add3A_1657, %dma_wait3A_1662] : memref<32768x128xf32, #tpu.memory_space<hbm>> -> memref<256x128xf32, #tpu.memory_space<hbm>>
      %dma_wait3A_1664 = tpu.memref_reshape %arg4 : memref<4x8192x128xf32, #tpu.memory_space<hbm>> -> memref<32768x128xf32, #tpu.memory_space<hbm>>
      %dma_wait3A_1665 = arith.constant 0 : i32
      %dma_wait3A_1666 = tpu.memref_slice %dma_wait3A_1664[%add3A_1657, %dma_wait3A_1665] : memref<32768x128xf32, #tpu.memory_space<hbm>> -> memref<256x128xf32, #tpu.memory_space<hbm>>
      %dma_wait3A_1667 = arith.constant 1 : i32
      %dma_wait3A_1668 = arith.constant 0 : i32
      %dma_wait3A_1669 = tpu.memref_slice %arg6[%dma_wait3A_1667, %dma_wait3A_1668] : memref<264x128xf32, #tpu.memory_space<vmem>> -> memref<256x128xf32, #tpu.memory_space<vmem>>
      tpu.wait_dma2 semaphore(%arg16 : memref<!tpu.dma_semaphore, #tpu.memory_space<semaphore_mem>>) src(%dma_wait3A_1669 : memref<256x128xf32, #tpu.memory_space<vmem>>) dst(%dma_wait3A_1666 : memref<256x128xf32, #tpu.memory_space<hbm>>)
    } else {
    }
    %add3A_842 = arith.constant 3 : i32
    %add3A_843 = arith.addi %select_n3A_173, %add3A_842 : i32
    %ge3A_844 = arith.cmpi sge, %add3A_843, %select_n3A : i32
    %convert_element_type3A_845 = arith.extui %ge3A_844 : i1 to i32
    %ge3A_846 = arith.cmpi sge, %add3A_843, %add3A_131 : i32
    %convert_element_type3A_847 = arith.extui %ge3A_846 : i1 to i32
    %add3A_848 = arith.addi %convert_element_type3A_845, %convert_element_type3A_847 : i32
    %ge3A_849 = arith.cmpi sge, %add3A_843, %add3A_133 : i32
    %convert_element_type3A_850 = arith.extui %ge3A_849 : i1 to i32
    %add3A_851 = arith.addi %add3A_848, %convert_element_type3A_850 : i32
    %eq3A_852 = arith.constant 0 : i32
    %eq3A_853 = arith.cmpi eq, %add3A_851, %eq3A_852 : i32
    %eq3A_854 = arith.constant 1 : i32
    %eq3A_855 = arith.cmpi eq, %add3A_851, %eq3A_854 : i32
    %eq3A_856 = arith.constant 2 : i32
    %eq3A_857 = arith.cmpi eq, %add3A_851, %eq3A_856 : i32
    %select_n3A_858 = arith.select %eq3A_857, %add3A_131, %add3A_133 : i32
    %select_n3A_859 = arith.select %eq3A_855, %select_n3A, %select_n3A_858 : i32
    %jit3A_860 = arith.constant 0 : i32
    %select_n3A_861 = arith.select %eq3A_853, %jit3A_860, %select_n3A_859 : i32
    %sub3A_862 = arith.subi %add3A_843, %select_n3A_861 : i32
    %mul3A_863 = arith.constant 256 : i32
    %mul3A_864 = arith.muli %sub3A_862, %mul3A_863 : i32
    %eq3A_865 = arith.constant 0 : i32
    %eq3A_866 = arith.cmpi eq, %add3A_851, %eq3A_865 : i32
    %eq3A_867 = arith.constant 1 : i32
    %eq3A_868 = arith.cmpi eq, %add3A_851, %eq3A_867 : i32
    %eq3A_869 = arith.constant 2 : i32
    %eq3A_870 = arith.cmpi eq, %add3A_851, %eq3A_869 : i32
    %select_n3A_871 = arith.select %eq3A_870, %squeeze3A_24, %squeeze3A_26 : i32
    %select_n3A_872 = arith.select %eq3A_868, %squeeze3A_22, %select_n3A_871 : i32
    %select_n3A_873 = arith.select %eq3A_866, %squeeze3A, %select_n3A_872 : i32
    %lt3A_874 = arith.cmpi slt, %add3A_843, %select_n3A_204 : i32
    %add3A_875 = arith.constant 3 : i32
    %add3A_876 = arith.addi %select_n3A_173, %add3A_875 : i32
    %ge3A_877 = arith.cmpi sge, %add3A_876, %select_n3A : i32
    %convert_element_type3A_878 = arith.extui %ge3A_877 : i1 to i32
    %ge3A_879 = arith.cmpi sge, %add3A_876, %add3A_131 : i32
    %convert_element_type3A_880 = arith.extui %ge3A_879 : i1 to i32
    %add3A_881 = arith.addi %convert_element_type3A_878, %convert_element_type3A_880 : i32
    %ge3A_882 = arith.cmpi sge, %add3A_876, %add3A_133 : i32
    %convert_element_type3A_883 = arith.extui %ge3A_882 : i1 to i32
    %add3A_884 = arith.addi %add3A_881, %convert_element_type3A_883 : i32
    %eq3A_885 = arith.constant 0 : i32
    %eq3A_886 = arith.cmpi eq, %add3A_884, %eq3A_885 : i32
    %eq3A_887 = arith.constant 1 : i32
    %eq3A_888 = arith.cmpi eq, %add3A_884, %eq3A_887 : i32
    %eq3A_889 = arith.constant 2 : i32
    %eq3A_890 = arith.cmpi eq, %add3A_884, %eq3A_889 : i32
    %select_n3A_891 = arith.select %eq3A_890, %add3A_131, %add3A_133 : i32
    %select_n3A_892 = arith.select %eq3A_888, %select_n3A, %select_n3A_891 : i32
    %jit3A_893 = arith.constant 0 : i32
    %select_n3A_894 = arith.select %eq3A_886, %jit3A_893, %select_n3A_892 : i32
    %sub3A_895 = arith.subi %add3A_876, %select_n3A_894 : i32
    %mul3A_896 = arith.constant 256 : i32
    %mul3A_897 = arith.muli %sub3A_895, %mul3A_896 : i32
    %eq3A_898 = arith.constant 0 : i32
    %eq3A_899 = arith.cmpi eq, %add3A_884, %eq3A_898 : i32
    %eq3A_900 = arith.constant 1 : i32
    %eq3A_901 = arith.cmpi eq, %add3A_884, %eq3A_900 : i32
    %eq3A_902 = arith.constant 2 : i32
    %eq3A_903 = arith.cmpi eq, %add3A_884, %eq3A_902 : i32
    %select_n3A_904 = arith.select %eq3A_903, %squeeze3A_24, %squeeze3A_26 : i32
    %select_n3A_905 = arith.select %eq3A_901, %squeeze3A_22, %select_n3A_904 : i32
    %select_n3A_906 = arith.select %eq3A_899, %squeeze3A, %select_n3A_905 : i32
    %lt3A_907 = arith.cmpi slt, %add3A_876, %select_n3A_204 : i32
    %convert_element_type3A_908 = arith.extui %lt3A_874 : i1 to i32
    %cond3A_909 = arith.constant 0 : i32
    %cond3A_910 = arith.cmpi ne, %convert_element_type3A_908, %cond3A_909 : i32
    scf.if %cond3A_910 {
      %eq3A_1622 = arith.constant 7936 : i32
      %eq3A_1623 = arith.cmpi eq, %mul3A_864, %eq3A_1622 : i32
      %convert_element_type3A_1624 = arith.extui %eq3A_1623 : i1 to i32
      %cond3A_1625 = arith.constant 0 : i32
      %cond3A_1626 = arith.cmpi ne, %convert_element_type3A_1624, %cond3A_1625 : i32
      scf.if %cond3A_1626 {
        %dma_start3A_1632 = arith.constant 0 : i32
        %dma_start3A_1633 = arith.constant 0 : i32
        %dma_start3A_1634 = tpu.memref_slice %arg6[%dma_start3A_1632, %dma_start3A_1633] : memref<264x128xf32, #tpu.memory_space<vmem>> -> memref<256x128xf32, #tpu.memory_space<vmem>>
        %dma_start3A_1635 = arith.constant 0 : i32
        %dma_start3A_1636 = tpu.memref_slice %arg3[%mul3A_897, %dma_start3A_1635] : memref<8192x128xf32, #tpu.memory_space<hbm>> -> memref<256x128xf32, #tpu.memory_space<hbm>>
        %dma_start3A_1637 = arith.constant 0 : i32
        %dma_start3A_1638 = arith.constant 0 : i32
        %dma_start3A_1639 = tpu.memref_slice %arg6[%dma_start3A_1637, %dma_start3A_1638] : memref<264x128xf32, #tpu.memory_space<vmem>> -> memref<256x128xf32, #tpu.memory_space<vmem>>
        %dma_start3A_1640 = arith.constant 0 : i32
        %dma_start3A_1641 = tpu.memref_slice %arg3[%mul3A_897, %dma_start3A_1640] : memref<8192x128xf32, #tpu.memory_space<hbm>> -> memref<256x128xf32, #tpu.memory_space<hbm>>
        tpu.enqueue_dma source(%dma_start3A_1641 : memref<256x128xf32, #tpu.memory_space<hbm>>) target(%dma_start3A_1639 : memref<256x128xf32, #tpu.memory_space<vmem>>) target_semaphore(%arg13 : memref<!tpu.dma_semaphore, #tpu.memory_space<semaphore_mem>>)
      } else {
      }
      %ne3A_1627 = arith.constant 7936 : i32
      %ne3A_1628 = arith.cmpi ne, %mul3A_864, %ne3A_1627 : i32
      %convert_element_type3A_1629 = arith.extui %ne3A_1628 : i1 to i32
      %cond3A_1630 = arith.constant 0 : i32
      %cond3A_1631 = arith.cmpi ne, %convert_element_type3A_1629, %cond3A_1630 : i32
      scf.if %cond3A_1631 {
        %dma_start3A_1632 = arith.constant 0 : i32
        %dma_start3A_1633 = arith.constant 0 : i32
        %dma_start3A_1634 = tpu.memref_slice %arg6[%dma_start3A_1632, %dma_start3A_1633] : memref<264x128xf32, #tpu.memory_space<vmem>> -> memref<264x128xf32, #tpu.memory_space<vmem>>
        %dma_start3A_1635 = arith.constant 0 : i32
        %dma_start3A_1636 = tpu.memref_slice %arg3[%mul3A_897, %dma_start3A_1635] : memref<8192x128xf32, #tpu.memory_space<hbm>> -> memref<264x128xf32, #tpu.memory_space<hbm>>
        %dma_start3A_1637 = arith.constant 0 : i32
        %dma_start3A_1638 = arith.constant 0 : i32
        %dma_start3A_1639 = tpu.memref_slice %arg6[%dma_start3A_1637, %dma_start3A_1638] : memref<264x128xf32, #tpu.memory_space<vmem>> -> memref<264x128xf32, #tpu.memory_space<vmem>>
        %dma_start3A_1640 = arith.constant 0 : i32
        %dma_start3A_1641 = tpu.memref_slice %arg3[%mul3A_897, %dma_start3A_1640] : memref<8192x128xf32, #tpu.memory_space<hbm>> -> memref<264x128xf32, #tpu.memory_space<hbm>>
        tpu.enqueue_dma source(%dma_start3A_1641 : memref<264x128xf32, #tpu.memory_space<hbm>>) target(%dma_start3A_1639 : memref<264x128xf32, #tpu.memory_space<vmem>>) target_semaphore(%arg13 : memref<!tpu.dma_semaphore, #tpu.memory_space<semaphore_mem>>)
      } else {
      }
    } else {
    }
    %add3A_911 = arith.constant 1 : i32
    %add3A_912 = arith.addi %select_n3A_173, %add3A_911 : i32
    %ge3A_913 = arith.cmpi sge, %add3A_912, %select_n3A : i32
    %convert_element_type3A_914 = arith.extui %ge3A_913 : i1 to i32
    %ge3A_915 = arith.cmpi sge, %add3A_912, %add3A_131 : i32
    %convert_element_type3A_916 = arith.extui %ge3A_915 : i1 to i32
    %add3A_917 = arith.addi %convert_element_type3A_914, %convert_element_type3A_916 : i32
    %ge3A_918 = arith.cmpi sge, %add3A_912, %add3A_133 : i32
    %convert_element_type3A_919 = arith.extui %ge3A_918 : i1 to i32
    %add3A_920 = arith.addi %add3A_917, %convert_element_type3A_919 : i32
    %eq3A_921 = arith.constant 0 : i32
    %eq3A_922 = arith.cmpi eq, %add3A_920, %eq3A_921 : i32
    %eq3A_923 = arith.constant 1 : i32
    %eq3A_924 = arith.cmpi eq, %add3A_920, %eq3A_923 : i32
    %eq3A_925 = arith.constant 2 : i32
    %eq3A_926 = arith.cmpi eq, %add3A_920, %eq3A_925 : i32
    %select_n3A_927 = arith.select %eq3A_926, %add3A_131, %add3A_133 : i32
    %select_n3A_928 = arith.select %eq3A_924, %select_n3A, %select_n3A_927 : i32
    %jit3A_929 = arith.constant 0 : i32
    %select_n3A_930 = arith.select %eq3A_922, %jit3A_929, %select_n3A_928 : i32
    %sub3A_931 = arith.subi %add3A_912, %select_n3A_930 : i32
    %mul3A_932 = arith.constant 256 : i32
    %mul3A_933 = arith.muli %sub3A_931, %mul3A_932 : i32
    %eq3A_934 = arith.constant 0 : i32
    %eq3A_935 = arith.cmpi eq, %add3A_920, %eq3A_934 : i32
    %eq3A_936 = arith.constant 1 : i32
    %eq3A_937 = arith.cmpi eq, %add3A_920, %eq3A_936 : i32
    %eq3A_938 = arith.constant 2 : i32
    %eq3A_939 = arith.cmpi eq, %add3A_920, %eq3A_938 : i32
    %select_n3A_940 = arith.select %eq3A_939, %squeeze3A_24, %squeeze3A_26 : i32
    %select_n3A_941 = arith.select %eq3A_937, %squeeze3A_22, %select_n3A_940 : i32
    %select_n3A_942 = arith.select %eq3A_935, %squeeze3A, %select_n3A_941 : i32
    %lt3A_943 = arith.cmpi slt, %add3A_912, %select_n3A_204 : i32
    %add3A_944 = arith.constant 1 : i32
    %add3A_945 = arith.addi %select_n3A_173, %add3A_944 : i32
    %ge3A_946 = arith.cmpi sge, %add3A_945, %select_n3A : i32
    %convert_element_type3A_947 = arith.extui %ge3A_946 : i1 to i32
    %ge3A_948 = arith.cmpi sge, %add3A_945, %add3A_131 : i32
    %convert_element_type3A_949 = arith.extui %ge3A_948 : i1 to i32
    %add3A_950 = arith.addi %convert_element_type3A_947, %convert_element_type3A_949 : i32
    %ge3A_951 = arith.cmpi sge, %add3A_945, %add3A_133 : i32
    %convert_element_type3A_952 = arith.extui %ge3A_951 : i1 to i32
    %add3A_953 = arith.addi %add3A_950, %convert_element_type3A_952 : i32
    %eq3A_954 = arith.constant 0 : i32
    %eq3A_955 = arith.cmpi eq, %add3A_953, %eq3A_954 : i32
    %eq3A_956 = arith.constant 1 : i32
    %eq3A_957 = arith.cmpi eq, %add3A_953, %eq3A_956 : i32
    %eq3A_958 = arith.constant 2 : i32
    %eq3A_959 = arith.cmpi eq, %add3A_953, %eq3A_958 : i32
    %select_n3A_960 = arith.select %eq3A_959, %add3A_131, %add3A_133 : i32
    %select_n3A_961 = arith.select %eq3A_957, %select_n3A, %select_n3A_960 : i32
    %jit3A_962 = arith.constant 0 : i32
    %select_n3A_963 = arith.select %eq3A_955, %jit3A_962, %select_n3A_961 : i32
    %sub3A_964 = arith.subi %add3A_945, %select_n3A_963 : i32
    %mul3A_965 = arith.constant 256 : i32
    %mul3A_966 = arith.muli %sub3A_964, %mul3A_965 : i32
    %eq3A_967 = arith.constant 0 : i32
    %eq3A_968 = arith.cmpi eq, %add3A_953, %eq3A_967 : i32
    %eq3A_969 = arith.constant 1 : i32
    %eq3A_970 = arith.cmpi eq, %add3A_953, %eq3A_969 : i32
    %eq3A_971 = arith.constant 2 : i32
    %eq3A_972 = arith.cmpi eq, %add3A_953, %eq3A_971 : i32
    %select_n3A_973 = arith.select %eq3A_972, %squeeze3A_24, %squeeze3A_26 : i32
    %select_n3A_974 = arith.select %eq3A_970, %squeeze3A_22, %select_n3A_973 : i32
    %select_n3A_975 = arith.select %eq3A_968, %squeeze3A, %select_n3A_974 : i32
    %lt3A_976 = arith.cmpi slt, %add3A_945, %select_n3A_204 : i32
    %add3A_977 = arith.constant 1 : i32
    %add3A_978 = arith.addi %select_n3A_173, %add3A_977 : i32
    %ge3A_979 = arith.cmpi sge, %add3A_978, %select_n3A : i32
    %convert_element_type3A_980 = arith.extui %ge3A_979 : i1 to i32
    %ge3A_981 = arith.cmpi sge, %add3A_978, %add3A_131 : i32
    %convert_element_type3A_982 = arith.extui %ge3A_981 : i1 to i32
    %add3A_983 = arith.addi %convert_element_type3A_980, %convert_element_type3A_982 : i32
    %ge3A_984 = arith.cmpi sge, %add3A_978, %add3A_133 : i32
    %convert_element_type3A_985 = arith.extui %ge3A_984 : i1 to i32
    %add3A_986 = arith.addi %add3A_983, %convert_element_type3A_985 : i32
    %eq3A_987 = arith.constant 0 : i32
    %eq3A_988 = arith.cmpi eq, %add3A_986, %eq3A_987 : i32
    %eq3A_989 = arith.constant 1 : i32
    %eq3A_990 = arith.cmpi eq, %add3A_986, %eq3A_989 : i32
    %eq3A_991 = arith.constant 2 : i32
    %eq3A_992 = arith.cmpi eq, %add3A_986, %eq3A_991 : i32
    %select_n3A_993 = arith.select %eq3A_992, %add3A_131, %add3A_133 : i32
    %select_n3A_994 = arith.select %eq3A_990, %select_n3A, %select_n3A_993 : i32
    %jit3A_995 = arith.constant 0 : i32
    %select_n3A_996 = arith.select %eq3A_988, %jit3A_995, %select_n3A_994 : i32
    %sub3A_997 = arith.subi %add3A_978, %select_n3A_996 : i32
    %mul3A_998 = arith.constant 256 : i32
    %mul3A_999 = arith.muli %sub3A_997, %mul3A_998 : i32
    %eq3A_1000 = arith.constant 0 : i32
    %eq3A_1001 = arith.cmpi eq, %add3A_986, %eq3A_1000 : i32
    %eq3A_1002 = arith.constant 1 : i32
    %eq3A_1003 = arith.cmpi eq, %add3A_986, %eq3A_1002 : i32
    %eq3A_1004 = arith.constant 2 : i32
    %eq3A_1005 = arith.cmpi eq, %add3A_986, %eq3A_1004 : i32
    %select_n3A_1006 = arith.select %eq3A_1005, %squeeze3A_24, %squeeze3A_26 : i32
    %select_n3A_1007 = arith.select %eq3A_1003, %squeeze3A_22, %select_n3A_1006 : i32
    %select_n3A_1008 = arith.select %eq3A_1001, %squeeze3A, %select_n3A_1007 : i32
    %lt3A_1009 = arith.cmpi slt, %add3A_978, %select_n3A_204 : i32
    %convert_element_type3A_1010 = arith.extui %lt3A_976 : i1 to i32
    %cond3A_1011 = arith.constant 0 : i32
    %cond3A_1012 = arith.cmpi ne, %convert_element_type3A_1010, %cond3A_1011 : i32
    scf.if %cond3A_1012 {
      %eq3A_1622 = arith.constant 7936 : i32
      %eq3A_1623 = arith.cmpi eq, %mul3A_966, %eq3A_1622 : i32
      %convert_element_type3A_1624 = arith.extui %eq3A_1623 : i1 to i32
      %cond3A_1625 = arith.constant 0 : i32
      %cond3A_1626 = arith.cmpi ne, %convert_element_type3A_1624, %cond3A_1625 : i32
      scf.if %cond3A_1626 {
        %dma_wait3A_1632 = arith.constant 0 : i32
        %dma_wait3A_1633 = arith.constant 0 : i32
        %dma_wait3A_1634 = tpu.memref_slice %arg7[%dma_wait3A_1632, %dma_wait3A_1633] : memref<264x128xf32, #tpu.memory_space<vmem>> -> memref<256x128xf32, #tpu.memory_space<vmem>>
        %dma_wait3A_1635 = arith.constant 0 : i32
        %dma_wait3A_1636 = tpu.memref_slice %arg3[%mul3A_999, %dma_wait3A_1635] : memref<8192x128xf32, #tpu.memory_space<hbm>> -> memref<256x128xf32, #tpu.memory_space<hbm>>
        %dma_wait3A_1637 = arith.constant 0 : i32
        %dma_wait3A_1638 = arith.constant 0 : i32
        %dma_wait3A_1639 = tpu.memref_slice %arg7[%dma_wait3A_1637, %dma_wait3A_1638] : memref<264x128xf32, #tpu.memory_space<vmem>> -> memref<256x128xf32, #tpu.memory_space<vmem>>
        %dma_wait3A_1640 = arith.constant 0 : i32
        %dma_wait3A_1641 = tpu.memref_slice %arg3[%mul3A_999, %dma_wait3A_1640] : memref<8192x128xf32, #tpu.memory_space<hbm>> -> memref<256x128xf32, #tpu.memory_space<hbm>>
        tpu.wait_dma2 semaphore(%arg14 : memref<!tpu.dma_semaphore, #tpu.memory_space<semaphore_mem>>) src(%dma_wait3A_1641 : memref<256x128xf32, #tpu.memory_space<hbm>>) dst(%dma_wait3A_1639 : memref<256x128xf32, #tpu.memory_space<vmem>>)
      } else {
      }
      %ne3A_1627 = arith.constant 7936 : i32
      %ne3A_1628 = arith.cmpi ne, %mul3A_966, %ne3A_1627 : i32
      %convert_element_type3A_1629 = arith.extui %ne3A_1628 : i1 to i32
      %cond3A_1630 = arith.constant 0 : i32
      %cond3A_1631 = arith.cmpi ne, %convert_element_type3A_1629, %cond3A_1630 : i32
      scf.if %cond3A_1631 {
        %dma_wait3A_1632 = arith.constant 0 : i32
        %dma_wait3A_1633 = arith.constant 0 : i32
        %dma_wait3A_1634 = tpu.memref_slice %arg7[%dma_wait3A_1632, %dma_wait3A_1633] : memref<264x128xf32, #tpu.memory_space<vmem>> -> memref<264x128xf32, #tpu.memory_space<vmem>>
        %dma_wait3A_1635 = arith.constant 0 : i32
        %dma_wait3A_1636 = tpu.memref_slice %arg3[%mul3A_999, %dma_wait3A_1635] : memref<8192x128xf32, #tpu.memory_space<hbm>> -> memref<264x128xf32, #tpu.memory_space<hbm>>
        %dma_wait3A_1637 = arith.constant 0 : i32
        %dma_wait3A_1638 = arith.constant 0 : i32
        %dma_wait3A_1639 = tpu.memref_slice %arg7[%dma_wait3A_1637, %dma_wait3A_1638] : memref<264x128xf32, #tpu.memory_space<vmem>> -> memref<264x128xf32, #tpu.memory_space<vmem>>
        %dma_wait3A_1640 = arith.constant 0 : i32
        %dma_wait3A_1641 = tpu.memref_slice %arg3[%mul3A_999, %dma_wait3A_1640] : memref<8192x128xf32, #tpu.memory_space<hbm>> -> memref<264x128xf32, #tpu.memory_space<hbm>>
        tpu.wait_dma2 semaphore(%arg14 : memref<!tpu.dma_semaphore, #tpu.memory_space<semaphore_mem>>) src(%dma_wait3A_1641 : memref<264x128xf32, #tpu.memory_space<hbm>>) dst(%dma_wait3A_1639 : memref<264x128xf32, #tpu.memory_space<vmem>>)
      } else {
      }
    } else {
    }
    %add3A_1013 = arith.constant 1 : i32
    %add3A_1014 = arith.addi %select_n3A_173, %add3A_1013 : i32
    %ge3A_1015 = arith.cmpi sge, %add3A_1014, %select_n3A : i32
    %convert_element_type3A_1016 = arith.extui %ge3A_1015 : i1 to i32
    %ge3A_1017 = arith.cmpi sge, %add3A_1014, %add3A_131 : i32
    %convert_element_type3A_1018 = arith.extui %ge3A_1017 : i1 to i32
    %add3A_1019 = arith.addi %convert_element_type3A_1016, %convert_element_type3A_1018 : i32
    %ge3A_1020 = arith.cmpi sge, %add3A_1014, %add3A_133 : i32
    %convert_element_type3A_1021 = arith.extui %ge3A_1020 : i1 to i32
    %add3A_1022 = arith.addi %add3A_1019, %convert_element_type3A_1021 : i32
    %eq3A_1023 = arith.constant 0 : i32
    %eq3A_1024 = arith.cmpi eq, %add3A_1022, %eq3A_1023 : i32
    %eq3A_1025 = arith.constant 1 : i32
    %eq3A_1026 = arith.cmpi eq, %add3A_1022, %eq3A_1025 : i32
    %eq3A_1027 = arith.constant 2 : i32
    %eq3A_1028 = arith.cmpi eq, %add3A_1022, %eq3A_1027 : i32
    %select_n3A_1029 = arith.select %eq3A_1028, %add3A_131, %add3A_133 : i32
    %select_n3A_1030 = arith.select %eq3A_1026, %select_n3A, %select_n3A_1029 : i32
    %jit3A_1031 = arith.constant 0 : i32
    %select_n3A_1032 = arith.select %eq3A_1024, %jit3A_1031, %select_n3A_1030 : i32
    %sub3A_1033 = arith.subi %add3A_1014, %select_n3A_1032 : i32
    %mul3A_1034 = arith.constant 256 : i32
    %mul3A_1035 = arith.muli %sub3A_1033, %mul3A_1034 : i32
    %eq3A_1036 = arith.constant 0 : i32
    %eq3A_1037 = arith.cmpi eq, %add3A_1022, %eq3A_1036 : i32
    %eq3A_1038 = arith.constant 1 : i32
    %eq3A_1039 = arith.cmpi eq, %add3A_1022, %eq3A_1038 : i32
    %eq3A_1040 = arith.constant 2 : i32
    %eq3A_1041 = arith.cmpi eq, %add3A_1022, %eq3A_1040 : i32
    %select_n3A_1042 = arith.select %eq3A_1041, %squeeze3A_24, %squeeze3A_26 : i32
    %select_n3A_1043 = arith.select %eq3A_1039, %squeeze3A_22, %select_n3A_1042 : i32
    %select_n3A_1044 = arith.select %eq3A_1037, %squeeze3A, %select_n3A_1043 : i32
    %lt3A_1045 = arith.cmpi slt, %add3A_1014, %select_n3A_204 : i32
    %add3A_1046 = arith.constant 256 : i32
    %add3A_1047 = arith.addi %mul3A_1035, %add3A_1046 : i32
    %lt3A_1048 = arith.cmpi slt, %select_n3A_1044, %add3A_1047 : i32
    %and3A_1049 = arith.andi %lt3A_1045, %lt3A_1048 : i1
    %convert_element_type3A_1050 = arith.extui %and3A_1049 : i1 to i32
    %cond3A_1051 = arith.constant 0 : i32
    %cond3A_1052 = arith.cmpi ne, %convert_element_type3A_1050, %cond3A_1051 : i32
    scf.if %cond3A_1052 {
      %sub3A_1622 = arith.subi %select_n3A_1044, %mul3A_1035 : i32
      %add3A_1623 = arith.constant 1 : i32
      %add3A_1624 = arith.addi %sub3A_1622, %add3A_1623 : i32
      %while3A = arith.constant 0 : i32
      %while3A_1625 = arith.constant 257 : i32
      %while3A_1626 = arith.subi %while3A_1625, %add3A_1624 : i32
      %while3A_1627 = arith.addi %add3A_1624, %while3A_1626 : i32
      %while3A_1628 = arith.constant 1 : i32
      %while3A_1629 = arith.divsi %while3A_1626, %while3A_1628 : i32
      %while3A_1630 = arith.muli %while3A_1629, %while3A_1628 : i32
      %while3A_1631 = arith.addi %add3A_1624, %while3A_1630 : i32
      %while3A_1632 = arith.constant 1 : i32
      scf.for %while3A_1634 = %add3A_1624 to %while3A_1631 step %while3A_1632  : i32 {
        %swap3A = arith.index_cast %while3A_1634 : i32 to index
        %swap3A_1635 = arith.constant 0 : index
        %swap3A_1636 = tpu.vector_load %arg7[%swap3A, %swap3A_1635] {strides = array<i32>} : memref<264x128xf32, #tpu.memory_space<vmem>>, vector<1x16xf32>,
        %swap3A_1637 = vector.shape_cast %swap3A_1636 : vector<1x16xf32> to vector<16xf32>
        %swap3A_1638 = vector.shape_cast %get3A_485 : vector<16xf32> to vector<1x16xf32>
        tpu.vector_store %arg7[%swap3A, %swap3A_1635], %swap3A_1638 {strides = array<i32>} : memref<264x128xf32, #tpu.memory_space<vmem>>, vector<1x16xf32>,
        %swap3A_1639 = arith.index_cast %while3A_1634 : i32 to index
        %swap3A_1640 = arith.constant 16 : index
        %swap3A_1641 = tpu.vector_load %arg7[%swap3A_1639, %swap3A_1640] {strides = array<i32>} : memref<264x128xf32, #tpu.memory_space<vmem>>, vector<1x16xf32>,
        %swap3A_1642 = vector.shape_cast %swap3A_1641 : vector<1x16xf32> to vector<16xf32>
        %swap3A_1643 = vector.shape_cast %get3A_490 : vector<16xf32> to vector<1x16xf32>
        tpu.vector_store %arg7[%swap3A_1639, %swap3A_1640], %swap3A_1643 {strides = array<i32>} : memref<264x128xf32, #tpu.memory_space<vmem>>, vector<1x16xf32>,
        %swap3A_1644 = arith.index_cast %while3A_1634 : i32 to index
        %swap3A_1645 = arith.constant 32 : index
        %swap3A_1646 = tpu.vector_load %arg7[%swap3A_1644, %swap3A_1645] {strides = array<i32>} : memref<264x128xf32, #tpu.memory_space<vmem>>, vector<1x16xf32>,
        %swap3A_1647 = vector.shape_cast %swap3A_1646 : vector<1x16xf32> to vector<16xf32>
        %swap3A_1648 = vector.shape_cast %get3A_495 : vector<16xf32> to vector<1x16xf32>
        tpu.vector_store %arg7[%swap3A_1644, %swap3A_1645], %swap3A_1648 {strides = array<i32>} : memref<264x128xf32, #tpu.memory_space<vmem>>, vector<1x16xf32>,
        %swap3A_1649 = arith.index_cast %while3A_1634 : i32 to index
        %swap3A_1650 = arith.constant 48 : index
        %swap3A_1651 = tpu.vector_load %arg7[%swap3A_1649, %swap3A_1650] {strides = array<i32>} : memref<264x128xf32, #tpu.memory_space<vmem>>, vector<1x16xf32>,
        %swap3A_1652 = vector.shape_cast %swap3A_1651 : vector<1x16xf32> to vector<16xf32>
        %swap3A_1653 = vector.shape_cast %get3A_500 : vector<16xf32> to vector<1x16xf32>
        tpu.vector_store %arg7[%swap3A_1649, %swap3A_1650], %swap3A_1653 {strides = array<i32>} : memref<264x128xf32, #tpu.memory_space<vmem>>, vector<1x16xf32>,
        %swap3A_1654 = arith.index_cast %while3A_1634 : i32 to index
        %swap3A_1655 = arith.constant 64 : index
        %swap3A_1656 = tpu.vector_load %arg7[%swap3A_1654, %swap3A_1655] {strides = array<i32>} : memref<264x128xf32, #tpu.memory_space<vmem>>, vector<1x16xf32>,
        %swap3A_1657 = vector.shape_cast %swap3A_1656 : vector<1x16xf32> to vector<16xf32>
        %swap3A_1658 = vector.shape_cast %get3A_505 : vector<16xf32> to vector<1x16xf32>
        tpu.vector_store %arg7[%swap3A_1654, %swap3A_1655], %swap3A_1658 {strides = array<i32>} : memref<264x128xf32, #tpu.memory_space<vmem>>, vector<1x16xf32>,
        %swap3A_1659 = arith.index_cast %while3A_1634 : i32 to index
        %swap3A_1660 = arith.constant 80 : index
        %swap3A_1661 = tpu.vector_load %arg7[%swap3A_1659, %swap3A_1660] {strides = array<i32>} : memref<264x128xf32, #tpu.memory_space<vmem>>, vector<1x16xf32>,
        %swap3A_1662 = vector.shape_cast %swap3A_1661 : vector<1x16xf32> to vector<16xf32>
        %swap3A_1663 = vector.shape_cast %get3A_510 : vector<16xf32> to vector<1x16xf32>
        tpu.vector_store %arg7[%swap3A_1659, %swap3A_1660], %swap3A_1663 {strides = array<i32>} : memref<264x128xf32, #tpu.memory_space<vmem>>, vector<1x16xf32>,
        %swap3A_1664 = arith.index_cast %while3A_1634 : i32 to index
        %swap3A_1665 = arith.constant 96 : index
        %swap3A_1666 = tpu.vector_load %arg7[%swap3A_1664, %swap3A_1665] {strides = array<i32>} : memref<264x128xf32, #tpu.memory_space<vmem>>, vector<1x16xf32>,
        %swap3A_1667 = vector.shape_cast %swap3A_1666 : vector<1x16xf32> to vector<16xf32>
        %swap3A_1668 = vector.shape_cast %get3A_515 : vector<16xf32> to vector<1x16xf32>
        tpu.vector_store %arg7[%swap3A_1664, %swap3A_1665], %swap3A_1668 {strides = array<i32>} : memref<264x128xf32, #tpu.memory_space<vmem>>, vector<1x16xf32>,
        %swap3A_1669 = arith.index_cast %while3A_1634 : i32 to index
        %swap3A_1670 = arith.constant 112 : index
        %swap3A_1671 = tpu.vector_load %arg7[%swap3A_1669, %swap3A_1670] {strides = array<i32>} : memref<264x128xf32, #tpu.memory_space<vmem>>, vector<1x16xf32>,
        %swap3A_1672 = vector.shape_cast %swap3A_1671 : vector<1x16xf32> to vector<16xf32>
        %swap3A_1673 = vector.shape_cast %get3A_520 : vector<16xf32> to vector<1x16xf32>
        tpu.vector_store %arg7[%swap3A_1669, %swap3A_1670], %swap3A_1673 {strides = array<i32>} : memref<264x128xf32, #tpu.memory_space<vmem>>, vector<1x16xf32>,
      }
      %while3A_1633 = arith.constant 1 : i32
      scf.for %while3A_1634 = %while3A_1631 to %while3A_1627 step %while3A_1633  : i32 {
        %swap3A = arith.index_cast %while3A_1634 : i32 to index
        %swap3A_1635 = arith.constant 0 : index
        %swap3A_1636 = tpu.vector_load %arg7[%swap3A, %swap3A_1635] {strides = array<i32>} : memref<264x128xf32, #tpu.memory_space<vmem>>, vector<1x16xf32>,
        %swap3A_1637 = vector.shape_cast %swap3A_1636 : vector<1x16xf32> to vector<16xf32>
        %swap3A_1638 = vector.shape_cast %get3A_485 : vector<16xf32> to vector<1x16xf32>
        tpu.vector_store %arg7[%swap3A, %swap3A_1635], %swap3A_1638 {strides = array<i32>} : memref<264x128xf32, #tpu.memory_space<vmem>>, vector<1x16xf32>,
        %swap3A_1639 = arith.index_cast %while3A_1634 : i32 to index
        %swap3A_1640 = arith.constant 16 : index
        %swap3A_1641 = tpu.vector_load %arg7[%swap3A_1639, %swap3A_1640] {strides = array<i32>} : memref<264x128xf32, #tpu.memory_space<vmem>>, vector<1x16xf32>,
        %swap3A_1642 = vector.shape_cast %swap3A_1641 : vector<1x16xf32> to vector<16xf32>
        %swap3A_1643 = vector.shape_cast %get3A_490 : vector<16xf32> to vector<1x16xf32>
        tpu.vector_store %arg7[%swap3A_1639, %swap3A_1640], %swap3A_1643 {strides = array<i32>} : memref<264x128xf32, #tpu.memory_space<vmem>>, vector<1x16xf32>,
        %swap3A_1644 = arith.index_cast %while3A_1634 : i32 to index
        %swap3A_1645 = arith.constant 32 : index
        %swap3A_1646 = tpu.vector_load %arg7[%swap3A_1644, %swap3A_1645] {strides = array<i32>} : memref<264x128xf32, #tpu.memory_space<vmem>>, vector<1x16xf32>,
        %swap3A_1647 = vector.shape_cast %swap3A_1646 : vector<1x16xf32> to vector<16xf32>
        %swap3A_1648 = vector.shape_cast %get3A_495 : vector<16xf32> to vector<1x16xf32>
        tpu.vector_store %arg7[%swap3A_1644, %swap3A_1645], %swap3A_1648 {strides = array<i32>} : memref<264x128xf32, #tpu.memory_space<vmem>>, vector<1x16xf32>,
        %swap3A_1649 = arith.index_cast %while3A_1634 : i32 to index
        %swap3A_1650 = arith.constant 48 : index
        %swap3A_1651 = tpu.vector_load %arg7[%swap3A_1649, %swap3A_1650] {strides = array<i32>} : memref<264x128xf32, #tpu.memory_space<vmem>>, vector<1x16xf32>,
        %swap3A_1652 = vector.shape_cast %swap3A_1651 : vector<1x16xf32> to vector<16xf32>
        %swap3A_1653 = vector.shape_cast %get3A_500 : vector<16xf32> to vector<1x16xf32>
        tpu.vector_store %arg7[%swap3A_1649, %swap3A_1650], %swap3A_1653 {strides = array<i32>} : memref<264x128xf32, #tpu.memory_space<vmem>>, vector<1x16xf32>,
        %swap3A_1654 = arith.index_cast %while3A_1634 : i32 to index
        %swap3A_1655 = arith.constant 64 : index
        %swap3A_1656 = tpu.vector_load %arg7[%swap3A_1654, %swap3A_1655] {strides = array<i32>} : memref<264x128xf32, #tpu.memory_space<vmem>>, vector<1x16xf32>,
        %swap3A_1657 = vector.shape_cast %swap3A_1656 : vector<1x16xf32> to vector<16xf32>
        %swap3A_1658 = vector.shape_cast %get3A_505 : vector<16xf32> to vector<1x16xf32>
        tpu.vector_store %arg7[%swap3A_1654, %swap3A_1655], %swap3A_1658 {strides = array<i32>} : memref<264x128xf32, #tpu.memory_space<vmem>>, vector<1x16xf32>,
        %swap3A_1659 = arith.index_cast %while3A_1634 : i32 to index
        %swap3A_1660 = arith.constant 80 : index
        %swap3A_1661 = tpu.vector_load %arg7[%swap3A_1659, %swap3A_1660] {strides = array<i32>} : memref<264x128xf32, #tpu.memory_space<vmem>>, vector<1x16xf32>,
        %swap3A_1662 = vector.shape_cast %swap3A_1661 : vector<1x16xf32> to vector<16xf32>
        %swap3A_1663 = vector.shape_cast %get3A_510 : vector<16xf32> to vector<1x16xf32>
        tpu.vector_store %arg7[%swap3A_1659, %swap3A_1660], %swap3A_1663 {strides = array<i32>} : memref<264x128xf32, #tpu.memory_space<vmem>>, vector<1x16xf32>,
        %swap3A_1664 = arith.index_cast %while3A_1634 : i32 to index
        %swap3A_1665 = arith.constant 96 : index
        %swap3A_1666 = tpu.vector_load %arg7[%swap3A_1664, %swap3A_1665] {strides = array<i32>} : memref<264x128xf32, #tpu.memory_space<vmem>>, vector<1x16xf32>,
        %swap3A_1667 = vector.shape_cast %swap3A_1666 : vector<1x16xf32> to vector<16xf32>
        %swap3A_1668 = vector.shape_cast %get3A_515 : vector<16xf32> to vector<1x16xf32>
        tpu.vector_store %arg7[%swap3A_1664, %swap3A_1665], %swap3A_1668 {strides = array<i32>} : memref<264x128xf32, #tpu.memory_space<vmem>>, vector<1x16xf32>,
        %swap3A_1669 = arith.index_cast %while3A_1634 : i32 to index
        %swap3A_1670 = arith.constant 112 : index
        %swap3A_1671 = tpu.vector_load %arg7[%swap3A_1669, %swap3A_1670] {strides = array<i32>} : memref<264x128xf32, #tpu.memory_space<vmem>>, vector<1x16xf32>,
        %swap3A_1672 = vector.shape_cast %swap3A_1671 : vector<1x16xf32> to vector<16xf32>
        %swap3A_1673 = vector.shape_cast %get3A_520 : vector<16xf32> to vector<1x16xf32>
        tpu.vector_store %arg7[%swap3A_1669, %swap3A_1670], %swap3A_1673 {strides = array<i32>} : memref<264x128xf32, #tpu.memory_space<vmem>>, vector<1x16xf32>,
      }
    } else {
    }
    %convert_element_type3A_1053 = arith.extui %lt3A_943 : i1 to i32
    %cond3A_1054 = arith.constant 0 : i32
    %cond3A_1055 = arith.cmpi ne, %convert_element_type3A_1053, %cond3A_1054 : i32
    scf.if %cond3A_1055 {
      %add3A_1622 = arith.constant 1 : i32
      %add3A_1623 = arith.addi %select_n3A_173, %add3A_1622 : i32
      %ge3A_1624 = arith.cmpi sge, %add3A_1623, %select_n3A : i32
      %convert_element_type3A_1625 = arith.extui %ge3A_1624 : i1 to i32
      %ge3A_1626 = arith.cmpi sge, %add3A_1623, %add3A_131 : i32
      %convert_element_type3A_1627 = arith.extui %ge3A_1626 : i1 to i32
      %add3A_1628 = arith.addi %convert_element_type3A_1625, %convert_element_type3A_1627 : i32
      %ge3A_1629 = arith.cmpi sge, %add3A_1623, %add3A_133 : i32
      %convert_element_type3A_1630 = arith.extui %ge3A_1629 : i1 to i32
      %add3A_1631 = arith.addi %add3A_1628, %convert_element_type3A_1630 : i32
      %eq3A_1632 = arith.constant 0 : i32
      %eq3A_1633 = arith.cmpi eq, %add3A_1631, %eq3A_1632 : i32
      %eq3A_1634 = arith.constant 1 : i32
      %eq3A_1635 = arith.cmpi eq, %add3A_1631, %eq3A_1634 : i32
      %eq3A_1636 = arith.constant 2 : i32
      %eq3A_1637 = arith.cmpi eq, %add3A_1631, %eq3A_1636 : i32
      %select_n3A_1638 = arith.select %eq3A_1637, %add3A_131, %add3A_133 : i32
      %select_n3A_1639 = arith.select %eq3A_1635, %select_n3A, %select_n3A_1638 : i32
      %jit3A_1640 = arith.constant 0 : i32
      %select_n3A_1641 = arith.select %eq3A_1633, %jit3A_1640, %select_n3A_1639 : i32
      %sub3A_1642 = arith.subi %add3A_1623, %select_n3A_1641 : i32
      %mul3A_1643 = arith.constant 256 : i32
      %mul3A_1644 = arith.muli %sub3A_1642, %mul3A_1643 : i32
      %eq3A_1645 = arith.constant 0 : i32
      %eq3A_1646 = arith.cmpi eq, %add3A_1631, %eq3A_1645 : i32
      %eq3A_1647 = arith.constant 1 : i32
      %eq3A_1648 = arith.cmpi eq, %add3A_1631, %eq3A_1647 : i32
      %eq3A_1649 = arith.constant 2 : i32
      %eq3A_1650 = arith.cmpi eq, %add3A_1631, %eq3A_1649 : i32
      %select_n3A_1651 = arith.select %eq3A_1650, %squeeze3A_24, %squeeze3A_26 : i32
      %select_n3A_1652 = arith.select %eq3A_1648, %squeeze3A_22, %select_n3A_1651 : i32
      %select_n3A_1653 = arith.select %eq3A_1646, %squeeze3A, %select_n3A_1652 : i32
      %lt3A_1654 = arith.cmpi slt, %add3A_1623, %select_n3A_204 : i32
      %mul3A_1655 = arith.constant 8192 : i32
      %mul3A_1656 = arith.muli %add3A_1631, %mul3A_1655 : i32
      %add3A_1657 = arith.addi %mul3A_1656, %mul3A_1644 : i32
      %dma_start3A_1658 = arith.constant 1 : i32
      %dma_start3A_1659 = arith.constant 0 : i32
      %dma_start3A_1660 = tpu.memref_slice %arg7[%dma_start3A_1658, %dma_start3A_1659] : memref<264x128xf32, #tpu.memory_space<vmem>> -> memref<256x128xf32, #tpu.memory_space<vmem>>
      %dma_start3A_1661 = tpu.memref_reshape %arg4 : memref<4x8192x128xf32, #tpu.memory_space<hbm>> -> memref<32768x128xf32, #tpu.memory_space<hbm>>
      %dma_start3A_1662 = arith.constant 0 : i32
      %dma_start3A_1663 = tpu.memref_slice %dma_start3A_1661[%add3A_1657, %dma_start3A_1662] : memref<32768x128xf32, #tpu.memory_space<hbm>> -> memref<256x128xf32, #tpu.memory_space<hbm>>
      %dma_start3A_1664 = tpu.memref_reshape %arg4 : memref<4x8192x128xf32, #tpu.memory_space<hbm>> -> memref<32768x128xf32, #tpu.memory_space<hbm>>
      %dma_start3A_1665 = arith.constant 0 : i32
      %dma_start3A_1666 = tpu.memref_slice %dma_start3A_1664[%add3A_1657, %dma_start3A_1665] : memref<32768x128xf32, #tpu.memory_space<hbm>> -> memref<256x128xf32, #tpu.memory_space<hbm>>
      %dma_start3A_1667 = arith.constant 1 : i32
      %dma_start3A_1668 = arith.constant 0 : i32
      %dma_start3A_1669 = tpu.memref_slice %arg7[%dma_start3A_1667, %dma_start3A_1668] : memref<264x128xf32, #tpu.memory_space<vmem>> -> memref<256x128xf32, #tpu.memory_space<vmem>>
      tpu.enqueue_dma source(%dma_start3A_1669 : memref<256x128xf32, #tpu.memory_space<vmem>>) target(%dma_start3A_1666 : memref<256x128xf32, #tpu.memory_space<hbm>>) target_semaphore(%arg17 : memref<!tpu.dma_semaphore, #tpu.memory_space<semaphore_mem>>)
    } else {
    }
    %add3A_1056 = arith.constant 2 : i32
    %add3A_1057 = arith.addi %select_n3A_173, %add3A_1056 : i32
    %ge3A_1058 = arith.cmpi sge, %add3A_1057, %select_n3A : i32
    %convert_element_type3A_1059 = arith.extui %ge3A_1058 : i1 to i32
    %ge3A_1060 = arith.cmpi sge, %add3A_1057, %add3A_131 : i32
    %convert_element_type3A_1061 = arith.extui %ge3A_1060 : i1 to i32
    %add3A_1062 = arith.addi %convert_element_type3A_1059, %convert_element_type3A_1061 : i32
    %ge3A_1063 = arith.cmpi sge, %add3A_1057, %add3A_133 : i32
    %convert_element_type3A_1064 = arith.extui %ge3A_1063 : i1 to i32
    %add3A_1065 = arith.addi %add3A_1062, %convert_element_type3A_1064 : i32
    %eq3A_1066 = arith.constant 0 : i32
    %eq3A_1067 = arith.cmpi eq, %add3A_1065, %eq3A_1066 : i32
    %eq3A_1068 = arith.constant 1 : i32
    %eq3A_1069 = arith.cmpi eq, %add3A_1065, %eq3A_1068 : i32
    %eq3A_1070 = arith.constant 2 : i32
    %eq3A_1071 = arith.cmpi eq, %add3A_1065, %eq3A_1070 : i32
    %select_n3A_1072 = arith.select %eq3A_1071, %add3A_131, %add3A_133 : i32
    %select_n3A_1073 = arith.select %eq3A_1069, %select_n3A, %select_n3A_1072 : i32
    %jit3A_1074 = arith.constant 0 : i32
    %select_n3A_1075 = arith.select %eq3A_1067, %jit3A_1074, %select_n3A_1073 : i32
    %sub3A_1076 = arith.subi %add3A_1057, %select_n3A_1075 : i32
    %mul3A_1077 = arith.constant 256 : i32
    %mul3A_1078 = arith.muli %sub3A_1076, %mul3A_1077 : i32
    %eq3A_1079 = arith.constant 0 : i32
    %eq3A_1080 = arith.cmpi eq, %add3A_1065, %eq3A_1079 : i32
    %eq3A_1081 = arith.constant 1 : i32
    %eq3A_1082 = arith.cmpi eq, %add3A_1065, %eq3A_1081 : i32
    %eq3A_1083 = arith.constant 2 : i32
    %eq3A_1084 = arith.cmpi eq, %add3A_1065, %eq3A_1083 : i32
    %select_n3A_1085 = arith.select %eq3A_1084, %squeeze3A_24, %squeeze3A_26 : i32
    %select_n3A_1086 = arith.select %eq3A_1082, %squeeze3A_22, %select_n3A_1085 : i32
    %select_n3A_1087 = arith.select %eq3A_1080, %squeeze3A, %select_n3A_1086 : i32
    %lt3A_1088 = arith.cmpi slt, %add3A_1057, %select_n3A_204 : i32
    %add3A_1089 = arith.constant 2 : i32
    %add3A_1090 = arith.addi %select_n3A_173, %add3A_1089 : i32
    %ge3A_1091 = arith.cmpi sge, %add3A_1090, %select_n3A : i32
    %convert_element_type3A_1092 = arith.extui %ge3A_1091 : i1 to i32
    %ge3A_1093 = arith.cmpi sge, %add3A_1090, %add3A_131 : i32
    %convert_element_type3A_1094 = arith.extui %ge3A_1093 : i1 to i32
    %add3A_1095 = arith.addi %convert_element_type3A_1092, %convert_element_type3A_1094 : i32
    %ge3A_1096 = arith.cmpi sge, %add3A_1090, %add3A_133 : i32
    %convert_element_type3A_1097 = arith.extui %ge3A_1096 : i1 to i32
    %add3A_1098 = arith.addi %add3A_1095, %convert_element_type3A_1097 : i32
    %eq3A_1099 = arith.constant 0 : i32
    %eq3A_1100 = arith.cmpi eq, %add3A_1098, %eq3A_1099 : i32
    %eq3A_1101 = arith.constant 1 : i32
    %eq3A_1102 = arith.cmpi eq, %add3A_1098, %eq3A_1101 : i32
    %eq3A_1103 = arith.constant 2 : i32
    %eq3A_1104 = arith.cmpi eq, %add3A_1098, %eq3A_1103 : i32
    %select_n3A_1105 = arith.select %eq3A_1104, %add3A_131, %add3A_133 : i32
    %select_n3A_1106 = arith.select %eq3A_1102, %select_n3A, %select_n3A_1105 : i32
    %jit3A_1107 = arith.constant 0 : i32
    %select_n3A_1108 = arith.select %eq3A_1100, %jit3A_1107, %select_n3A_1106 : i32
    %sub3A_1109 = arith.subi %add3A_1090, %select_n3A_1108 : i32
    %mul3A_1110 = arith.constant 256 : i32
    %mul3A_1111 = arith.muli %sub3A_1109, %mul3A_1110 : i32
    %eq3A_1112 = arith.constant 0 : i32
    %eq3A_1113 = arith.cmpi eq, %add3A_1098, %eq3A_1112 : i32
    %eq3A_1114 = arith.constant 1 : i32
    %eq3A_1115 = arith.cmpi eq, %add3A_1098, %eq3A_1114 : i32
    %eq3A_1116 = arith.constant 2 : i32
    %eq3A_1117 = arith.cmpi eq, %add3A_1098, %eq3A_1116 : i32
    %select_n3A_1118 = arith.select %eq3A_1117, %squeeze3A_24, %squeeze3A_26 : i32
    %select_n3A_1119 = arith.select %eq3A_1115, %squeeze3A_22, %select_n3A_1118 : i32
    %select_n3A_1120 = arith.select %eq3A_1113, %squeeze3A, %select_n3A_1119 : i32
    %lt3A_1121 = arith.cmpi slt, %add3A_1090, %select_n3A_204 : i32
    %add3A_1122 = arith.constant 2 : i32
    %add3A_1123 = arith.addi %select_n3A_173, %add3A_1122 : i32
    %ge3A_1124 = arith.cmpi sge, %add3A_1123, %select_n3A : i32
    %convert_element_type3A_1125 = arith.extui %ge3A_1124 : i1 to i32
    %ge3A_1126 = arith.cmpi sge, %add3A_1123, %add3A_131 : i32
    %convert_element_type3A_1127 = arith.extui %ge3A_1126 : i1 to i32
    %add3A_1128 = arith.addi %convert_element_type3A_1125, %convert_element_type3A_1127 : i32
    %ge3A_1129 = arith.cmpi sge, %add3A_1123, %add3A_133 : i32
    %convert_element_type3A_1130 = arith.extui %ge3A_1129 : i1 to i32
    %add3A_1131 = arith.addi %add3A_1128, %convert_element_type3A_1130 : i32
    %eq3A_1132 = arith.constant 0 : i32
    %eq3A_1133 = arith.cmpi eq, %add3A_1131, %eq3A_1132 : i32
    %eq3A_1134 = arith.constant 1 : i32
    %eq3A_1135 = arith.cmpi eq, %add3A_1131, %eq3A_1134 : i32
    %eq3A_1136 = arith.constant 2 : i32
    %eq3A_1137 = arith.cmpi eq, %add3A_1131, %eq3A_1136 : i32
    %select_n3A_1138 = arith.select %eq3A_1137, %add3A_131, %add3A_133 : i32
    %select_n3A_1139 = arith.select %eq3A_1135, %select_n3A, %select_n3A_1138 : i32
    %jit3A_1140 = arith.constant 0 : i32
    %select_n3A_1141 = arith.select %eq3A_1133, %jit3A_1140, %select_n3A_1139 : i32
    %sub3A_1142 = arith.subi %add3A_1123, %select_n3A_1141 : i32
    %mul3A_1143 = arith.constant 256 : i32
    %mul3A_1144 = arith.muli %sub3A_1142, %mul3A_1143 : i32
    %eq3A_1145 = arith.constant 0 : i32
    %eq3A_1146 = arith.cmpi eq, %add3A_1131, %eq3A_1145 : i32
    %eq3A_1147 = arith.constant 1 : i32
    %eq3A_1148 = arith.cmpi eq, %add3A_1131, %eq3A_1147 : i32
    %eq3A_1149 = arith.constant 2 : i32
    %eq3A_1150 = arith.cmpi eq, %add3A_1131, %eq3A_1149 : i32
    %select_n3A_1151 = arith.select %eq3A_1150, %squeeze3A_24, %squeeze3A_26 : i32
    %select_n3A_1152 = arith.select %eq3A_1148, %squeeze3A_22, %select_n3A_1151 : i32
    %select_n3A_1153 = arith.select %eq3A_1146, %squeeze3A, %select_n3A_1152 : i32
    %lt3A_1154 = arith.cmpi slt, %add3A_1123, %select_n3A_204 : i32
    %convert_element_type3A_1155 = arith.extui %lt3A_1121 : i1 to i32
    %cond3A_1156 = arith.constant 0 : i32
    %cond3A_1157 = arith.cmpi ne, %convert_element_type3A_1155, %cond3A_1156 : i32
    scf.if %cond3A_1157 {
      %eq3A_1622 = arith.constant 7936 : i32
      %eq3A_1623 = arith.cmpi eq, %mul3A_1111, %eq3A_1622 : i32
      %convert_element_type3A_1624 = arith.extui %eq3A_1623 : i1 to i32
      %cond3A_1625 = arith.constant 0 : i32
      %cond3A_1626 = arith.cmpi ne, %convert_element_type3A_1624, %cond3A_1625 : i32
      scf.if %cond3A_1626 {
        %dma_wait3A_1632 = arith.constant 0 : i32
        %dma_wait3A_1633 = arith.constant 0 : i32
        %dma_wait3A_1634 = tpu.memref_slice %arg8[%dma_wait3A_1632, %dma_wait3A_1633] : memref<264x128xf32, #tpu.memory_space<vmem>> -> memref<256x128xf32, #tpu.memory_space<vmem>>
        %dma_wait3A_1635 = arith.constant 0 : i32
        %dma_wait3A_1636 = tpu.memref_slice %arg3[%mul3A_1144, %dma_wait3A_1635] : memref<8192x128xf32, #tpu.memory_space<hbm>> -> memref<256x128xf32, #tpu.memory_space<hbm>>
        %dma_wait3A_1637 = arith.constant 0 : i32
        %dma_wait3A_1638 = arith.constant 0 : i32
        %dma_wait3A_1639 = tpu.memref_slice %arg8[%dma_wait3A_1637, %dma_wait3A_1638] : memref<264x128xf32, #tpu.memory_space<vmem>> -> memref<256x128xf32, #tpu.memory_space<vmem>>
        %dma_wait3A_1640 = arith.constant 0 : i32
        %dma_wait3A_1641 = tpu.memref_slice %arg3[%mul3A_1144, %dma_wait3A_1640] : memref<8192x128xf32, #tpu.memory_space<hbm>> -> memref<256x128xf32, #tpu.memory_space<hbm>>
        tpu.wait_dma2 semaphore(%arg15 : memref<!tpu.dma_semaphore, #tpu.memory_space<semaphore_mem>>) src(%dma_wait3A_1641 : memref<256x128xf32, #tpu.memory_space<hbm>>) dst(%dma_wait3A_1639 : memref<256x128xf32, #tpu.memory_space<vmem>>)
      } else {
      }
      %ne3A_1627 = arith.constant 7936 : i32
      %ne3A_1628 = arith.cmpi ne, %mul3A_1111, %ne3A_1627 : i32
      %convert_element_type3A_1629 = arith.extui %ne3A_1628 : i1 to i32
      %cond3A_1630 = arith.constant 0 : i32
      %cond3A_1631 = arith.cmpi ne, %convert_element_type3A_1629, %cond3A_1630 : i32
      scf.if %cond3A_1631 {
        %dma_wait3A_1632 = arith.constant 0 : i32
        %dma_wait3A_1633 = arith.constant 0 : i32
        %dma_wait3A_1634 = tpu.memref_slice %arg8[%dma_wait3A_1632, %dma_wait3A_1633] : memref<264x128xf32, #tpu.memory_space<vmem>> -> memref<264x128xf32, #tpu.memory_space<vmem>>
        %dma_wait3A_1635 = arith.constant 0 : i32
        %dma_wait3A_1636 = tpu.memref_slice %arg3[%mul3A_1144, %dma_wait3A_1635] : memref<8192x128xf32, #tpu.memory_space<hbm>> -> memref<264x128xf32, #tpu.memory_space<hbm>>
        %dma_wait3A_1637 = arith.constant 0 : i32
        %dma_wait3A_1638 = arith.constant 0 : i32
        %dma_wait3A_1639 = tpu.memref_slice %arg8[%dma_wait3A_1637, %dma_wait3A_1638] : memref<264x128xf32, #tpu.memory_space<vmem>> -> memref<264x128xf32, #tpu.memory_space<vmem>>
        %dma_wait3A_1640 = arith.constant 0 : i32
        %dma_wait3A_1641 = tpu.memref_slice %arg3[%mul3A_1144, %dma_wait3A_1640] : memref<8192x128xf32, #tpu.memory_space<hbm>> -> memref<264x128xf32, #tpu.memory_space<hbm>>
        tpu.wait_dma2 semaphore(%arg15 : memref<!tpu.dma_semaphore, #tpu.memory_space<semaphore_mem>>) src(%dma_wait3A_1641 : memref<264x128xf32, #tpu.memory_space<hbm>>) dst(%dma_wait3A_1639 : memref<264x128xf32, #tpu.memory_space<vmem>>)
      } else {
      }
    } else {
    }
    %add3A_1158 = arith.constant 2 : i32
    %add3A_1159 = arith.addi %select_n3A_173, %add3A_1158 : i32
    %ge3A_1160 = arith.cmpi sge, %add3A_1159, %select_n3A : i32
    %convert_element_type3A_1161 = arith.extui %ge3A_1160 : i1 to i32
    %ge3A_1162 = arith.cmpi sge, %add3A_1159, %add3A_131 : i32
    %convert_element_type3A_1163 = arith.extui %ge3A_1162 : i1 to i32
    %add3A_1164 = arith.addi %convert_element_type3A_1161, %convert_element_type3A_1163 : i32
    %ge3A_1165 = arith.cmpi sge, %add3A_1159, %add3A_133 : i32
    %convert_element_type3A_1166 = arith.extui %ge3A_1165 : i1 to i32
    %add3A_1167 = arith.addi %add3A_1164, %convert_element_type3A_1166 : i32
    %eq3A_1168 = arith.constant 0 : i32
    %eq3A_1169 = arith.cmpi eq, %add3A_1167, %eq3A_1168 : i32
    %eq3A_1170 = arith.constant 1 : i32
    %eq3A_1171 = arith.cmpi eq, %add3A_1167, %eq3A_1170 : i32
    %eq3A_1172 = arith.constant 2 : i32
    %eq3A_1173 = arith.cmpi eq, %add3A_1167, %eq3A_1172 : i32
    %select_n3A_1174 = arith.select %eq3A_1173, %add3A_131, %add3A_133 : i32
    %select_n3A_1175 = arith.select %eq3A_1171, %select_n3A, %select_n3A_1174 : i32
    %jit3A_1176 = arith.constant 0 : i32
    %select_n3A_1177 = arith.select %eq3A_1169, %jit3A_1176, %select_n3A_1175 : i32
    %sub3A_1178 = arith.subi %add3A_1159, %select_n3A_1177 : i32
    %mul3A_1179 = arith.constant 256 : i32
    %mul3A_1180 = arith.muli %sub3A_1178, %mul3A_1179 : i32
    %eq3A_1181 = arith.constant 0 : i32
    %eq3A_1182 = arith.cmpi eq, %add3A_1167, %eq3A_1181 : i32
    %eq3A_1183 = arith.constant 1 : i32
    %eq3A_1184 = arith.cmpi eq, %add3A_1167, %eq3A_1183 : i32
    %eq3A_1185 = arith.constant 2 : i32
    %eq3A_1186 = arith.cmpi eq, %add3A_1167, %eq3A_1185 : i32
    %select_n3A_1187 = arith.select %eq3A_1186, %squeeze3A_24, %squeeze3A_26 : i32
    %select_n3A_1188 = arith.select %eq3A_1184, %squeeze3A_22, %select_n3A_1187 : i32
    %select_n3A_1189 = arith.select %eq3A_1182, %squeeze3A, %select_n3A_1188 : i32
    %lt3A_1190 = arith.cmpi slt, %add3A_1159, %select_n3A_204 : i32
    %add3A_1191 = arith.constant 256 : i32
    %add3A_1192 = arith.addi %mul3A_1180, %add3A_1191 : i32
    %lt3A_1193 = arith.cmpi slt, %select_n3A_1189, %add3A_1192 : i32
    %and3A_1194 = arith.andi %lt3A_1190, %lt3A_1193 : i1
    %convert_element_type3A_1195 = arith.extui %and3A_1194 : i1 to i32
    %cond3A_1196 = arith.constant 0 : i32
    %cond3A_1197 = arith.cmpi ne, %convert_element_type3A_1195, %cond3A_1196 : i32
    scf.if %cond3A_1197 {
      %sub3A_1622 = arith.subi %select_n3A_1189, %mul3A_1180 : i32
      %add3A_1623 = arith.constant 1 : i32
      %add3A_1624 = arith.addi %sub3A_1622, %add3A_1623 : i32
      %while3A = arith.constant 0 : i32
      %while3A_1625 = arith.constant 257 : i32
      %while3A_1626 = arith.subi %while3A_1625, %add3A_1624 : i32
      %while3A_1627 = arith.addi %add3A_1624, %while3A_1626 : i32
      %while3A_1628 = arith.constant 1 : i32
      %while3A_1629 = arith.divsi %while3A_1626, %while3A_1628 : i32
      %while3A_1630 = arith.muli %while3A_1629, %while3A_1628 : i32
      %while3A_1631 = arith.addi %add3A_1624, %while3A_1630 : i32
      %while3A_1632 = arith.constant 1 : i32
      scf.for %while3A_1634 = %add3A_1624 to %while3A_1631 step %while3A_1632  : i32 {
        %swap3A = arith.index_cast %while3A_1634 : i32 to index
        %swap3A_1635 = arith.constant 0 : index
        %swap3A_1636 = tpu.vector_load %arg8[%swap3A, %swap3A_1635] {strides = array<i32>} : memref<264x128xf32, #tpu.memory_space<vmem>>, vector<1x16xf32>,
        %swap3A_1637 = vector.shape_cast %swap3A_1636 : vector<1x16xf32> to vector<16xf32>
        %swap3A_1638 = vector.shape_cast %get3A_485 : vector<16xf32> to vector<1x16xf32>
        tpu.vector_store %arg8[%swap3A, %swap3A_1635], %swap3A_1638 {strides = array<i32>} : memref<264x128xf32, #tpu.memory_space<vmem>>, vector<1x16xf32>,
        %swap3A_1639 = arith.index_cast %while3A_1634 : i32 to index
        %swap3A_1640 = arith.constant 16 : index
        %swap3A_1641 = tpu.vector_load %arg8[%swap3A_1639, %swap3A_1640] {strides = array<i32>} : memref<264x128xf32, #tpu.memory_space<vmem>>, vector<1x16xf32>,
        %swap3A_1642 = vector.shape_cast %swap3A_1641 : vector<1x16xf32> to vector<16xf32>
        %swap3A_1643 = vector.shape_cast %get3A_490 : vector<16xf32> to vector<1x16xf32>
        tpu.vector_store %arg8[%swap3A_1639, %swap3A_1640], %swap3A_1643 {strides = array<i32>} : memref<264x128xf32, #tpu.memory_space<vmem>>, vector<1x16xf32>,
        %swap3A_1644 = arith.index_cast %while3A_1634 : i32 to index
        %swap3A_1645 = arith.constant 32 : index
        %swap3A_1646 = tpu.vector_load %arg8[%swap3A_1644, %swap3A_1645] {strides = array<i32>} : memref<264x128xf32, #tpu.memory_space<vmem>>, vector<1x16xf32>,
        %swap3A_1647 = vector.shape_cast %swap3A_1646 : vector<1x16xf32> to vector<16xf32>
        %swap3A_1648 = vector.shape_cast %get3A_495 : vector<16xf32> to vector<1x16xf32>
        tpu.vector_store %arg8[%swap3A_1644, %swap3A_1645], %swap3A_1648 {strides = array<i32>} : memref<264x128xf32, #tpu.memory_space<vmem>>, vector<1x16xf32>,
        %swap3A_1649 = arith.index_cast %while3A_1634 : i32 to index
        %swap3A_1650 = arith.constant 48 : index
        %swap3A_1651 = tpu.vector_load %arg8[%swap3A_1649, %swap3A_1650] {strides = array<i32>} : memref<264x128xf32, #tpu.memory_space<vmem>>, vector<1x16xf32>,
        %swap3A_1652 = vector.shape_cast %swap3A_1651 : vector<1x16xf32> to vector<16xf32>
        %swap3A_1653 = vector.shape_cast %get3A_500 : vector<16xf32> to vector<1x16xf32>
        tpu.vector_store %arg8[%swap3A_1649, %swap3A_1650], %swap3A_1653 {strides = array<i32>} : memref<264x128xf32, #tpu.memory_space<vmem>>, vector<1x16xf32>,
        %swap3A_1654 = arith.index_cast %while3A_1634 : i32 to index
        %swap3A_1655 = arith.constant 64 : index
        %swap3A_1656 = tpu.vector_load %arg8[%swap3A_1654, %swap3A_1655] {strides = array<i32>} : memref<264x128xf32, #tpu.memory_space<vmem>>, vector<1x16xf32>,
        %swap3A_1657 = vector.shape_cast %swap3A_1656 : vector<1x16xf32> to vector<16xf32>
        %swap3A_1658 = vector.shape_cast %get3A_505 : vector<16xf32> to vector<1x16xf32>
        tpu.vector_store %arg8[%swap3A_1654, %swap3A_1655], %swap3A_1658 {strides = array<i32>} : memref<264x128xf32, #tpu.memory_space<vmem>>, vector<1x16xf32>,
        %swap3A_1659 = arith.index_cast %while3A_1634 : i32 to index
        %swap3A_1660 = arith.constant 80 : index
        %swap3A_1661 = tpu.vector_load %arg8[%swap3A_1659, %swap3A_1660] {strides = array<i32>} : memref<264x128xf32, #tpu.memory_space<vmem>>, vector<1x16xf32>,
        %swap3A_1662 = vector.shape_cast %swap3A_1661 : vector<1x16xf32> to vector<16xf32>
        %swap3A_1663 = vector.shape_cast %get3A_510 : vector<16xf32> to vector<1x16xf32>
        tpu.vector_store %arg8[%swap3A_1659, %swap3A_1660], %swap3A_1663 {strides = array<i32>} : memref<264x128xf32, #tpu.memory_space<vmem>>, vector<1x16xf32>,
        %swap3A_1664 = arith.index_cast %while3A_1634 : i32 to index
        %swap3A_1665 = arith.constant 96 : index
        %swap3A_1666 = tpu.vector_load %arg8[%swap3A_1664, %swap3A_1665] {strides = array<i32>} : memref<264x128xf32, #tpu.memory_space<vmem>>, vector<1x16xf32>,
        %swap3A_1667 = vector.shape_cast %swap3A_1666 : vector<1x16xf32> to vector<16xf32>
        %swap3A_1668 = vector.shape_cast %get3A_515 : vector<16xf32> to vector<1x16xf32>
        tpu.vector_store %arg8[%swap3A_1664, %swap3A_1665], %swap3A_1668 {strides = array<i32>} : memref<264x128xf32, #tpu.memory_space<vmem>>, vector<1x16xf32>,
        %swap3A_1669 = arith.index_cast %while3A_1634 : i32 to index
        %swap3A_1670 = arith.constant 112 : index
        %swap3A_1671 = tpu.vector_load %arg8[%swap3A_1669, %swap3A_1670] {strides = array<i32>} : memref<264x128xf32, #tpu.memory_space<vmem>>, vector<1x16xf32>,
        %swap3A_1672 = vector.shape_cast %swap3A_1671 : vector<1x16xf32> to vector<16xf32>
        %swap3A_1673 = vector.shape_cast %get3A_520 : vector<16xf32> to vector<1x16xf32>
        tpu.vector_store %arg8[%swap3A_1669, %swap3A_1670], %swap3A_1673 {strides = array<i32>} : memref<264x128xf32, #tpu.memory_space<vmem>>, vector<1x16xf32>,
      }
      %while3A_1633 = arith.constant 1 : i32
      scf.for %while3A_1634 = %while3A_1631 to %while3A_1627 step %while3A_1633  : i32 {
        %swap3A = arith.index_cast %while3A_1634 : i32 to index
        %swap3A_1635 = arith.constant 0 : index
        %swap3A_1636 = tpu.vector_load %arg8[%swap3A, %swap3A_1635] {strides = array<i32>} : memref<264x128xf32, #tpu.memory_space<vmem>>, vector<1x16xf32>,
        %swap3A_1637 = vector.shape_cast %swap3A_1636 : vector<1x16xf32> to vector<16xf32>
        %swap3A_1638 = vector.shape_cast %get3A_485 : vector<16xf32> to vector<1x16xf32>
        tpu.vector_store %arg8[%swap3A, %swap3A_1635], %swap3A_1638 {strides = array<i32>} : memref<264x128xf32, #tpu.memory_space<vmem>>, vector<1x16xf32>,
        %swap3A_1639 = arith.index_cast %while3A_1634 : i32 to index
        %swap3A_1640 = arith.constant 16 : index
        %swap3A_1641 = tpu.vector_load %arg8[%swap3A_1639, %swap3A_1640] {strides = array<i32>} : memref<264x128xf32, #tpu.memory_space<vmem>>, vector<1x16xf32>,
        %swap3A_1642 = vector.shape_cast %swap3A_1641 : vector<1x16xf32> to vector<16xf32>
        %swap3A_1643 = vector.shape_cast %get3A_490 : vector<16xf32> to vector<1x16xf32>
        tpu.vector_store %arg8[%swap3A_1639, %swap3A_1640], %swap3A_1643 {strides = array<i32>} : memref<264x128xf32, #tpu.memory_space<vmem>>, vector<1x16xf32>,
        %swap3A_1644 = arith.index_cast %while3A_1634 : i32 to index
        %swap3A_1645 = arith.constant 32 : index
        %swap3A_1646 = tpu.vector_load %arg8[%swap3A_1644, %swap3A_1645] {strides = array<i32>} : memref<264x128xf32, #tpu.memory_space<vmem>>, vector<1x16xf32>,
        %swap3A_1647 = vector.shape_cast %swap3A_1646 : vector<1x16xf32> to vector<16xf32>
        %swap3A_1648 = vector.shape_cast %get3A_495 : vector<16xf32> to vector<1x16xf32>
        tpu.vector_store %arg8[%swap3A_1644, %swap3A_1645], %swap3A_1648 {strides = array<i32>} : memref<264x128xf32, #tpu.memory_space<vmem>>, vector<1x16xf32>,
        %swap3A_1649 = arith.index_cast %while3A_1634 : i32 to index
        %swap3A_1650 = arith.constant 48 : index
        %swap3A_1651 = tpu.vector_load %arg8[%swap3A_1649, %swap3A_1650] {strides = array<i32>} : memref<264x128xf32, #tpu.memory_space<vmem>>, vector<1x16xf32>,
        %swap3A_1652 = vector.shape_cast %swap3A_1651 : vector<1x16xf32> to vector<16xf32>
        %swap3A_1653 = vector.shape_cast %get3A_500 : vector<16xf32> to vector<1x16xf32>
        tpu.vector_store %arg8[%swap3A_1649, %swap3A_1650], %swap3A_1653 {strides = array<i32>} : memref<264x128xf32, #tpu.memory_space<vmem>>, vector<1x16xf32>,
        %swap3A_1654 = arith.index_cast %while3A_1634 : i32 to index
        %swap3A_1655 = arith.constant 64 : index
        %swap3A_1656 = tpu.vector_load %arg8[%swap3A_1654, %swap3A_1655] {strides = array<i32>} : memref<264x128xf32, #tpu.memory_space<vmem>>, vector<1x16xf32>,
        %swap3A_1657 = vector.shape_cast %swap3A_1656 : vector<1x16xf32> to vector<16xf32>
        %swap3A_1658 = vector.shape_cast %get3A_505 : vector<16xf32> to vector<1x16xf32>
        tpu.vector_store %arg8[%swap3A_1654, %swap3A_1655], %swap3A_1658 {strides = array<i32>} : memref<264x128xf32, #tpu.memory_space<vmem>>, vector<1x16xf32>,
        %swap3A_1659 = arith.index_cast %while3A_1634 : i32 to index
        %swap3A_1660 = arith.constant 80 : index
        %swap3A_1661 = tpu.vector_load %arg8[%swap3A_1659, %swap3A_1660] {strides = array<i32>} : memref<264x128xf32, #tpu.memory_space<vmem>>, vector<1x16xf32>,
        %swap3A_1662 = vector.shape_cast %swap3A_1661 : vector<1x16xf32> to vector<16xf32>
        %swap3A_1663 = vector.shape_cast %get3A_510 : vector<16xf32> to vector<1x16xf32>
        tpu.vector_store %arg8[%swap3A_1659, %swap3A_1660], %swap3A_1663 {strides = array<i32>} : memref<264x128xf32, #tpu.memory_space<vmem>>, vector<1x16xf32>,
        %swap3A_1664 = arith.index_cast %while3A_1634 : i32 to index
        %swap3A_1665 = arith.constant 96 : index
        %swap3A_1666 = tpu.vector_load %arg8[%swap3A_1664, %swap3A_1665] {strides = array<i32>} : memref<264x128xf32, #tpu.memory_space<vmem>>, vector<1x16xf32>,
        %swap3A_1667 = vector.shape_cast %swap3A_1666 : vector<1x16xf32> to vector<16xf32>
        %swap3A_1668 = vector.shape_cast %get3A_515 : vector<16xf32> to vector<1x16xf32>
        tpu.vector_store %arg8[%swap3A_1664, %swap3A_1665], %swap3A_1668 {strides = array<i32>} : memref<264x128xf32, #tpu.memory_space<vmem>>, vector<1x16xf32>,
        %swap3A_1669 = arith.index_cast %while3A_1634 : i32 to index
        %swap3A_1670 = arith.constant 112 : index
        %swap3A_1671 = tpu.vector_load %arg8[%swap3A_1669, %swap3A_1670] {strides = array<i32>} : memref<264x128xf32, #tpu.memory_space<vmem>>, vector<1x16xf32>,
        %swap3A_1672 = vector.shape_cast %swap3A_1671 : vector<1x16xf32> to vector<16xf32>
        %swap3A_1673 = vector.shape_cast %get3A_520 : vector<16xf32> to vector<1x16xf32>
        tpu.vector_store %arg8[%swap3A_1669, %swap3A_1670], %swap3A_1673 {strides = array<i32>} : memref<264x128xf32, #tpu.memory_space<vmem>>, vector<1x16xf32>,
      }
    } else {
    }
    %convert_element_type3A_1198 = arith.extui %lt3A_1088 : i1 to i32
    %cond3A_1199 = arith.constant 0 : i32
    %cond3A_1200 = arith.cmpi ne, %convert_element_type3A_1198, %cond3A_1199 : i32
    scf.if %cond3A_1200 {
      %add3A_1622 = arith.constant 2 : i32
      %add3A_1623 = arith.addi %select_n3A_173, %add3A_1622 : i32
      %ge3A_1624 = arith.cmpi sge, %add3A_1623, %select_n3A : i32
      %convert_element_type3A_1625 = arith.extui %ge3A_1624 : i1 to i32
      %ge3A_1626 = arith.cmpi sge, %add3A_1623, %add3A_131 : i32
      %convert_element_type3A_1627 = arith.extui %ge3A_1626 : i1 to i32
      %add3A_1628 = arith.addi %convert_element_type3A_1625, %convert_element_type3A_1627 : i32
      %ge3A_1629 = arith.cmpi sge, %add3A_1623, %add3A_133 : i32
      %convert_element_type3A_1630 = arith.extui %ge3A_1629 : i1 to i32
      %add3A_1631 = arith.addi %add3A_1628, %convert_element_type3A_1630 : i32
      %eq3A_1632 = arith.constant 0 : i32
      %eq3A_1633 = arith.cmpi eq, %add3A_1631, %eq3A_1632 : i32
      %eq3A_1634 = arith.constant 1 : i32
      %eq3A_1635 = arith.cmpi eq, %add3A_1631, %eq3A_1634 : i32
      %eq3A_1636 = arith.constant 2 : i32
      %eq3A_1637 = arith.cmpi eq, %add3A_1631, %eq3A_1636 : i32
      %select_n3A_1638 = arith.select %eq3A_1637, %add3A_131, %add3A_133 : i32
      %select_n3A_1639 = arith.select %eq3A_1635, %select_n3A, %select_n3A_1638 : i32
      %jit3A_1640 = arith.constant 0 : i32
      %select_n3A_1641 = arith.select %eq3A_1633, %jit3A_1640, %select_n3A_1639 : i32
      %sub3A_1642 = arith.subi %add3A_1623, %select_n3A_1641 : i32
      %mul3A_1643 = arith.constant 256 : i32
      %mul3A_1644 = arith.muli %sub3A_1642, %mul3A_1643 : i32
      %eq3A_1645 = arith.constant 0 : i32
      %eq3A_1646 = arith.cmpi eq, %add3A_1631, %eq3A_1645 : i32
      %eq3A_1647 = arith.constant 1 : i32
      %eq3A_1648 = arith.cmpi eq, %add3A_1631, %eq3A_1647 : i32
      %eq3A_1649 = arith.constant 2 : i32
      %eq3A_1650 = arith.cmpi eq, %add3A_1631, %eq3A_1649 : i32
      %select_n3A_1651 = arith.select %eq3A_1650, %squeeze3A_24, %squeeze3A_26 : i32
      %select_n3A_1652 = arith.select %eq3A_1648, %squeeze3A_22, %select_n3A_1651 : i32
      %select_n3A_1653 = arith.select %eq3A_1646, %squeeze3A, %select_n3A_1652 : i32
      %lt3A_1654 = arith.cmpi slt, %add3A_1623, %select_n3A_204 : i32
      %mul3A_1655 = arith.constant 8192 : i32
      %mul3A_1656 = arith.muli %add3A_1631, %mul3A_1655 : i32
      %add3A_1657 = arith.addi %mul3A_1656, %mul3A_1644 : i32
      %dma_start3A_1658 = arith.constant 1 : i32
      %dma_start3A_1659 = arith.constant 0 : i32
      %dma_start3A_1660 = tpu.memref_slice %arg8[%dma_start3A_1658, %dma_start3A_1659] : memref<264x128xf32, #tpu.memory_space<vmem>> -> memref<256x128xf32, #tpu.memory_space<vmem>>
      %dma_start3A_1661 = tpu.memref_reshape %arg4 : memref<4x8192x128xf32, #tpu.memory_space<hbm>> -> memref<32768x128xf32, #tpu.memory_space<hbm>>
      %dma_start3A_1662 = arith.constant 0 : i32
      %dma_start3A_1663 = tpu.memref_slice %dma_start3A_1661[%add3A_1657, %dma_start3A_1662] : memref<32768x128xf32, #tpu.memory_space<hbm>> -> memref<256x128xf32, #tpu.memory_space<hbm>>
      %dma_start3A_1664 = tpu.memref_reshape %arg4 : memref<4x8192x128xf32, #tpu.memory_space<hbm>> -> memref<32768x128xf32, #tpu.memory_space<hbm>>
      %dma_start3A_1665 = arith.constant 0 : i32
      %dma_start3A_1666 = tpu.memref_slice %dma_start3A_1664[%add3A_1657, %dma_start3A_1665] : memref<32768x128xf32, #tpu.memory_space<hbm>> -> memref<256x128xf32, #tpu.memory_space<hbm>>
      %dma_start3A_1667 = arith.constant 1 : i32
      %dma_start3A_1668 = arith.constant 0 : i32
      %dma_start3A_1669 = tpu.memref_slice %arg8[%dma_start3A_1667, %dma_start3A_1668] : memref<264x128xf32, #tpu.memory_space<vmem>> -> memref<256x128xf32, #tpu.memory_space<vmem>>
      tpu.enqueue_dma source(%dma_start3A_1669 : memref<256x128xf32, #tpu.memory_space<vmem>>) target(%dma_start3A_1666 : memref<256x128xf32, #tpu.memory_space<hbm>>) target_semaphore(%arg18 : memref<!tpu.dma_semaphore, #tpu.memory_space<semaphore_mem>>)
    } else {
    }
    %add3A_1201 = arith.constant 3 : i32
    %add3A_1202 = arith.addi %select_n3A_173, %add3A_1201 : i32
    %ge3A_1203 = arith.cmpi sge, %add3A_1202, %select_n3A : i32
    %convert_element_type3A_1204 = arith.extui %ge3A_1203 : i1 to i32
    %ge3A_1205 = arith.cmpi sge, %add3A_1202, %add3A_131 : i32
    %convert_element_type3A_1206 = arith.extui %ge3A_1205 : i1 to i32
    %add3A_1207 = arith.addi %convert_element_type3A_1204, %convert_element_type3A_1206 : i32
    %ge3A_1208 = arith.cmpi sge, %add3A_1202, %add3A_133 : i32
    %convert_element_type3A_1209 = arith.extui %ge3A_1208 : i1 to i32
    %add3A_1210 = arith.addi %add3A_1207, %convert_element_type3A_1209 : i32
    %eq3A_1211 = arith.constant 0 : i32
    %eq3A_1212 = arith.cmpi eq, %add3A_1210, %eq3A_1211 : i32
    %eq3A_1213 = arith.constant 1 : i32
    %eq3A_1214 = arith.cmpi eq, %add3A_1210, %eq3A_1213 : i32
    %eq3A_1215 = arith.constant 2 : i32
    %eq3A_1216 = arith.cmpi eq, %add3A_1210, %eq3A_1215 : i32
    %select_n3A_1217 = arith.select %eq3A_1216, %add3A_131, %add3A_133 : i32
    %select_n3A_1218 = arith.select %eq3A_1214, %select_n3A, %select_n3A_1217 : i32
    %jit3A_1219 = arith.constant 0 : i32
    %select_n3A_1220 = arith.select %eq3A_1212, %jit3A_1219, %select_n3A_1218 : i32
    %sub3A_1221 = arith.subi %add3A_1202, %select_n3A_1220 : i32
    %mul3A_1222 = arith.constant 256 : i32
    %mul3A_1223 = arith.muli %sub3A_1221, %mul3A_1222 : i32
    %eq3A_1224 = arith.constant 0 : i32
    %eq3A_1225 = arith.cmpi eq, %add3A_1210, %eq3A_1224 : i32
    %eq3A_1226 = arith.constant 1 : i32
    %eq3A_1227 = arith.cmpi eq, %add3A_1210, %eq3A_1226 : i32
    %eq3A_1228 = arith.constant 2 : i32
    %eq3A_1229 = arith.cmpi eq, %add3A_1210, %eq3A_1228 : i32
    %select_n3A_1230 = arith.select %eq3A_1229, %squeeze3A_24, %squeeze3A_26 : i32
    %select_n3A_1231 = arith.select %eq3A_1227, %squeeze3A_22, %select_n3A_1230 : i32
    %select_n3A_1232 = arith.select %eq3A_1225, %squeeze3A, %select_n3A_1231 : i32
    %lt3A_1233 = arith.cmpi slt, %add3A_1202, %select_n3A_204 : i32
    %add3A_1234 = arith.constant 3 : i32
    %add3A_1235 = arith.addi %select_n3A_173, %add3A_1234 : i32
    %ge3A_1236 = arith.cmpi sge, %add3A_1235, %select_n3A : i32
    %convert_element_type3A_1237 = arith.extui %ge3A_1236 : i1 to i32
    %ge3A_1238 = arith.cmpi sge, %add3A_1235, %add3A_131 : i32
    %convert_element_type3A_1239 = arith.extui %ge3A_1238 : i1 to i32
    %add3A_1240 = arith.addi %convert_element_type3A_1237, %convert_element_type3A_1239 : i32
    %ge3A_1241 = arith.cmpi sge, %add3A_1235, %add3A_133 : i32
    %convert_element_type3A_1242 = arith.extui %ge3A_1241 : i1 to i32
    %add3A_1243 = arith.addi %add3A_1240, %convert_element_type3A_1242 : i32
    %eq3A_1244 = arith.constant 0 : i32
    %eq3A_1245 = arith.cmpi eq, %add3A_1243, %eq3A_1244 : i32
    %eq3A_1246 = arith.constant 1 : i32
    %eq3A_1247 = arith.cmpi eq, %add3A_1243, %eq3A_1246 : i32
    %eq3A_1248 = arith.constant 2 : i32
    %eq3A_1249 = arith.cmpi eq, %add3A_1243, %eq3A_1248 : i32
    %select_n3A_1250 = arith.select %eq3A_1249, %add3A_131, %add3A_133 : i32
    %select_n3A_1251 = arith.select %eq3A_1247, %select_n3A, %select_n3A_1250 : i32
    %jit3A_1252 = arith.constant 0 : i32
    %select_n3A_1253 = arith.select %eq3A_1245, %jit3A_1252, %select_n3A_1251 : i32
    %sub3A_1254 = arith.subi %add3A_1235, %select_n3A_1253 : i32
    %mul3A_1255 = arith.constant 256 : i32
    %mul3A_1256 = arith.muli %sub3A_1254, %mul3A_1255 : i32
    %eq3A_1257 = arith.constant 0 : i32
    %eq3A_1258 = arith.cmpi eq, %add3A_1243, %eq3A_1257 : i32
    %eq3A_1259 = arith.constant 1 : i32
    %eq3A_1260 = arith.cmpi eq, %add3A_1243, %eq3A_1259 : i32
    %eq3A_1261 = arith.constant 2 : i32
    %eq3A_1262 = arith.cmpi eq, %add3A_1243, %eq3A_1261 : i32
    %select_n3A_1263 = arith.select %eq3A_1262, %squeeze3A_24, %squeeze3A_26 : i32
    %select_n3A_1264 = arith.select %eq3A_1260, %squeeze3A_22, %select_n3A_1263 : i32
    %select_n3A_1265 = arith.select %eq3A_1258, %squeeze3A, %select_n3A_1264 : i32
    %lt3A_1266 = arith.cmpi slt, %add3A_1235, %select_n3A_204 : i32
    %add3A_1267 = arith.constant 3 : i32
    %add3A_1268 = arith.addi %select_n3A_173, %add3A_1267 : i32
    %ge3A_1269 = arith.cmpi sge, %add3A_1268, %select_n3A : i32
    %convert_element_type3A_1270 = arith.extui %ge3A_1269 : i1 to i32
    %ge3A_1271 = arith.cmpi sge, %add3A_1268, %add3A_131 : i32
    %convert_element_type3A_1272 = arith.extui %ge3A_1271 : i1 to i32
    %add3A_1273 = arith.addi %convert_element_type3A_1270, %convert_element_type3A_1272 : i32
    %ge3A_1274 = arith.cmpi sge, %add3A_1268, %add3A_133 : i32
    %convert_element_type3A_1275 = arith.extui %ge3A_1274 : i1 to i32
    %add3A_1276 = arith.addi %add3A_1273, %convert_element_type3A_1275 : i32
    %eq3A_1277 = arith.constant 0 : i32
    %eq3A_1278 = arith.cmpi eq, %add3A_1276, %eq3A_1277 : i32
    %eq3A_1279 = arith.constant 1 : i32
    %eq3A_1280 = arith.cmpi eq, %add3A_1276, %eq3A_1279 : i32
    %eq3A_1281 = arith.constant 2 : i32
    %eq3A_1282 = arith.cmpi eq, %add3A_1276, %eq3A_1281 : i32
    %select_n3A_1283 = arith.select %eq3A_1282, %add3A_131, %add3A_133 : i32
    %select_n3A_1284 = arith.select %eq3A_1280, %select_n3A, %select_n3A_1283 : i32
    %jit3A_1285 = arith.constant 0 : i32
    %select_n3A_1286 = arith.select %eq3A_1278, %jit3A_1285, %select_n3A_1284 : i32
    %sub3A_1287 = arith.subi %add3A_1268, %select_n3A_1286 : i32
    %mul3A_1288 = arith.constant 256 : i32
    %mul3A_1289 = arith.muli %sub3A_1287, %mul3A_1288 : i32
    %eq3A_1290 = arith.constant 0 : i32
    %eq3A_1291 = arith.cmpi eq, %add3A_1276, %eq3A_1290 : i32
    %eq3A_1292 = arith.constant 1 : i32
    %eq3A_1293 = arith.cmpi eq, %add3A_1276, %eq3A_1292 : i32
    %eq3A_1294 = arith.constant 2 : i32
    %eq3A_1295 = arith.cmpi eq, %add3A_1276, %eq3A_1294 : i32
    %select_n3A_1296 = arith.select %eq3A_1295, %squeeze3A_24, %squeeze3A_26 : i32
    %select_n3A_1297 = arith.select %eq3A_1293, %squeeze3A_22, %select_n3A_1296 : i32
    %select_n3A_1298 = arith.select %eq3A_1291, %squeeze3A, %select_n3A_1297 : i32
    %lt3A_1299 = arith.cmpi slt, %add3A_1268, %select_n3A_204 : i32
    %convert_element_type3A_1300 = arith.extui %lt3A_1266 : i1 to i32
    %cond3A_1301 = arith.constant 0 : i32
    %cond3A_1302 = arith.cmpi ne, %convert_element_type3A_1300, %cond3A_1301 : i32
    scf.if %cond3A_1302 {
      %eq3A_1622 = arith.constant 7936 : i32
      %eq3A_1623 = arith.cmpi eq, %mul3A_1256, %eq3A_1622 : i32
      %convert_element_type3A_1624 = arith.extui %eq3A_1623 : i1 to i32
      %cond3A_1625 = arith.constant 0 : i32
      %cond3A_1626 = arith.cmpi ne, %convert_element_type3A_1624, %cond3A_1625 : i32
      scf.if %cond3A_1626 {
        %dma_wait3A_1632 = arith.constant 0 : i32
        %dma_wait3A_1633 = arith.constant 0 : i32
        %dma_wait3A_1634 = tpu.memref_slice %arg6[%dma_wait3A_1632, %dma_wait3A_1633] : memref<264x128xf32, #tpu.memory_space<vmem>> -> memref<256x128xf32, #tpu.memory_space<vmem>>
        %dma_wait3A_1635 = arith.constant 0 : i32
        %dma_wait3A_1636 = tpu.memref_slice %arg3[%mul3A_1289, %dma_wait3A_1635] : memref<8192x128xf32, #tpu.memory_space<hbm>> -> memref<256x128xf32, #tpu.memory_space<hbm>>
        %dma_wait3A_1637 = arith.constant 0 : i32
        %dma_wait3A_1638 = arith.constant 0 : i32
        %dma_wait3A_1639 = tpu.memref_slice %arg6[%dma_wait3A_1637, %dma_wait3A_1638] : memref<264x128xf32, #tpu.memory_space<vmem>> -> memref<256x128xf32, #tpu.memory_space<vmem>>
        %dma_wait3A_1640 = arith.constant 0 : i32
        %dma_wait3A_1641 = tpu.memref_slice %arg3[%mul3A_1289, %dma_wait3A_1640] : memref<8192x128xf32, #tpu.memory_space<hbm>> -> memref<256x128xf32, #tpu.memory_space<hbm>>
        tpu.wait_dma2 semaphore(%arg13 : memref<!tpu.dma_semaphore, #tpu.memory_space<semaphore_mem>>) src(%dma_wait3A_1641 : memref<256x128xf32, #tpu.memory_space<hbm>>) dst(%dma_wait3A_1639 : memref<256x128xf32, #tpu.memory_space<vmem>>)
      } else {
      }
      %ne3A_1627 = arith.constant 7936 : i32
      %ne3A_1628 = arith.cmpi ne, %mul3A_1256, %ne3A_1627 : i32
      %convert_element_type3A_1629 = arith.extui %ne3A_1628 : i1 to i32
      %cond3A_1630 = arith.constant 0 : i32
      %cond3A_1631 = arith.cmpi ne, %convert_element_type3A_1629, %cond3A_1630 : i32
      scf.if %cond3A_1631 {
        %dma_wait3A_1632 = arith.constant 0 : i32
        %dma_wait3A_1633 = arith.constant 0 : i32
        %dma_wait3A_1634 = tpu.memref_slice %arg6[%dma_wait3A_1632, %dma_wait3A_1633] : memref<264x128xf32, #tpu.memory_space<vmem>> -> memref<264x128xf32, #tpu.memory_space<vmem>>
        %dma_wait3A_1635 = arith.constant 0 : i32
        %dma_wait3A_1636 = tpu.memref_slice %arg3[%mul3A_1289, %dma_wait3A_1635] : memref<8192x128xf32, #tpu.memory_space<hbm>> -> memref<264x128xf32, #tpu.memory_space<hbm>>
        %dma_wait3A_1637 = arith.constant 0 : i32
        %dma_wait3A_1638 = arith.constant 0 : i32
        %dma_wait3A_1639 = tpu.memref_slice %arg6[%dma_wait3A_1637, %dma_wait3A_1638] : memref<264x128xf32, #tpu.memory_space<vmem>> -> memref<264x128xf32, #tpu.memory_space<vmem>>
        %dma_wait3A_1640 = arith.constant 0 : i32
        %dma_wait3A_1641 = tpu.memref_slice %arg3[%mul3A_1289, %dma_wait3A_1640] : memref<8192x128xf32, #tpu.memory_space<hbm>> -> memref<264x128xf32, #tpu.memory_space<hbm>>
        tpu.wait_dma2 semaphore(%arg13 : memref<!tpu.dma_semaphore, #tpu.memory_space<semaphore_mem>>) src(%dma_wait3A_1641 : memref<264x128xf32, #tpu.memory_space<hbm>>) dst(%dma_wait3A_1639 : memref<264x128xf32, #tpu.memory_space<vmem>>)
      } else {
      }
    } else {
    }
    %add3A_1303 = arith.constant 3 : i32
    %add3A_1304 = arith.addi %select_n3A_173, %add3A_1303 : i32
    %ge3A_1305 = arith.cmpi sge, %add3A_1304, %select_n3A : i32
    %convert_element_type3A_1306 = arith.extui %ge3A_1305 : i1 to i32
    %ge3A_1307 = arith.cmpi sge, %add3A_1304, %add3A_131 : i32
    %convert_element_type3A_1308 = arith.extui %ge3A_1307 : i1 to i32
    %add3A_1309 = arith.addi %convert_element_type3A_1306, %convert_element_type3A_1308 : i32
    %ge3A_1310 = arith.cmpi sge, %add3A_1304, %add3A_133 : i32
    %convert_element_type3A_1311 = arith.extui %ge3A_1310 : i1 to i32
    %add3A_1312 = arith.addi %add3A_1309, %convert_element_type3A_1311 : i32
    %eq3A_1313 = arith.constant 0 : i32
    %eq3A_1314 = arith.cmpi eq, %add3A_1312, %eq3A_1313 : i32
    %eq3A_1315 = arith.constant 1 : i32
    %eq3A_1316 = arith.cmpi eq, %add3A_1312, %eq3A_1315 : i32
    %eq3A_1317 = arith.constant 2 : i32
    %eq3A_1318 = arith.cmpi eq, %add3A_1312, %eq3A_1317 : i32
    %select_n3A_1319 = arith.select %eq3A_1318, %add3A_131, %add3A_133 : i32
    %select_n3A_1320 = arith.select %eq3A_1316, %select_n3A, %select_n3A_1319 : i32
    %jit3A_1321 = arith.constant 0 : i32
    %select_n3A_1322 = arith.select %eq3A_1314, %jit3A_1321, %select_n3A_1320 : i32
    %sub3A_1323 = arith.subi %add3A_1304, %select_n3A_1322 : i32
    %mul3A_1324 = arith.constant 256 : i32
    %mul3A_1325 = arith.muli %sub3A_1323, %mul3A_1324 : i32
    %eq3A_1326 = arith.constant 0 : i32
    %eq3A_1327 = arith.cmpi eq, %add3A_1312, %eq3A_1326 : i32
    %eq3A_1328 = arith.constant 1 : i32
    %eq3A_1329 = arith.cmpi eq, %add3A_1312, %eq3A_1328 : i32
    %eq3A_1330 = arith.constant 2 : i32
    %eq3A_1331 = arith.cmpi eq, %add3A_1312, %eq3A_1330 : i32
    %select_n3A_1332 = arith.select %eq3A_1331, %squeeze3A_24, %squeeze3A_26 : i32
    %select_n3A_1333 = arith.select %eq3A_1329, %squeeze3A_22, %select_n3A_1332 : i32
    %select_n3A_1334 = arith.select %eq3A_1327, %squeeze3A, %select_n3A_1333 : i32
    %lt3A_1335 = arith.cmpi slt, %add3A_1304, %select_n3A_204 : i32
    %add3A_1336 = arith.constant 256 : i32
    %add3A_1337 = arith.addi %mul3A_1325, %add3A_1336 : i32
    %lt3A_1338 = arith.cmpi slt, %select_n3A_1334, %add3A_1337 : i32
    %and3A_1339 = arith.andi %lt3A_1335, %lt3A_1338 : i1
    %convert_element_type3A_1340 = arith.extui %and3A_1339 : i1 to i32
    %cond3A_1341 = arith.constant 0 : i32
    %cond3A_1342 = arith.cmpi ne, %convert_element_type3A_1340, %cond3A_1341 : i32
    scf.if %cond3A_1342 {
      %sub3A_1622 = arith.subi %select_n3A_1334, %mul3A_1325 : i32
      %add3A_1623 = arith.constant 1 : i32
      %add3A_1624 = arith.addi %sub3A_1622, %add3A_1623 : i32
      %while3A = arith.constant 0 : i32
      %while3A_1625 = arith.constant 257 : i32
      %while3A_1626 = arith.subi %while3A_1625, %add3A_1624 : i32
      %while3A_1627 = arith.addi %add3A_1624, %while3A_1626 : i32
      %while3A_1628 = arith.constant 1 : i32
      %while3A_1629 = arith.divsi %while3A_1626, %while3A_1628 : i32
      %while3A_1630 = arith.muli %while3A_1629, %while3A_1628 : i32
      %while3A_1631 = arith.addi %add3A_1624, %while3A_1630 : i32
      %while3A_1632 = arith.constant 1 : i32
      scf.for %while3A_1634 = %add3A_1624 to %while3A_1631 step %while3A_1632  : i32 {
        %swap3A = arith.index_cast %while3A_1634 : i32 to index
        %swap3A_1635 = arith.constant 0 : index
        %swap3A_1636 = tpu.vector_load %arg6[%swap3A, %swap3A_1635] {strides = array<i32>} : memref<264x128xf32, #tpu.memory_space<vmem>>, vector<1x16xf32>,
        %swap3A_1637 = vector.shape_cast %swap3A_1636 : vector<1x16xf32> to vector<16xf32>
        %swap3A_1638 = vector.shape_cast %get3A_485 : vector<16xf32> to vector<1x16xf32>
        tpu.vector_store %arg6[%swap3A, %swap3A_1635], %swap3A_1638 {strides = array<i32>} : memref<264x128xf32, #tpu.memory_space<vmem>>, vector<1x16xf32>,
        %swap3A_1639 = arith.index_cast %while3A_1634 : i32 to index
        %swap3A_1640 = arith.constant 16 : index
        %swap3A_1641 = tpu.vector_load %arg6[%swap3A_1639, %swap3A_1640] {strides = array<i32>} : memref<264x128xf32, #tpu.memory_space<vmem>>, vector<1x16xf32>,
        %swap3A_1642 = vector.shape_cast %swap3A_1641 : vector<1x16xf32> to vector<16xf32>
        %swap3A_1643 = vector.shape_cast %get3A_490 : vector<16xf32> to vector<1x16xf32>
        tpu.vector_store %arg6[%swap3A_1639, %swap3A_1640], %swap3A_1643 {strides = array<i32>} : memref<264x128xf32, #tpu.memory_space<vmem>>, vector<1x16xf32>,
        %swap3A_1644 = arith.index_cast %while3A_1634 : i32 to index
        %swap3A_1645 = arith.constant 32 : index
        %swap3A_1646 = tpu.vector_load %arg6[%swap3A_1644, %swap3A_1645] {strides = array<i32>} : memref<264x128xf32, #tpu.memory_space<vmem>>, vector<1x16xf32>,
        %swap3A_1647 = vector.shape_cast %swap3A_1646 : vector<1x16xf32> to vector<16xf32>
        %swap3A_1648 = vector.shape_cast %get3A_495 : vector<16xf32> to vector<1x16xf32>
        tpu.vector_store %arg6[%swap3A_1644, %swap3A_1645], %swap3A_1648 {strides = array<i32>} : memref<264x128xf32, #tpu.memory_space<vmem>>, vector<1x16xf32>,
        %swap3A_1649 = arith.index_cast %while3A_1634 : i32 to index
        %swap3A_1650 = arith.constant 48 : index
        %swap3A_1651 = tpu.vector_load %arg6[%swap3A_1649, %swap3A_1650] {strides = array<i32>} : memref<264x128xf32, #tpu.memory_space<vmem>>, vector<1x16xf32>,
        %swap3A_1652 = vector.shape_cast %swap3A_1651 : vector<1x16xf32> to vector<16xf32>
        %swap3A_1653 = vector.shape_cast %get3A_500 : vector<16xf32> to vector<1x16xf32>
        tpu.vector_store %arg6[%swap3A_1649, %swap3A_1650], %swap3A_1653 {strides = array<i32>} : memref<264x128xf32, #tpu.memory_space<vmem>>, vector<1x16xf32>,
        %swap3A_1654 = arith.index_cast %while3A_1634 : i32 to index
        %swap3A_1655 = arith.constant 64 : index
        %swap3A_1656 = tpu.vector_load %arg6[%swap3A_1654, %swap3A_1655] {strides = array<i32>} : memref<264x128xf32, #tpu.memory_space<vmem>>, vector<1x16xf32>,
        %swap3A_1657 = vector.shape_cast %swap3A_1656 : vector<1x16xf32> to vector<16xf32>
        %swap3A_1658 = vector.shape_cast %get3A_505 : vector<16xf32> to vector<1x16xf32>
        tpu.vector_store %arg6[%swap3A_1654, %swap3A_1655], %swap3A_1658 {strides = array<i32>} : memref<264x128xf32, #tpu.memory_space<vmem>>, vector<1x16xf32>,
        %swap3A_1659 = arith.index_cast %while3A_1634 : i32 to index
        %swap3A_1660 = arith.constant 80 : index
        %swap3A_1661 = tpu.vector_load %arg6[%swap3A_1659, %swap3A_1660] {strides = array<i32>} : memref<264x128xf32, #tpu.memory_space<vmem>>, vector<1x16xf32>,
        %swap3A_1662 = vector.shape_cast %swap3A_1661 : vector<1x16xf32> to vector<16xf32>
        %swap3A_1663 = vector.shape_cast %get3A_510 : vector<16xf32> to vector<1x16xf32>
        tpu.vector_store %arg6[%swap3A_1659, %swap3A_1660], %swap3A_1663 {strides = array<i32>} : memref<264x128xf32, #tpu.memory_space<vmem>>, vector<1x16xf32>,
        %swap3A_1664 = arith.index_cast %while3A_1634 : i32 to index
        %swap3A_1665 = arith.constant 96 : index
        %swap3A_1666 = tpu.vector_load %arg6[%swap3A_1664, %swap3A_1665] {strides = array<i32>} : memref<264x128xf32, #tpu.memory_space<vmem>>, vector<1x16xf32>,
        %swap3A_1667 = vector.shape_cast %swap3A_1666 : vector<1x16xf32> to vector<16xf32>
        %swap3A_1668 = vector.shape_cast %get3A_515 : vector<16xf32> to vector<1x16xf32>
        tpu.vector_store %arg6[%swap3A_1664, %swap3A_1665], %swap3A_1668 {strides = array<i32>} : memref<264x128xf32, #tpu.memory_space<vmem>>, vector<1x16xf32>,
        %swap3A_1669 = arith.index_cast %while3A_1634 : i32 to index
        %swap3A_1670 = arith.constant 112 : index
        %swap3A_1671 = tpu.vector_load %arg6[%swap3A_1669, %swap3A_1670] {strides = array<i32>} : memref<264x128xf32, #tpu.memory_space<vmem>>, vector<1x16xf32>,
        %swap3A_1672 = vector.shape_cast %swap3A_1671 : vector<1x16xf32> to vector<16xf32>
        %swap3A_1673 = vector.shape_cast %get3A_520 : vector<16xf32> to vector<1x16xf32>
        tpu.vector_store %arg6[%swap3A_1669, %swap3A_1670], %swap3A_1673 {strides = array<i32>} : memref<264x128xf32, #tpu.memory_space<vmem>>, vector<1x16xf32>,
      }
      %while3A_1633 = arith.constant 1 : i32
      scf.for %while3A_1634 = %while3A_1631 to %while3A_1627 step %while3A_1633  : i32 {
        %swap3A = arith.index_cast %while3A_1634 : i32 to index
        %swap3A_1635 = arith.constant 0 : index
        %swap3A_1636 = tpu.vector_load %arg6[%swap3A, %swap3A_1635] {strides = array<i32>} : memref<264x128xf32, #tpu.memory_space<vmem>>, vector<1x16xf32>,
        %swap3A_1637 = vector.shape_cast %swap3A_1636 : vector<1x16xf32> to vector<16xf32>
        %swap3A_1638 = vector.shape_cast %get3A_485 : vector<16xf32> to vector<1x16xf32>
        tpu.vector_store %arg6[%swap3A, %swap3A_1635], %swap3A_1638 {strides = array<i32>} : memref<264x128xf32, #tpu.memory_space<vmem>>, vector<1x16xf32>,
        %swap3A_1639 = arith.index_cast %while3A_1634 : i32 to index
        %swap3A_1640 = arith.constant 16 : index
        %swap3A_1641 = tpu.vector_load %arg6[%swap3A_1639, %swap3A_1640] {strides = array<i32>} : memref<264x128xf32, #tpu.memory_space<vmem>>, vector<1x16xf32>,
        %swap3A_1642 = vector.shape_cast %swap3A_1641 : vector<1x16xf32> to vector<16xf32>
        %swap3A_1643 = vector.shape_cast %get3A_490 : vector<16xf32> to vector<1x16xf32>
        tpu.vector_store %arg6[%swap3A_1639, %swap3A_1640], %swap3A_1643 {strides = array<i32>} : memref<264x128xf32, #tpu.memory_space<vmem>>, vector<1x16xf32>,
        %swap3A_1644 = arith.index_cast %while3A_1634 : i32 to index
        %swap3A_1645 = arith.constant 32 : index
        %swap3A_1646 = tpu.vector_load %arg6[%swap3A_1644, %swap3A_1645] {strides = array<i32>} : memref<264x128xf32, #tpu.memory_space<vmem>>, vector<1x16xf32>,
        %swap3A_1647 = vector.shape_cast %swap3A_1646 : vector<1x16xf32> to vector<16xf32>
        %swap3A_1648 = vector.shape_cast %get3A_495 : vector<16xf32> to vector<1x16xf32>
        tpu.vector_store %arg6[%swap3A_1644, %swap3A_1645], %swap3A_1648 {strides = array<i32>} : memref<264x128xf32, #tpu.memory_space<vmem>>, vector<1x16xf32>,
        %swap3A_1649 = arith.index_cast %while3A_1634 : i32 to index
        %swap3A_1650 = arith.constant 48 : index
        %swap3A_1651 = tpu.vector_load %arg6[%swap3A_1649, %swap3A_1650] {strides = array<i32>} : memref<264x128xf32, #tpu.memory_space<vmem>>, vector<1x16xf32>,
        %swap3A_1652 = vector.shape_cast %swap3A_1651 : vector<1x16xf32> to vector<16xf32>
        %swap3A_1653 = vector.shape_cast %get3A_500 : vector<16xf32> to vector<1x16xf32>
        tpu.vector_store %arg6[%swap3A_1649, %swap3A_1650], %swap3A_1653 {strides = array<i32>} : memref<264x128xf32, #tpu.memory_space<vmem>>, vector<1x16xf32>,
        %swap3A_1654 = arith.index_cast %while3A_1634 : i32 to index
        %swap3A_1655 = arith.constant 64 : index
        %swap3A_1656 = tpu.vector_load %arg6[%swap3A_1654, %swap3A_1655] {strides = array<i32>} : memref<264x128xf32, #tpu.memory_space<vmem>>, vector<1x16xf32>,
        %swap3A_1657 = vector.shape_cast %swap3A_1656 : vector<1x16xf32> to vector<16xf32>
        %swap3A_1658 = vector.shape_cast %get3A_505 : vector<16xf32> to vector<1x16xf32>
        tpu.vector_store %arg6[%swap3A_1654, %swap3A_1655], %swap3A_1658 {strides = array<i32>} : memref<264x128xf32, #tpu.memory_space<vmem>>, vector<1x16xf32>,
        %swap3A_1659 = arith.index_cast %while3A_1634 : i32 to index
        %swap3A_1660 = arith.constant 80 : index
        %swap3A_1661 = tpu.vector_load %arg6[%swap3A_1659, %swap3A_1660] {strides = array<i32>} : memref<264x128xf32, #tpu.memory_space<vmem>>, vector<1x16xf32>,
        %swap3A_1662 = vector.shape_cast %swap3A_1661 : vector<1x16xf32> to vector<16xf32>
        %swap3A_1663 = vector.shape_cast %get3A_510 : vector<16xf32> to vector<1x16xf32>
        tpu.vector_store %arg6[%swap3A_1659, %swap3A_1660], %swap3A_1663 {strides = array<i32>} : memref<264x128xf32, #tpu.memory_space<vmem>>, vector<1x16xf32>,
        %swap3A_1664 = arith.index_cast %while3A_1634 : i32 to index
        %swap3A_1665 = arith.constant 96 : index
        %swap3A_1666 = tpu.vector_load %arg6[%swap3A_1664, %swap3A_1665] {strides = array<i32>} : memref<264x128xf32, #tpu.memory_space<vmem>>, vector<1x16xf32>,
        %swap3A_1667 = vector.shape_cast %swap3A_1666 : vector<1x16xf32> to vector<16xf32>
        %swap3A_1668 = vector.shape_cast %get3A_515 : vector<16xf32> to vector<1x16xf32>
        tpu.vector_store %arg6[%swap3A_1664, %swap3A_1665], %swap3A_1668 {strides = array<i32>} : memref<264x128xf32, #tpu.memory_space<vmem>>, vector<1x16xf32>,
        %swap3A_1669 = arith.index_cast %while3A_1634 : i32 to index
        %swap3A_1670 = arith.constant 112 : index
        %swap3A_1671 = tpu.vector_load %arg6[%swap3A_1669, %swap3A_1670] {strides = array<i32>} : memref<264x128xf32, #tpu.memory_space<vmem>>, vector<1x16xf32>,
        %swap3A_1672 = vector.shape_cast %swap3A_1671 : vector<1x16xf32> to vector<16xf32>
        %swap3A_1673 = vector.shape_cast %get3A_520 : vector<16xf32> to vector<1x16xf32>
        tpu.vector_store %arg6[%swap3A_1669, %swap3A_1670], %swap3A_1673 {strides = array<i32>} : memref<264x128xf32, #tpu.memory_space<vmem>>, vector<1x16xf32>,
      }
    } else {
    }
    %convert_element_type3A_1343 = arith.extui %lt3A_1233 : i1 to i32
    %cond3A_1344 = arith.constant 0 : i32
    %cond3A_1345 = arith.cmpi ne, %convert_element_type3A_1343, %cond3A_1344 : i32
    scf.if %cond3A_1345 {
      %add3A_1622 = arith.constant 3 : i32
      %add3A_1623 = arith.addi %select_n3A_173, %add3A_1622 : i32
      %ge3A_1624 = arith.cmpi sge, %add3A_1623, %select_n3A : i32
      %convert_element_type3A_1625 = arith.extui %ge3A_1624 : i1 to i32
      %ge3A_1626 = arith.cmpi sge, %add3A_1623, %add3A_131 : i32
      %convert_element_type3A_1627 = arith.extui %ge3A_1626 : i1 to i32
      %add3A_1628 = arith.addi %convert_element_type3A_1625, %convert_element_type3A_1627 : i32
      %ge3A_1629 = arith.cmpi sge, %add3A_1623, %add3A_133 : i32
      %convert_element_type3A_1630 = arith.extui %ge3A_1629 : i1 to i32
      %add3A_1631 = arith.addi %add3A_1628, %convert_element_type3A_1630 : i32
      %eq3A_1632 = arith.constant 0 : i32
      %eq3A_1633 = arith.cmpi eq, %add3A_1631, %eq3A_1632 : i32
      %eq3A_1634 = arith.constant 1 : i32
      %eq3A_1635 = arith.cmpi eq, %add3A_1631, %eq3A_1634 : i32
      %eq3A_1636 = arith.constant 2 : i32
      %eq3A_1637 = arith.cmpi eq, %add3A_1631, %eq3A_1636 : i32
      %select_n3A_1638 = arith.select %eq3A_1637, %add3A_131, %add3A_133 : i32
      %select_n3A_1639 = arith.select %eq3A_1635, %select_n3A, %select_n3A_1638 : i32
      %jit3A_1640 = arith.constant 0 : i32
      %select_n3A_1641 = arith.select %eq3A_1633, %jit3A_1640, %select_n3A_1639 : i32
      %sub3A_1642 = arith.subi %add3A_1623, %select_n3A_1641 : i32
      %mul3A_1643 = arith.constant 256 : i32
      %mul3A_1644 = arith.muli %sub3A_1642, %mul3A_1643 : i32
      %eq3A_1645 = arith.constant 0 : i32
      %eq3A_1646 = arith.cmpi eq, %add3A_1631, %eq3A_1645 : i32
      %eq3A_1647 = arith.constant 1 : i32
      %eq3A_1648 = arith.cmpi eq, %add3A_1631, %eq3A_1647 : i32
      %eq3A_1649 = arith.constant 2 : i32
      %eq3A_1650 = arith.cmpi eq, %add3A_1631, %eq3A_1649 : i32
      %select_n3A_1651 = arith.select %eq3A_1650, %squeeze3A_24, %squeeze3A_26 : i32
      %select_n3A_1652 = arith.select %eq3A_1648, %squeeze3A_22, %select_n3A_1651 : i32
      %select_n3A_1653 = arith.select %eq3A_1646, %squeeze3A, %select_n3A_1652 : i32
      %lt3A_1654 = arith.cmpi slt, %add3A_1623, %select_n3A_204 : i32
      %mul3A_1655 = arith.constant 8192 : i32
      %mul3A_1656 = arith.muli %add3A_1631, %mul3A_1655 : i32
      %add3A_1657 = arith.addi %mul3A_1656, %mul3A_1644 : i32
      %dma_start3A_1658 = arith.constant 1 : i32
      %dma_start3A_1659 = arith.constant 0 : i32
      %dma_start3A_1660 = tpu.memref_slice %arg6[%dma_start3A_1658, %dma_start3A_1659] : memref<264x128xf32, #tpu.memory_space<vmem>> -> memref<256x128xf32, #tpu.memory_space<vmem>>
      %dma_start3A_1661 = tpu.memref_reshape %arg4 : memref<4x8192x128xf32, #tpu.memory_space<hbm>> -> memref<32768x128xf32, #tpu.memory_space<hbm>>
      %dma_start3A_1662 = arith.constant 0 : i32
      %dma_start3A_1663 = tpu.memref_slice %dma_start3A_1661[%add3A_1657, %dma_start3A_1662] : memref<32768x128xf32, #tpu.memory_space<hbm>> -> memref<256x128xf32, #tpu.memory_space<hbm>>
      %dma_start3A_1664 = tpu.memref_reshape %arg4 : memref<4x8192x128xf32, #tpu.memory_space<hbm>> -> memref<32768x128xf32, #tpu.memory_space<hbm>>
      %dma_start3A_1665 = arith.constant 0 : i32
      %dma_start3A_1666 = tpu.memref_slice %dma_start3A_1664[%add3A_1657, %dma_start3A_1665] : memref<32768x128xf32, #tpu.memory_space<hbm>> -> memref<256x128xf32, #tpu.memory_space<hbm>>
      %dma_start3A_1667 = arith.constant 1 : i32
      %dma_start3A_1668 = arith.constant 0 : i32
      %dma_start3A_1669 = tpu.memref_slice %arg6[%dma_start3A_1667, %dma_start3A_1668] : memref<264x128xf32, #tpu.memory_space<vmem>> -> memref<256x128xf32, #tpu.memory_space<vmem>>
      tpu.enqueue_dma source(%dma_start3A_1669 : memref<256x128xf32, #tpu.memory_space<vmem>>) target(%dma_start3A_1666 : memref<256x128xf32, #tpu.memory_space<hbm>>) target_semaphore(%arg16 : memref<!tpu.dma_semaphore, #tpu.memory_space<semaphore_mem>>)
    } else {
    }
    %add3A_1346 = arith.constant 1 : i32
    %add3A_1347 = arith.addi %select_n3A_173, %add3A_1346 : i32
    %ge3A_1348 = arith.cmpi sge, %add3A_1347, %select_n3A : i32
    %convert_element_type3A_1349 = arith.extui %ge3A_1348 : i1 to i32
    %ge3A_1350 = arith.cmpi sge, %add3A_1347, %add3A_131 : i32
    %convert_element_type3A_1351 = arith.extui %ge3A_1350 : i1 to i32
    %add3A_1352 = arith.addi %convert_element_type3A_1349, %convert_element_type3A_1351 : i32
    %ge3A_1353 = arith.cmpi sge, %add3A_1347, %add3A_133 : i32
    %convert_element_type3A_1354 = arith.extui %ge3A_1353 : i1 to i32
    %add3A_1355 = arith.addi %add3A_1352, %convert_element_type3A_1354 : i32
    %eq3A_1356 = arith.constant 0 : i32
    %eq3A_1357 = arith.cmpi eq, %add3A_1355, %eq3A_1356 : i32
    %eq3A_1358 = arith.constant 1 : i32
    %eq3A_1359 = arith.cmpi eq, %add3A_1355, %eq3A_1358 : i32
    %eq3A_1360 = arith.constant 2 : i32
    %eq3A_1361 = arith.cmpi eq, %add3A_1355, %eq3A_1360 : i32
    %select_n3A_1362 = arith.select %eq3A_1361, %add3A_131, %add3A_133 : i32
    %select_n3A_1363 = arith.select %eq3A_1359, %select_n3A, %select_n3A_1362 : i32
    %jit3A_1364 = arith.constant 0 : i32
    %select_n3A_1365 = arith.select %eq3A_1357, %jit3A_1364, %select_n3A_1363 : i32
    %sub3A_1366 = arith.subi %add3A_1347, %select_n3A_1365 : i32
    %mul3A_1367 = arith.constant 256 : i32
    %mul3A_1368 = arith.muli %sub3A_1366, %mul3A_1367 : i32
    %eq3A_1369 = arith.constant 0 : i32
    %eq3A_1370 = arith.cmpi eq, %add3A_1355, %eq3A_1369 : i32
    %eq3A_1371 = arith.constant 1 : i32
    %eq3A_1372 = arith.cmpi eq, %add3A_1355, %eq3A_1371 : i32
    %eq3A_1373 = arith.constant 2 : i32
    %eq3A_1374 = arith.cmpi eq, %add3A_1355, %eq3A_1373 : i32
    %select_n3A_1375 = arith.select %eq3A_1374, %squeeze3A_24, %squeeze3A_26 : i32
    %select_n3A_1376 = arith.select %eq3A_1372, %squeeze3A_22, %select_n3A_1375 : i32
    %select_n3A_1377 = arith.select %eq3A_1370, %squeeze3A, %select_n3A_1376 : i32
    %lt3A_1378 = arith.cmpi slt, %add3A_1347, %select_n3A_204 : i32
    %convert_element_type3A_1379 = arith.extui %lt3A_1378 : i1 to i32
    %cond3A_1380 = arith.constant 0 : i32
    %cond3A_1381 = arith.cmpi ne, %convert_element_type3A_1379, %cond3A_1380 : i32
    scf.if %cond3A_1381 {
      %add3A_1622 = arith.constant 1 : i32
      %add3A_1623 = arith.addi %select_n3A_173, %add3A_1622 : i32
      %ge3A_1624 = arith.cmpi sge, %add3A_1623, %select_n3A : i32
      %convert_element_type3A_1625 = arith.extui %ge3A_1624 : i1 to i32
      %ge3A_1626 = arith.cmpi sge, %add3A_1623, %add3A_131 : i32
      %convert_element_type3A_1627 = arith.extui %ge3A_1626 : i1 to i32
      %add3A_1628 = arith.addi %convert_element_type3A_1625, %convert_element_type3A_1627 : i32
      %ge3A_1629 = arith.cmpi sge, %add3A_1623, %add3A_133 : i32
      %convert_element_type3A_1630 = arith.extui %ge3A_1629 : i1 to i32
      %add3A_1631 = arith.addi %add3A_1628, %convert_element_type3A_1630 : i32
      %eq3A_1632 = arith.constant 0 : i32
      %eq3A_1633 = arith.cmpi eq, %add3A_1631, %eq3A_1632 : i32
      %eq3A_1634 = arith.constant 1 : i32
      %eq3A_1635 = arith.cmpi eq, %add3A_1631, %eq3A_1634 : i32
      %eq3A_1636 = arith.constant 2 : i32
      %eq3A_1637 = arith.cmpi eq, %add3A_1631, %eq3A_1636 : i32
      %select_n3A_1638 = arith.select %eq3A_1637, %add3A_131, %add3A_133 : i32
      %select_n3A_1639 = arith.select %eq3A_1635, %select_n3A, %select_n3A_1638 : i32
      %jit3A_1640 = arith.constant 0 : i32
      %select_n3A_1641 = arith.select %eq3A_1633, %jit3A_1640, %select_n3A_1639 : i32
      %sub3A_1642 = arith.subi %add3A_1623, %select_n3A_1641 : i32
      %mul3A_1643 = arith.constant 256 : i32
      %mul3A_1644 = arith.muli %sub3A_1642, %mul3A_1643 : i32
      %eq3A_1645 = arith.constant 0 : i32
      %eq3A_1646 = arith.cmpi eq, %add3A_1631, %eq3A_1645 : i32
      %eq3A_1647 = arith.constant 1 : i32
      %eq3A_1648 = arith.cmpi eq, %add3A_1631, %eq3A_1647 : i32
      %eq3A_1649 = arith.constant 2 : i32
      %eq3A_1650 = arith.cmpi eq, %add3A_1631, %eq3A_1649 : i32
      %select_n3A_1651 = arith.select %eq3A_1650, %squeeze3A_24, %squeeze3A_26 : i32
      %select_n3A_1652 = arith.select %eq3A_1648, %squeeze3A_22, %select_n3A_1651 : i32
      %select_n3A_1653 = arith.select %eq3A_1646, %squeeze3A, %select_n3A_1652 : i32
      %lt3A_1654 = arith.cmpi slt, %add3A_1623, %select_n3A_204 : i32
      %mul3A_1655 = arith.constant 8192 : i32
      %mul3A_1656 = arith.muli %add3A_1631, %mul3A_1655 : i32
      %add3A_1657 = arith.addi %mul3A_1656, %mul3A_1644 : i32
      %dma_wait3A_1658 = arith.constant 1 : i32
      %dma_wait3A_1659 = arith.constant 0 : i32
      %dma_wait3A_1660 = tpu.memref_slice %arg7[%dma_wait3A_1658, %dma_wait3A_1659] : memref<264x128xf32, #tpu.memory_space<vmem>> -> memref<256x128xf32, #tpu.memory_space<vmem>>
      %dma_wait3A_1661 = tpu.memref_reshape %arg4 : memref<4x8192x128xf32, #tpu.memory_space<hbm>> -> memref<32768x128xf32, #tpu.memory_space<hbm>>
      %dma_wait3A_1662 = arith.constant 0 : i32
      %dma_wait3A_1663 = tpu.memref_slice %dma_wait3A_1661[%add3A_1657, %dma_wait3A_1662] : memref<32768x128xf32, #tpu.memory_space<hbm>> -> memref<256x128xf32, #tpu.memory_space<hbm>>
      %dma_wait3A_1664 = tpu.memref_reshape %arg4 : memref<4x8192x128xf32, #tpu.memory_space<hbm>> -> memref<32768x128xf32, #tpu.memory_space<hbm>>
      %dma_wait3A_1665 = arith.constant 0 : i32
      %dma_wait3A_1666 = tpu.memref_slice %dma_wait3A_1664[%add3A_1657, %dma_wait3A_1665] : memref<32768x128xf32, #tpu.memory_space<hbm>> -> memref<256x128xf32, #tpu.memory_space<hbm>>
      %dma_wait3A_1667 = arith.constant 1 : i32
      %dma_wait3A_1668 = arith.constant 0 : i32
      %dma_wait3A_1669 = tpu.memref_slice %arg7[%dma_wait3A_1667, %dma_wait3A_1668] : memref<264x128xf32, #tpu.memory_space<vmem>> -> memref<256x128xf32, #tpu.memory_space<vmem>>
      tpu.wait_dma2 semaphore(%arg17 : memref<!tpu.dma_semaphore, #tpu.memory_space<semaphore_mem>>) src(%dma_wait3A_1669 : memref<256x128xf32, #tpu.memory_space<vmem>>) dst(%dma_wait3A_1666 : memref<256x128xf32, #tpu.memory_space<hbm>>)
    } else {
    }
    %add3A_1382 = arith.constant 2 : i32
    %add3A_1383 = arith.addi %select_n3A_173, %add3A_1382 : i32
    %ge3A_1384 = arith.cmpi sge, %add3A_1383, %select_n3A : i32
    %convert_element_type3A_1385 = arith.extui %ge3A_1384 : i1 to i32
    %ge3A_1386 = arith.cmpi sge, %add3A_1383, %add3A_131 : i32
    %convert_element_type3A_1387 = arith.extui %ge3A_1386 : i1 to i32
    %add3A_1388 = arith.addi %convert_element_type3A_1385, %convert_element_type3A_1387 : i32
    %ge3A_1389 = arith.cmpi sge, %add3A_1383, %add3A_133 : i32
    %convert_element_type3A_1390 = arith.extui %ge3A_1389 : i1 to i32
    %add3A_1391 = arith.addi %add3A_1388, %convert_element_type3A_1390 : i32
    %eq3A_1392 = arith.constant 0 : i32
    %eq3A_1393 = arith.cmpi eq, %add3A_1391, %eq3A_1392 : i32
    %eq3A_1394 = arith.constant 1 : i32
    %eq3A_1395 = arith.cmpi eq, %add3A_1391, %eq3A_1394 : i32
    %eq3A_1396 = arith.constant 2 : i32
    %eq3A_1397 = arith.cmpi eq, %add3A_1391, %eq3A_1396 : i32
    %select_n3A_1398 = arith.select %eq3A_1397, %add3A_131, %add3A_133 : i32
    %select_n3A_1399 = arith.select %eq3A_1395, %select_n3A, %select_n3A_1398 : i32
    %jit3A_1400 = arith.constant 0 : i32
    %select_n3A_1401 = arith.select %eq3A_1393, %jit3A_1400, %select_n3A_1399 : i32
    %sub3A_1402 = arith.subi %add3A_1383, %select_n3A_1401 : i32
    %mul3A_1403 = arith.constant 256 : i32
    %mul3A_1404 = arith.muli %sub3A_1402, %mul3A_1403 : i32
    %eq3A_1405 = arith.constant 0 : i32
    %eq3A_1406 = arith.cmpi eq, %add3A_1391, %eq3A_1405 : i32
    %eq3A_1407 = arith.constant 1 : i32
    %eq3A_1408 = arith.cmpi eq, %add3A_1391, %eq3A_1407 : i32
    %eq3A_1409 = arith.constant 2 : i32
    %eq3A_1410 = arith.cmpi eq, %add3A_1391, %eq3A_1409 : i32
    %select_n3A_1411 = arith.select %eq3A_1410, %squeeze3A_24, %squeeze3A_26 : i32
    %select_n3A_1412 = arith.select %eq3A_1408, %squeeze3A_22, %select_n3A_1411 : i32
    %select_n3A_1413 = arith.select %eq3A_1406, %squeeze3A, %select_n3A_1412 : i32
    %lt3A_1414 = arith.cmpi slt, %add3A_1383, %select_n3A_204 : i32
    %convert_element_type3A_1415 = arith.extui %lt3A_1414 : i1 to i32
    %cond3A_1416 = arith.constant 0 : i32
    %cond3A_1417 = arith.cmpi ne, %convert_element_type3A_1415, %cond3A_1416 : i32
    scf.if %cond3A_1417 {
      %add3A_1622 = arith.constant 2 : i32
      %add3A_1623 = arith.addi %select_n3A_173, %add3A_1622 : i32
      %ge3A_1624 = arith.cmpi sge, %add3A_1623, %select_n3A : i32
      %convert_element_type3A_1625 = arith.extui %ge3A_1624 : i1 to i32
      %ge3A_1626 = arith.cmpi sge, %add3A_1623, %add3A_131 : i32
      %convert_element_type3A_1627 = arith.extui %ge3A_1626 : i1 to i32
      %add3A_1628 = arith.addi %convert_element_type3A_1625, %convert_element_type3A_1627 : i32
      %ge3A_1629 = arith.cmpi sge, %add3A_1623, %add3A_133 : i32
      %convert_element_type3A_1630 = arith.extui %ge3A_1629 : i1 to i32
      %add3A_1631 = arith.addi %add3A_1628, %convert_element_type3A_1630 : i32
      %eq3A_1632 = arith.constant 0 : i32
      %eq3A_1633 = arith.cmpi eq, %add3A_1631, %eq3A_1632 : i32
      %eq3A_1634 = arith.constant 1 : i32
      %eq3A_1635 = arith.cmpi eq, %add3A_1631, %eq3A_1634 : i32
      %eq3A_1636 = arith.constant 2 : i32
      %eq3A_1637 = arith.cmpi eq, %add3A_1631, %eq3A_1636 : i32
      %select_n3A_1638 = arith.select %eq3A_1637, %add3A_131, %add3A_133 : i32
      %select_n3A_1639 = arith.select %eq3A_1635, %select_n3A, %select_n3A_1638 : i32
      %jit3A_1640 = arith.constant 0 : i32
      %select_n3A_1641 = arith.select %eq3A_1633, %jit3A_1640, %select_n3A_1639 : i32
      %sub3A_1642 = arith.subi %add3A_1623, %select_n3A_1641 : i32
      %mul3A_1643 = arith.constant 256 : i32
      %mul3A_1644 = arith.muli %sub3A_1642, %mul3A_1643 : i32
      %eq3A_1645 = arith.constant 0 : i32
      %eq3A_1646 = arith.cmpi eq, %add3A_1631, %eq3A_1645 : i32
      %eq3A_1647 = arith.constant 1 : i32
      %eq3A_1648 = arith.cmpi eq, %add3A_1631, %eq3A_1647 : i32
      %eq3A_1649 = arith.constant 2 : i32
      %eq3A_1650 = arith.cmpi eq, %add3A_1631, %eq3A_1649 : i32
      %select_n3A_1651 = arith.select %eq3A_1650, %squeeze3A_24, %squeeze3A_26 : i32
      %select_n3A_1652 = arith.select %eq3A_1648, %squeeze3A_22, %select_n3A_1651 : i32
      %select_n3A_1653 = arith.select %eq3A_1646, %squeeze3A, %select_n3A_1652 : i32
      %lt3A_1654 = arith.cmpi slt, %add3A_1623, %select_n3A_204 : i32
      %mul3A_1655 = arith.constant 8192 : i32
      %mul3A_1656 = arith.muli %add3A_1631, %mul3A_1655 : i32
      %add3A_1657 = arith.addi %mul3A_1656, %mul3A_1644 : i32
      %dma_wait3A_1658 = arith.constant 1 : i32
      %dma_wait3A_1659 = arith.constant 0 : i32
      %dma_wait3A_1660 = tpu.memref_slice %arg8[%dma_wait3A_1658, %dma_wait3A_1659] : memref<264x128xf32, #tpu.memory_space<vmem>> -> memref<256x128xf32, #tpu.memory_space<vmem>>
      %dma_wait3A_1661 = tpu.memref_reshape %arg4 : memref<4x8192x128xf32, #tpu.memory_space<hbm>> -> memref<32768x128xf32, #tpu.memory_space<hbm>>
      %dma_wait3A_1662 = arith.constant 0 : i32
      %dma_wait3A_1663 = tpu.memref_slice %dma_wait3A_1661[%add3A_1657, %dma_wait3A_1662] : memref<32768x128xf32, #tpu.memory_space<hbm>> -> memref<256x128xf32, #tpu.memory_space<hbm>>
      %dma_wait3A_1664 = tpu.memref_reshape %arg4 : memref<4x8192x128xf32, #tpu.memory_space<hbm>> -> memref<32768x128xf32, #tpu.memory_space<hbm>>
      %dma_wait3A_1665 = arith.constant 0 : i32
      %dma_wait3A_1666 = tpu.memref_slice %dma_wait3A_1664[%add3A_1657, %dma_wait3A_1665] : memref<32768x128xf32, #tpu.memory_space<hbm>> -> memref<256x128xf32, #tpu.memory_space<hbm>>
      %dma_wait3A_1667 = arith.constant 1 : i32
      %dma_wait3A_1668 = arith.constant 0 : i32
      %dma_wait3A_1669 = tpu.memref_slice %arg8[%dma_wait3A_1667, %dma_wait3A_1668] : memref<264x128xf32, #tpu.memory_space<vmem>> -> memref<256x128xf32, #tpu.memory_space<vmem>>
      tpu.wait_dma2 semaphore(%arg18 : memref<!tpu.dma_semaphore, #tpu.memory_space<semaphore_mem>>) src(%dma_wait3A_1669 : memref<256x128xf32, #tpu.memory_space<vmem>>) dst(%dma_wait3A_1666 : memref<256x128xf32, #tpu.memory_space<hbm>>)
    } else {
    }
    %add3A_1418 = arith.constant 3 : i32
    %add3A_1419 = arith.addi %select_n3A_173, %add3A_1418 : i32
    %ge3A_1420 = arith.cmpi sge, %add3A_1419, %select_n3A : i32
    %convert_element_type3A_1421 = arith.extui %ge3A_1420 : i1 to i32
    %ge3A_1422 = arith.cmpi sge, %add3A_1419, %add3A_131 : i32
    %convert_element_type3A_1423 = arith.extui %ge3A_1422 : i1 to i32
    %add3A_1424 = arith.addi %convert_element_type3A_1421, %convert_element_type3A_1423 : i32
    %ge3A_1425 = arith.cmpi sge, %add3A_1419, %add3A_133 : i32
    %convert_element_type3A_1426 = arith.extui %ge3A_1425 : i1 to i32
    %add3A_1427 = arith.addi %add3A_1424, %convert_element_type3A_1426 : i32
    %eq3A_1428 = arith.constant 0 : i32
    %eq3A_1429 = arith.cmpi eq, %add3A_1427, %eq3A_1428 : i32
    %eq3A_1430 = arith.constant 1 : i32
    %eq3A_1431 = arith.cmpi eq, %add3A_1427, %eq3A_1430 : i32
    %eq3A_1432 = arith.constant 2 : i32
    %eq3A_1433 = arith.cmpi eq, %add3A_1427, %eq3A_1432 : i32
    %select_n3A_1434 = arith.select %eq3A_1433, %add3A_131, %add3A_133 : i32
    %select_n3A_1435 = arith.select %eq3A_1431, %select_n3A, %select_n3A_1434 : i32
    %jit3A_1436 = arith.constant 0 : i32
    %select_n3A_1437 = arith.select %eq3A_1429, %jit3A_1436, %select_n3A_1435 : i32
    %sub3A_1438 = arith.subi %add3A_1419, %select_n3A_1437 : i32
    %mul3A_1439 = arith.constant 256 : i32
    %mul3A_1440 = arith.muli %sub3A_1438, %mul3A_1439 : i32
    %eq3A_1441 = arith.constant 0 : i32
    %eq3A_1442 = arith.cmpi eq, %add3A_1427, %eq3A_1441 : i32
    %eq3A_1443 = arith.constant 1 : i32
    %eq3A_1444 = arith.cmpi eq, %add3A_1427, %eq3A_1443 : i32
    %eq3A_1445 = arith.constant 2 : i32
    %eq3A_1446 = arith.cmpi eq, %add3A_1427, %eq3A_1445 : i32
    %select_n3A_1447 = arith.select %eq3A_1446, %squeeze3A_24, %squeeze3A_26 : i32
    %select_n3A_1448 = arith.select %eq3A_1444, %squeeze3A_22, %select_n3A_1447 : i32
    %select_n3A_1449 = arith.select %eq3A_1442, %squeeze3A, %select_n3A_1448 : i32
    %lt3A_1450 = arith.cmpi slt, %add3A_1419, %select_n3A_204 : i32
    %convert_element_type3A_1451 = arith.extui %lt3A_1450 : i1 to i32
    %cond3A_1452 = arith.constant 0 : i32
    %cond3A_1453 = arith.cmpi ne, %convert_element_type3A_1451, %cond3A_1452 : i32
    scf.if %cond3A_1453 {
      %add3A_1622 = arith.constant 3 : i32
      %add3A_1623 = arith.addi %select_n3A_173, %add3A_1622 : i32
      %ge3A_1624 = arith.cmpi sge, %add3A_1623, %select_n3A : i32
      %convert_element_type3A_1625 = arith.extui %ge3A_1624 : i1 to i32
      %ge3A_1626 = arith.cmpi sge, %add3A_1623, %add3A_131 : i32
      %convert_element_type3A_1627 = arith.extui %ge3A_1626 : i1 to i32
      %add3A_1628 = arith.addi %convert_element_type3A_1625, %convert_element_type3A_1627 : i32
      %ge3A_1629 = arith.cmpi sge, %add3A_1623, %add3A_133 : i32
      %convert_element_type3A_1630 = arith.extui %ge3A_1629 : i1 to i32
      %add3A_1631 = arith.addi %add3A_1628, %convert_element_type3A_1630 : i32
      %eq3A_1632 = arith.constant 0 : i32
      %eq3A_1633 = arith.cmpi eq, %add3A_1631, %eq3A_1632 : i32
      %eq3A_1634 = arith.constant 1 : i32
      %eq3A_1635 = arith.cmpi eq, %add3A_1631, %eq3A_1634 : i32
      %eq3A_1636 = arith.constant 2 : i32
      %eq3A_1637 = arith.cmpi eq, %add3A_1631, %eq3A_1636 : i32
      %select_n3A_1638 = arith.select %eq3A_1637, %add3A_131, %add3A_133 : i32
      %select_n3A_1639 = arith.select %eq3A_1635, %select_n3A, %select_n3A_1638 : i32
      %jit3A_1640 = arith.constant 0 : i32
      %select_n3A_1641 = arith.select %eq3A_1633, %jit3A_1640, %select_n3A_1639 : i32
      %sub3A_1642 = arith.subi %add3A_1623, %select_n3A_1641 : i32
      %mul3A_1643 = arith.constant 256 : i32
      %mul3A_1644 = arith.muli %sub3A_1642, %mul3A_1643 : i32
      %eq3A_1645 = arith.constant 0 : i32
      %eq3A_1646 = arith.cmpi eq, %add3A_1631, %eq3A_1645 : i32
      %eq3A_1647 = arith.constant 1 : i32
      %eq3A_1648 = arith.cmpi eq, %add3A_1631, %eq3A_1647 : i32
      %eq3A_1649 = arith.constant 2 : i32
      %eq3A_1650 = arith.cmpi eq, %add3A_1631, %eq3A_1649 : i32
      %select_n3A_1651 = arith.select %eq3A_1650, %squeeze3A_24, %squeeze3A_26 : i32
      %select_n3A_1652 = arith.select %eq3A_1648, %squeeze3A_22, %select_n3A_1651 : i32
      %select_n3A_1653 = arith.select %eq3A_1646, %squeeze3A, %select_n3A_1652 : i32
      %lt3A_1654 = arith.cmpi slt, %add3A_1623, %select_n3A_204 : i32
      %mul3A_1655 = arith.constant 8192 : i32
      %mul3A_1656 = arith.muli %add3A_1631, %mul3A_1655 : i32
      %add3A_1657 = arith.addi %mul3A_1656, %mul3A_1644 : i32
      %dma_wait3A_1658 = arith.constant 1 : i32
      %dma_wait3A_1659 = arith.constant 0 : i32
      %dma_wait3A_1660 = tpu.memref_slice %arg6[%dma_wait3A_1658, %dma_wait3A_1659] : memref<264x128xf32, #tpu.memory_space<vmem>> -> memref<256x128xf32, #tpu.memory_space<vmem>>
      %dma_wait3A_1661 = tpu.memref_reshape %arg4 : memref<4x8192x128xf32, #tpu.memory_space<hbm>> -> memref<32768x128xf32, #tpu.memory_space<hbm>>
      %dma_wait3A_1662 = arith.constant 0 : i32
      %dma_wait3A_1663 = tpu.memref_slice %dma_wait3A_1661[%add3A_1657, %dma_wait3A_1662] : memref<32768x128xf32, #tpu.memory_space<hbm>> -> memref<256x128xf32, #tpu.memory_space<hbm>>
      %dma_wait3A_1664 = tpu.memref_reshape %arg4 : memref<4x8192x128xf32, #tpu.memory_space<hbm>> -> memref<32768x128xf32, #tpu.memory_space<hbm>>
      %dma_wait3A_1665 = arith.constant 0 : i32
      %dma_wait3A_1666 = tpu.memref_slice %dma_wait3A_1664[%add3A_1657, %dma_wait3A_1665] : memref<32768x128xf32, #tpu.memory_space<hbm>> -> memref<256x128xf32, #tpu.memory_space<hbm>>
      %dma_wait3A_1667 = arith.constant 1 : i32
      %dma_wait3A_1668 = arith.constant 0 : i32
      %dma_wait3A_1669 = tpu.memref_slice %arg6[%dma_wait3A_1667, %dma_wait3A_1668] : memref<264x128xf32, #tpu.memory_space<vmem>> -> memref<256x128xf32, #tpu.memory_space<vmem>>
      tpu.wait_dma2 semaphore(%arg16 : memref<!tpu.dma_semaphore, #tpu.memory_space<semaphore_mem>>) src(%dma_wait3A_1669 : memref<256x128xf32, #tpu.memory_space<vmem>>) dst(%dma_wait3A_1666 : memref<256x128xf32, #tpu.memory_space<hbm>>)
    } else {
    }
    %add3A_1454 = arith.constant 0 : i32
    %add3A_1455 = arith.addi %select_n3A_235, %add3A_1454 : i32
    %ge3A_1456 = arith.cmpi sge, %add3A_1455, %sub3A_138 : i32
    %convert_element_type3A_1457 = arith.extui %ge3A_1456 : i1 to i32
    %ge3A_1458 = arith.cmpi sge, %add3A_1455, %sub3A_141 : i32
    %convert_element_type3A_1459 = arith.extui %ge3A_1458 : i1 to i32
    %add3A_1460 = arith.addi %convert_element_type3A_1457, %convert_element_type3A_1459 : i32
    %ge3A_1461 = arith.cmpi sge, %add3A_1455, %sub3A_144 : i32
    %convert_element_type3A_1462 = arith.extui %ge3A_1461 : i1 to i32
    %add3A_1463 = arith.addi %add3A_1460, %convert_element_type3A_1462 : i32
    %eq3A_1464 = arith.constant 0 : i32
    %eq3A_1465 = arith.cmpi eq, %add3A_1463, %eq3A_1464 : i32
    %eq3A_1466 = arith.constant 1 : i32
    %eq3A_1467 = arith.cmpi eq, %add3A_1463, %eq3A_1466 : i32
    %eq3A_1468 = arith.constant 2 : i32
    %eq3A_1469 = arith.cmpi eq, %add3A_1463, %eq3A_1468 : i32
    %select_n3A_1470 = arith.select %eq3A_1469, %select_n3A_102, %select_n3A_130 : i32
    %select_n3A_1471 = arith.select %eq3A_1467, %select_n3A_74, %select_n3A_1470 : i32
    %select_n3A_1472 = arith.select %eq3A_1465, %select_n3A, %select_n3A_1471 : i32
    %mul3A_1473 = arith.constant 256 : i32
    %mul3A_1474 = arith.muli %select_n3A_1472, %mul3A_1473 : i32
    %eq3A_1475 = arith.constant 0 : i32
    %eq3A_1476 = arith.cmpi eq, %add3A_1463, %eq3A_1475 : i32
    %eq3A_1477 = arith.constant 1 : i32
    %eq3A_1478 = arith.cmpi eq, %add3A_1463, %eq3A_1477 : i32
    %eq3A_1479 = arith.constant 2 : i32
    %eq3A_1480 = arith.cmpi eq, %add3A_1463, %eq3A_1479 : i32
    %select_n3A_1481 = arith.select %eq3A_1480, %sub3A_141, %sub3A_144 : i32
    %select_n3A_1482 = arith.select %eq3A_1478, %sub3A_138, %select_n3A_1481 : i32
    %jit3A_1483 = arith.constant 0 : i32
    %select_n3A_1484 = arith.select %eq3A_1476, %jit3A_1483, %select_n3A_1482 : i32
    %sub3A_1485 = arith.subi %add3A_1455, %select_n3A_1484 : i32
    %mul3A_1486 = arith.constant 256 : i32
    %mul3A_1487 = arith.muli %sub3A_1485, %mul3A_1486 : i32
    %add3A_1488 = arith.addi %mul3A_1474, %mul3A_1487 : i32
    %lt3A_1489 = arith.cmpi slt, %add3A_1455, %select_n3A_266 : i32
    %mul3A_1490 = arith.constant 8192 : i32
    %mul3A_1491 = arith.muli %add3A_1463, %mul3A_1490 : i32
    %add3A_1492 = arith.addi %mul3A_1491, %add3A_1488 : i32
    %convert_element_type3A_1493 = arith.extui %lt3A_1489 : i1 to i32
    %cond3A_1494 = arith.constant 0 : i32
    %cond3A_1495 = arith.cmpi ne, %convert_element_type3A_1493, %cond3A_1494 : i32
    scf.if %cond3A_1495 {
      %dma_wait3A_1622 = tpu.memref_reshape %arg4 : memref<4x8192x128xf32, #tpu.memory_space<hbm>> -> memref<32768x128xf32, #tpu.memory_space<hbm>>
      %dma_wait3A_1623 = arith.constant 0 : i32
      %dma_wait3A_1624 = tpu.memref_slice %dma_wait3A_1622[%add3A_1492, %dma_wait3A_1623] : memref<32768x128xf32, #tpu.memory_space<hbm>> -> memref<128x128xf32, #tpu.memory_space<hbm>>
      %dma_wait3A_1625 = tpu.memref_reshape %arg4 : memref<4x8192x128xf32, #tpu.memory_space<hbm>> -> memref<32768x128xf32, #tpu.memory_space<hbm>>
      %dma_wait3A_1626 = arith.constant 0 : i32
      %dma_wait3A_1627 = tpu.memref_slice %dma_wait3A_1625[%add3A_1492, %dma_wait3A_1626] : memref<32768x128xf32, #tpu.memory_space<hbm>> -> memref<128x128xf32, #tpu.memory_space<hbm>>
      tpu.wait_dma2 semaphore(%arg12 : memref<!tpu.dma_semaphore, #tpu.memory_space<semaphore_mem>>) src(%arg9 : memref<128x128xf32, #tpu.memory_space<vmem>>) dst(%dma_wait3A_1627 : memref<128x128xf32, #tpu.memory_space<hbm>>)
      %add3A_1628 = arith.constant 128 : i32
      %add3A_1629 = arith.addi %add3A_1492, %add3A_1628 : i32
      %dma_wait3A_1630 = tpu.memref_reshape %arg4 : memref<4x8192x128xf32, #tpu.memory_space<hbm>> -> memref<32768x128xf32, #tpu.memory_space<hbm>>
      %dma_wait3A_1631 = arith.constant 0 : i32
      %dma_wait3A_1632 = tpu.memref_slice %dma_wait3A_1630[%add3A_1629, %dma_wait3A_1631] : memref<32768x128xf32, #tpu.memory_space<hbm>> -> memref<128x128xf32, #tpu.memory_space<hbm>>
      %dma_wait3A_1633 = tpu.memref_reshape %arg4 : memref<4x8192x128xf32, #tpu.memory_space<hbm>> -> memref<32768x128xf32, #tpu.memory_space<hbm>>
      %dma_wait3A_1634 = arith.constant 0 : i32
      %dma_wait3A_1635 = tpu.memref_slice %dma_wait3A_1633[%add3A_1629, %dma_wait3A_1634] : memref<32768x128xf32, #tpu.memory_space<hbm>> -> memref<128x128xf32, #tpu.memory_space<hbm>>
      tpu.wait_dma2 semaphore(%arg12 : memref<!tpu.dma_semaphore, #tpu.memory_space<semaphore_mem>>) src(%arg9 : memref<128x128xf32, #tpu.memory_space<vmem>>) dst(%dma_wait3A_1635 : memref<128x128xf32, #tpu.memory_space<hbm>>)
    } else {
    }
    %add3A_1496 = arith.constant 1 : i32
    %add3A_1497 = arith.addi %select_n3A_235, %add3A_1496 : i32
    %ge3A_1498 = arith.cmpi sge, %add3A_1497, %sub3A_138 : i32
    %convert_element_type3A_1499 = arith.extui %ge3A_1498 : i1 to i32
    %ge3A_1500 = arith.cmpi sge, %add3A_1497, %sub3A_141 : i32
    %convert_element_type3A_1501 = arith.extui %ge3A_1500 : i1 to i32
    %add3A_1502 = arith.addi %convert_element_type3A_1499, %convert_element_type3A_1501 : i32
    %ge3A_1503 = arith.cmpi sge, %add3A_1497, %sub3A_144 : i32
    %convert_element_type3A_1504 = arith.extui %ge3A_1503 : i1 to i32
    %add3A_1505 = arith.addi %add3A_1502, %convert_element_type3A_1504 : i32
    %eq3A_1506 = arith.constant 0 : i32
    %eq3A_1507 = arith.cmpi eq, %add3A_1505, %eq3A_1506 : i32
    %eq3A_1508 = arith.constant 1 : i32
    %eq3A_1509 = arith.cmpi eq, %add3A_1505, %eq3A_1508 : i32
    %eq3A_1510 = arith.constant 2 : i32
    %eq3A_1511 = arith.cmpi eq, %add3A_1505, %eq3A_1510 : i32
    %select_n3A_1512 = arith.select %eq3A_1511, %select_n3A_102, %select_n3A_130 : i32
    %select_n3A_1513 = arith.select %eq3A_1509, %select_n3A_74, %select_n3A_1512 : i32
    %select_n3A_1514 = arith.select %eq3A_1507, %select_n3A, %select_n3A_1513 : i32
    %mul3A_1515 = arith.constant 256 : i32
    %mul3A_1516 = arith.muli %select_n3A_1514, %mul3A_1515 : i32
    %eq3A_1517 = arith.constant 0 : i32
    %eq3A_1518 = arith.cmpi eq, %add3A_1505, %eq3A_1517 : i32
    %eq3A_1519 = arith.constant 1 : i32
    %eq3A_1520 = arith.cmpi eq, %add3A_1505, %eq3A_1519 : i32
    %eq3A_1521 = arith.constant 2 : i32
    %eq3A_1522 = arith.cmpi eq, %add3A_1505, %eq3A_1521 : i32
    %select_n3A_1523 = arith.select %eq3A_1522, %sub3A_141, %sub3A_144 : i32
    %select_n3A_1524 = arith.select %eq3A_1520, %sub3A_138, %select_n3A_1523 : i32
    %jit3A_1525 = arith.constant 0 : i32
    %select_n3A_1526 = arith.select %eq3A_1518, %jit3A_1525, %select_n3A_1524 : i32
    %sub3A_1527 = arith.subi %add3A_1497, %select_n3A_1526 : i32
    %mul3A_1528 = arith.constant 256 : i32
    %mul3A_1529 = arith.muli %sub3A_1527, %mul3A_1528 : i32
    %add3A_1530 = arith.addi %mul3A_1516, %mul3A_1529 : i32
    %lt3A_1531 = arith.cmpi slt, %add3A_1497, %select_n3A_266 : i32
    %mul3A_1532 = arith.constant 8192 : i32
    %mul3A_1533 = arith.muli %add3A_1505, %mul3A_1532 : i32
    %add3A_1534 = arith.addi %mul3A_1533, %add3A_1530 : i32
    %convert_element_type3A_1535 = arith.extui %lt3A_1531 : i1 to i32
    %cond3A_1536 = arith.constant 0 : i32
    %cond3A_1537 = arith.cmpi ne, %convert_element_type3A_1535, %cond3A_1536 : i32
    scf.if %cond3A_1537 {
      %dma_wait3A_1622 = tpu.memref_reshape %arg4 : memref<4x8192x128xf32, #tpu.memory_space<hbm>> -> memref<32768x128xf32, #tpu.memory_space<hbm>>
      %dma_wait3A_1623 = arith.constant 0 : i32
      %dma_wait3A_1624 = tpu.memref_slice %dma_wait3A_1622[%add3A_1534, %dma_wait3A_1623] : memref<32768x128xf32, #tpu.memory_space<hbm>> -> memref<128x128xf32, #tpu.memory_space<hbm>>
      %dma_wait3A_1625 = tpu.memref_reshape %arg4 : memref<4x8192x128xf32, #tpu.memory_space<hbm>> -> memref<32768x128xf32, #tpu.memory_space<hbm>>
      %dma_wait3A_1626 = arith.constant 0 : i32
      %dma_wait3A_1627 = tpu.memref_slice %dma_wait3A_1625[%add3A_1534, %dma_wait3A_1626] : memref<32768x128xf32, #tpu.memory_space<hbm>> -> memref<128x128xf32, #tpu.memory_space<hbm>>
      tpu.wait_dma2 semaphore(%arg12 : memref<!tpu.dma_semaphore, #tpu.memory_space<semaphore_mem>>) src(%arg9 : memref<128x128xf32, #tpu.memory_space<vmem>>) dst(%dma_wait3A_1627 : memref<128x128xf32, #tpu.memory_space<hbm>>)
      %add3A_1628 = arith.constant 128 : i32
      %add3A_1629 = arith.addi %add3A_1534, %add3A_1628 : i32
      %dma_wait3A_1630 = tpu.memref_reshape %arg4 : memref<4x8192x128xf32, #tpu.memory_space<hbm>> -> memref<32768x128xf32, #tpu.memory_space<hbm>>
      %dma_wait3A_1631 = arith.constant 0 : i32
      %dma_wait3A_1632 = tpu.memref_slice %dma_wait3A_1630[%add3A_1629, %dma_wait3A_1631] : memref<32768x128xf32, #tpu.memory_space<hbm>> -> memref<128x128xf32, #tpu.memory_space<hbm>>
      %dma_wait3A_1633 = tpu.memref_reshape %arg4 : memref<4x8192x128xf32, #tpu.memory_space<hbm>> -> memref<32768x128xf32, #tpu.memory_space<hbm>>
      %dma_wait3A_1634 = arith.constant 0 : i32
      %dma_wait3A_1635 = tpu.memref_slice %dma_wait3A_1633[%add3A_1629, %dma_wait3A_1634] : memref<32768x128xf32, #tpu.memory_space<hbm>> -> memref<128x128xf32, #tpu.memory_space<hbm>>
      tpu.wait_dma2 semaphore(%arg12 : memref<!tpu.dma_semaphore, #tpu.memory_space<semaphore_mem>>) src(%arg9 : memref<128x128xf32, #tpu.memory_space<vmem>>) dst(%dma_wait3A_1635 : memref<128x128xf32, #tpu.memory_space<hbm>>)
    } else {
    }
    %add3A_1538 = arith.constant 2 : i32
    %add3A_1539 = arith.addi %select_n3A_235, %add3A_1538 : i32
    %ge3A_1540 = arith.cmpi sge, %add3A_1539, %sub3A_138 : i32
    %convert_element_type3A_1541 = arith.extui %ge3A_1540 : i1 to i32
    %ge3A_1542 = arith.cmpi sge, %add3A_1539, %sub3A_141 : i32
    %convert_element_type3A_1543 = arith.extui %ge3A_1542 : i1 to i32
    %add3A_1544 = arith.addi %convert_element_type3A_1541, %convert_element_type3A_1543 : i32
    %ge3A_1545 = arith.cmpi sge, %add3A_1539, %sub3A_144 : i32
    %convert_element_type3A_1546 = arith.extui %ge3A_1545 : i1 to i32
    %add3A_1547 = arith.addi %add3A_1544, %convert_element_type3A_1546 : i32
    %eq3A_1548 = arith.constant 0 : i32
    %eq3A_1549 = arith.cmpi eq, %add3A_1547, %eq3A_1548 : i32
    %eq3A_1550 = arith.constant 1 : i32
    %eq3A_1551 = arith.cmpi eq, %add3A_1547, %eq3A_1550 : i32
    %eq3A_1552 = arith.constant 2 : i32
    %eq3A_1553 = arith.cmpi eq, %add3A_1547, %eq3A_1552 : i32
    %select_n3A_1554 = arith.select %eq3A_1553, %select_n3A_102, %select_n3A_130 : i32
    %select_n3A_1555 = arith.select %eq3A_1551, %select_n3A_74, %select_n3A_1554 : i32
    %select_n3A_1556 = arith.select %eq3A_1549, %select_n3A, %select_n3A_1555 : i32
    %mul3A_1557 = arith.constant 256 : i32
    %mul3A_1558 = arith.muli %select_n3A_1556, %mul3A_1557 : i32
    %eq3A_1559 = arith.constant 0 : i32
    %eq3A_1560 = arith.cmpi eq, %add3A_1547, %eq3A_1559 : i32
    %eq3A_1561 = arith.constant 1 : i32
    %eq3A_1562 = arith.cmpi eq, %add3A_1547, %eq3A_1561 : i32
    %eq3A_1563 = arith.constant 2 : i32
    %eq3A_1564 = arith.cmpi eq, %add3A_1547, %eq3A_1563 : i32
    %select_n3A_1565 = arith.select %eq3A_1564, %sub3A_141, %sub3A_144 : i32
    %select_n3A_1566 = arith.select %eq3A_1562, %sub3A_138, %select_n3A_1565 : i32
    %jit3A_1567 = arith.constant 0 : i32
    %select_n3A_1568 = arith.select %eq3A_1560, %jit3A_1567, %select_n3A_1566 : i32
    %sub3A_1569 = arith.subi %add3A_1539, %select_n3A_1568 : i32
    %mul3A_1570 = arith.constant 256 : i32
    %mul3A_1571 = arith.muli %sub3A_1569, %mul3A_1570 : i32
    %add3A_1572 = arith.addi %mul3A_1558, %mul3A_1571 : i32
    %lt3A_1573 = arith.cmpi slt, %add3A_1539, %select_n3A_266 : i32
    %mul3A_1574 = arith.constant 8192 : i32
    %mul3A_1575 = arith.muli %add3A_1547, %mul3A_1574 : i32
    %add3A_1576 = arith.addi %mul3A_1575, %add3A_1572 : i32
    %convert_element_type3A_1577 = arith.extui %lt3A_1573 : i1 to i32
    %cond3A_1578 = arith.constant 0 : i32
    %cond3A_1579 = arith.cmpi ne, %convert_element_type3A_1577, %cond3A_1578 : i32
    scf.if %cond3A_1579 {
      %dma_wait3A_1622 = tpu.memref_reshape %arg4 : memref<4x8192x128xf32, #tpu.memory_space<hbm>> -> memref<32768x128xf32, #tpu.memory_space<hbm>>
      %dma_wait3A_1623 = arith.constant 0 : i32
      %dma_wait3A_1624 = tpu.memref_slice %dma_wait3A_1622[%add3A_1576, %dma_wait3A_1623] : memref<32768x128xf32, #tpu.memory_space<hbm>> -> memref<128x128xf32, #tpu.memory_space<hbm>>
      %dma_wait3A_1625 = tpu.memref_reshape %arg4 : memref<4x8192x128xf32, #tpu.memory_space<hbm>> -> memref<32768x128xf32, #tpu.memory_space<hbm>>
      %dma_wait3A_1626 = arith.constant 0 : i32
      %dma_wait3A_1627 = tpu.memref_slice %dma_wait3A_1625[%add3A_1576, %dma_wait3A_1626] : memref<32768x128xf32, #tpu.memory_space<hbm>> -> memref<128x128xf32, #tpu.memory_space<hbm>>
      tpu.wait_dma2 semaphore(%arg12 : memref<!tpu.dma_semaphore, #tpu.memory_space<semaphore_mem>>) src(%arg9 : memref<128x128xf32, #tpu.memory_space<vmem>>) dst(%dma_wait3A_1627 : memref<128x128xf32, #tpu.memory_space<hbm>>)
      %add3A_1628 = arith.constant 128 : i32
      %add3A_1629 = arith.addi %add3A_1576, %add3A_1628 : i32
      %dma_wait3A_1630 = tpu.memref_reshape %arg4 : memref<4x8192x128xf32, #tpu.memory_space<hbm>> -> memref<32768x128xf32, #tpu.memory_space<hbm>>
      %dma_wait3A_1631 = arith.constant 0 : i32
      %dma_wait3A_1632 = tpu.memref_slice %dma_wait3A_1630[%add3A_1629, %dma_wait3A_1631] : memref<32768x128xf32, #tpu.memory_space<hbm>> -> memref<128x128xf32, #tpu.memory_space<hbm>>
      %dma_wait3A_1633 = tpu.memref_reshape %arg4 : memref<4x8192x128xf32, #tpu.memory_space<hbm>> -> memref<32768x128xf32, #tpu.memory_space<hbm>>
      %dma_wait3A_1634 = arith.constant 0 : i32
      %dma_wait3A_1635 = tpu.memref_slice %dma_wait3A_1633[%add3A_1629, %dma_wait3A_1634] : memref<32768x128xf32, #tpu.memory_space<hbm>> -> memref<128x128xf32, #tpu.memory_space<hbm>>
      tpu.wait_dma2 semaphore(%arg12 : memref<!tpu.dma_semaphore, #tpu.memory_space<semaphore_mem>>) src(%arg9 : memref<128x128xf32, #tpu.memory_space<vmem>>) dst(%dma_wait3A_1635 : memref<128x128xf32, #tpu.memory_space<hbm>>)
    } else {
    }
    %add3A_1580 = arith.constant 3 : i32
    %add3A_1581 = arith.addi %select_n3A_235, %add3A_1580 : i32
    %ge3A_1582 = arith.cmpi sge, %add3A_1581, %sub3A_138 : i32
    %convert_element_type3A_1583 = arith.extui %ge3A_1582 : i1 to i32
    %ge3A_1584 = arith.cmpi sge, %add3A_1581, %sub3A_141 : i32
    %convert_element_type3A_1585 = arith.extui %ge3A_1584 : i1 to i32
    %add3A_1586 = arith.addi %convert_element_type3A_1583, %convert_element_type3A_1585 : i32
    %ge3A_1587 = arith.cmpi sge, %add3A_1581, %sub3A_144 : i32
    %convert_element_type3A_1588 = arith.extui %ge3A_1587 : i1 to i32
    %add3A_1589 = arith.addi %add3A_1586, %convert_element_type3A_1588 : i32
    %eq3A_1590 = arith.constant 0 : i32
    %eq3A_1591 = arith.cmpi eq, %add3A_1589, %eq3A_1590 : i32
    %eq3A_1592 = arith.constant 1 : i32
    %eq3A_1593 = arith.cmpi eq, %add3A_1589, %eq3A_1592 : i32
    %eq3A_1594 = arith.constant 2 : i32
    %eq3A_1595 = arith.cmpi eq, %add3A_1589, %eq3A_1594 : i32
    %select_n3A_1596 = arith.select %eq3A_1595, %select_n3A_102, %select_n3A_130 : i32
    %select_n3A_1597 = arith.select %eq3A_1593, %select_n3A_74, %select_n3A_1596 : i32
    %select_n3A_1598 = arith.select %eq3A_1591, %select_n3A, %select_n3A_1597 : i32
    %mul3A_1599 = arith.constant 256 : i32
    %mul3A_1600 = arith.muli %select_n3A_1598, %mul3A_1599 : i32
    %eq3A_1601 = arith.constant 0 : i32
    %eq3A_1602 = arith.cmpi eq, %add3A_1589, %eq3A_1601 : i32
    %eq3A_1603 = arith.constant 1 : i32
    %eq3A_1604 = arith.cmpi eq, %add3A_1589, %eq3A_1603 : i32
    %eq3A_1605 = arith.constant 2 : i32
    %eq3A_1606 = arith.cmpi eq, %add3A_1589, %eq3A_1605 : i32
    %select_n3A_1607 = arith.select %eq3A_1606, %sub3A_141, %sub3A_144 : i32
    %select_n3A_1608 = arith.select %eq3A_1604, %sub3A_138, %select_n3A_1607 : i32
    %jit3A_1609 = arith.constant 0 : i32
    %select_n3A_1610 = arith.select %eq3A_1602, %jit3A_1609, %select_n3A_1608 : i32
    %sub3A_1611 = arith.subi %add3A_1581, %select_n3A_1610 : i32
    %mul3A_1612 = arith.constant 256 : i32
    %mul3A_1613 = arith.muli %sub3A_1611, %mul3A_1612 : i32
    %add3A_1614 = arith.addi %mul3A_1600, %mul3A_1613 : i32
    %lt3A_1615 = arith.cmpi slt, %add3A_1581, %select_n3A_266 : i32
    %mul3A_1616 = arith.constant 8192 : i32
    %mul3A_1617 = arith.muli %add3A_1589, %mul3A_1616 : i32
    %add3A_1618 = arith.addi %mul3A_1617, %add3A_1614 : i32
    %convert_element_type3A_1619 = arith.extui %lt3A_1615 : i1 to i32
    %cond3A_1620 = arith.constant 0 : i32
    %cond3A_1621 = arith.cmpi ne, %convert_element_type3A_1619, %cond3A_1620 : i32
    scf.if %cond3A_1621 {
      %dma_wait3A_1622 = tpu.memref_reshape %arg4 : memref<4x8192x128xf32, #tpu.memory_space<hbm>> -> memref<32768x128xf32, #tpu.memory_space<hbm>>
      %dma_wait3A_1623 = arith.constant 0 : i32
      %dma_wait3A_1624 = tpu.memref_slice %dma_wait3A_1622[%add3A_1618, %dma_wait3A_1623] : memref<32768x128xf32, #tpu.memory_space<hbm>> -> memref<128x128xf32, #tpu.memory_space<hbm>>
      %dma_wait3A_1625 = tpu.memref_reshape %arg4 : memref<4x8192x128xf32, #tpu.memory_space<hbm>> -> memref<32768x128xf32, #tpu.memory_space<hbm>>
      %dma_wait3A_1626 = arith.constant 0 : i32
      %dma_wait3A_1627 = tpu.memref_slice %dma_wait3A_1625[%add3A_1618, %dma_wait3A_1626] : memref<32768x128xf32, #tpu.memory_space<hbm>> -> memref<128x128xf32, #tpu.memory_space<hbm>>
      tpu.wait_dma2 semaphore(%arg12 : memref<!tpu.dma_semaphore, #tpu.memory_space<semaphore_mem>>) src(%arg9 : memref<128x128xf32, #tpu.memory_space<vmem>>) dst(%dma_wait3A_1627 : memref<128x128xf32, #tpu.memory_space<hbm>>)
      %add3A_1628 = arith.constant 128 : i32
      %add3A_1629 = arith.addi %add3A_1618, %add3A_1628 : i32
      %dma_wait3A_1630 = tpu.memref_reshape %arg4 : memref<4x8192x128xf32, #tpu.memory_space<hbm>> -> memref<32768x128xf32, #tpu.memory_space<hbm>>
      %dma_wait3A_1631 = arith.constant 0 : i32
      %dma_wait3A_1632 = tpu.memref_slice %dma_wait3A_1630[%add3A_1629, %dma_wait3A_1631] : memref<32768x128xf32, #tpu.memory_space<hbm>> -> memref<128x128xf32, #tpu.memory_space<hbm>>
      %dma_wait3A_1633 = tpu.memref_reshape %arg4 : memref<4x8192x128xf32, #tpu.memory_space<hbm>> -> memref<32768x128xf32, #tpu.memory_space<hbm>>
      %dma_wait3A_1634 = arith.constant 0 : i32
      %dma_wait3A_1635 = tpu.memref_slice %dma_wait3A_1633[%add3A_1629, %dma_wait3A_1634] : memref<32768x128xf32, #tpu.memory_space<hbm>> -> memref<128x128xf32, #tpu.memory_space<hbm>>
      tpu.wait_dma2 semaphore(%arg12 : memref<!tpu.dma_semaphore, #tpu.memory_space<semaphore_mem>>) src(%arg9 : memref<128x128xf32, #tpu.memory_space<vmem>>) dst(%dma_wait3A_1635 : memref<128x128xf32, #tpu.memory_space<hbm>>)
    } else {
    }
    return
  }
}

</mosaic_0001>

<sc_bundles>
// kernel: _run.3.cloned.1.call-start
scs
__scs_entry_jumppad:
0x0: {  	(pc) =	sbr.rel $0x88, $3  }
0x1: {  	(tag) =	ssettag $0x0;
	lr =	simm.s32 $0x1  }
0x2: {  	[smem:$0x3F9F] =	sst lr;
	_ =	strace $0xD0000000  }
0x3: {  	_ = 	snop  }
0x4: {  	_ = 	snop  }
0x5: {  	_ = 	snop  }
0x6: {  	_ = 	snop  }
0x7: {  	_ = 	snop  }
__scs_overlays_trampoline_lowered:
0x8: {  	[smem:$0x3FAE] =	sst s0  }
0x9: {  	[smem:$0x3FAF] =	sst s1  }
0xa: {  	[smem:$0x3FB0] =	sst s2  }
0xb: {  	[smem:$0x3FB1] =	sst s3  }
0xc: {  	[smem:$0x3FB2] =	sst s4  }
0xd: {  	[smem:$0x3FB3] =	sst s5  }
0xe: {  	[smem:$0x3FB4] =	sst s6  }
0xf: {  	[smem:$0x3FB5] =	sst s7  }
0x10: {  	[smem:$0x3FB6] =	sst s8  }
0x11: {  	[smem:$0x3FB7] =	sst s9;
	s0 =	simm.s32 @!p0 $0x0  }
0x12: {  	s1 =	sld [smem:$0x3F9D];
	s0 =	simm.s32 @p0 $0x1  }
0x13: {  	[smem:$0x3FB8] =	sst s0;
	s0 =	simm.s32 @!p1 $0x0  }
0x14: {  	s2 =	sld [smem:$0x3F9C];
	s0 =	simm.s32 @p1 $0x1  }
0x15: {  	[smem:$0x3FB9] =	sst s0;
	s0 =	simm.s32 @!p2 $0x0  }
0x16: {  	s3 =	sld [smem:$0x3FDB];
	s0 =	simm.s32 @p2 $0x1  }
0x17: {  	s4 =	simm.s32 $0x1BF5;
	[smem:$0x3FBB] =	sst s0  }
0x18: {  	s0 =	sld [smem:$0x3F9E];
	_ =	swait.ge [sflag:s4], $0x0  }
0x19: {  	s7 =	sld [smem:$0x3F9F]  }
0x1a: {  	s8 =	sadd.s32 $0xFFFFE003, lr  }
0x1b: {  	s9 =	sadd.s32 $0xFFFFFEF7, lr;
	s5 =	simm.s32 $0xFFFFFFFF;
	p2 =	slt.u32 s8, $0xFFFFF086  }
0x1c: {  	p1 =	slt.u32 s9, $0xF7A;
	s5 =	simm.s32 @!p2 $0x0  }
0x1d: {  	s5 =	simm.s32 @p1 $0x1;
	p0 =	seq.s32 s7, s2  }
0x1e: {  	s7 =	smul.u32 @!p0 $0xF7A, s2;
	p2 =	seq.s32 @!p0 s5, $0x0  }
0x1f: {  	s9 =	smul.u32 $0xF7A, s1;
	s8 =	simm.s32 @!p0 $0x1BF5;
	p2 =	por !p2, p0  }
0x20: {  	[sflag:s8] =	ssyncset.s32 @!p0 $0xFFFFF086;
	s6 =	sadd.s32 @!p0 s3, s7;
	s7 =	simm.s32 @!p0 $0x108  }
0x21: {  	s3 =	sadd.s32 s3, s9;
	s6 =	sadd.s32 @!p0 $0x88, s6;
	s7 =	simm.s32 @p2 $0x1082  }
0x22: {  	[simem:s7], [sflag:s8] =	dma.local @!p0 [hbm:s6], $0xF7A  }
0x23: {  	s9 =	sor.u32 $0xD0000000, s2;
	s6 =	simm.s32 $0x108;
	_ =	swait.ge @!p0 [sflag:s8], $0x0  }
0x24: {  	s3 =	sadd.s32 $0x88, s3;
	s6 =	simm.s32 @!p1 $0x1082;
	[sflag:s4] =	ssyncset.s32 $0xFFFFF086  }
0x25: {  	[simem:s6], [sflag:s4] =	dma.local [hbm:s3], $0xF7A  }
0x26: {  	[smem:$0x3F9F] =	sst s1;
	(tag) =	ssettag s2;
	_ =	strace s9  }
0x27: {  	s1 =	sld [smem:$0x3FAF]  }
0x28: {  	s2 =	sld [smem:$0x3FB0]  }
0x29: {  	s4 =	sld [smem:$0x3FB2]  }
0x2a: {  	p0 =	seq.s32 s5, $0x0;
	s5 =	sld [smem:$0x3FB3]  }
0x2b: {  	s6 =	sld [smem:$0x3FB4]  }
0x2c: {  	s7 =	sld [smem:$0x3FB5]  }
0x2d: {  	s3 =	simm.s32 $0x108;
	s8 =	sld [smem:$0x3FB6]  }
0x2e: {  	s3 =	simm.s32 @!p0 $0x1082;
	s9 =	sld [smem:$0x3FB7]  }
0x2f: {  	lr =	sadd.s32 s0, s3;
	s0 =	sld [smem:$0x3FAE]  }
0x30: {  	s3 =	sld [smem:$0x3FB1]  }
0x31: {  	[smem:$0x3FBA] =	sst s10  }
0x32: {  	s10 =	sld [smem:$0x3FB8];
	_ =	sdelay $0x3  }
0x33: {  	p0 =	seq.s32 s10, $0x1;
	s10 =	sld [smem:$0x3FBA];
	_ =	sdelay $0x3  }
0x34: {  	[smem:$0x3FBA] =	sst s10  }
0x35: {  	s10 =	sld [smem:$0x3FB9];
	_ =	sdelay $0x3  }
0x36: {  	p1 =	seq.s32 s10, $0x1;
	s10 =	sld [smem:$0x3FBA];
	_ =	sdelay $0x3  }
0x37: {  	[smem:$0x3FBA] =	sst s10  }
0x38: {  	s10 =	sld [smem:$0x3FBB]  }
0x39: {  	_ = 	snop;
	(pc) =	sbr.ind lr, $3  }
0x3a: {  	_ = 	snop  }
0x3b: {  	_ = 	snop  }
0x3c: {  	p2 =	seq.s32 s10, $0x1;
	s10 =	sld [smem:$0x3FBA]  }
0x3d: {  	_ =	shalt  }
0x3e: {  	_ =	shalt  }
0x3f: {  	_ =	shalt  }
0x40: {  	_ =	shalt  }
0x41: {  	_ =	shalt  }
0x42: {  	_ =	shalt  }
0x43: {  	_ =	shalt  }
0x44: {  	_ =	shalt  }
0x45: {  	_ =	shalt  }
0x46: {  	_ =	shalt  }
0x47: {  	_ =	shalt  }
0x48: {  	_ =	shalt  }
0x49: {  	_ =	shalt  }
0x4a: {  	_ =	shalt  }
0x4b: {  	_ =	shalt  }
0x4c: {  	_ =	shalt  }
0x4d: {  	_ =	shalt  }
0x4e: {  	_ =	shalt  }
0x4f: {  	_ =	shalt  }
0x50: {  	_ =	shalt  }
0x51: {  	_ =	shalt  }
0x52: {  	_ =	shalt  }
0x53: {  	_ =	shalt  }
0x54: {  	_ =	shalt  }
0x55: {  	_ =	shalt  }
0x56: {  	_ =	shalt  }
0x57: {  	_ =	shalt  }
0x58: {  	_ =	shalt  }
0x59: {  	_ =	shalt  }
0x5a: {  	_ =	shalt  }
0x5b: {  	_ =	shalt  }
0x5c: {  	_ =	shalt  }
0x5d: {  	_ =	shalt  }
0x5e: {  	_ =	shalt  }
0x5f: {  	_ =	shalt  }
0x60: {  	_ =	shalt  }
0x61: {  	_ =	shalt  }
0x62: {  	_ =	shalt  }
0x63: {  	_ =	shalt  }
0x64: {  	_ =	shalt  }
0x65: {  	_ =	shalt  }
0x66: {  	_ =	shalt  }
0x67: {  	_ =	shalt  }
0x68: {  	_ =	shalt  }
0x69: {  	_ =	shalt  }
0x6a: {  	_ =	shalt  }
0x6b: {  	_ =	shalt  }
0x6c: {  	_ =	shalt  }
0x6d: {  	_ =	shalt  }
0x6e: {  	_ =	shalt  }
0x6f: {  	_ =	shalt  }
0x70: {  	_ =	shalt  }
0x71: {  	_ =	shalt  }
0x72: {  	_ =	shalt  }
0x73: {  	_ =	shalt  }
0x74: {  	_ =	shalt  }
0x75: {  	_ =	shalt  }
0x76: {  	_ =	shalt  }
0x77: {  	_ =	shalt  }
0x78: {  	_ =	shalt  }
0x79: {  	_ =	shalt  }
0x7a: {  	_ =	shalt  }
0x7b: {  	_ =	shalt  }
0x7c: {  	_ =	shalt  }
0x7d: {  	_ =	shalt  }
0x7e: {  	_ =	shalt  }
0x7f: {  	_ =	shalt  }
0x80: {  	_ =	shalt  }
0x81: {  	_ =	shalt  }
0x82: {  	_ =	shalt  }
0x83: {  	_ =	shalt  }
0x84: {  	_ =	shalt  }
0x85: {  	_ =	shalt  }
0x86: {  	_ =	shalt  }
0x87: {  	_ =	shalt  }
.Lfunc_end0:
.L_simem_size_0:
called_computation_lowered:
.L_overlay_start_0:
0x88: {  	s2 =	sld [smem:$0x3FD9]  }
0x89: {  	s3 =	sld [smem:$0x3FFE];
	_ =	sdelay $0x1  }
0x8a: {  	s1 =	srdreg.scid  }
0x8b: {  	s0 =	sand.u32 $0x1, s1  }
0x8c: {  	s18 =	sshll.u32 s0, $0xA;
	s2 =	sadd.s32 s3, s2  }
0x8d: {  	s2 =	sadd.s32 s2, s18  }
0x8e: {  	[smem:$0x3FC6] =	sst s2  }
0x8f: {  	_ = 	snop  }
0x90: {  	s2 =	sld [smem:$0x3FC9]  }
0x91: {  	s19 =	sld [smem:$0x3FC8]  }
0x92: {  	s4 =	sld [smem:$0x3FD0];
	(tm) =	ssettm $0x1  }
0x93: {  	s5 =	sld [smem:$0x3FFB];
	_ =	sdelay $0x3  }
0x94: {  	_ =	strace s5  }
0x95: {  	s5 =	sld [smem:$0x3FFC];
	_ =	sdelay $0x3  }
0x96: {  	_ =	strace s5  }
0x97: {  	s5 =	sld [smem:$0x3FFD];
	_ =	sdelay $0x3  }
0x98: {  	_ =	strace s5  }
0x99: {  	_ =	strace $0x8FFFFFFF  }
0x9a: {  	s20 =	sld [smem:$0x3FDB];
	_ =	sdelay $0x1  }
0x9b: {  	s6 =	simm.s32 $_scs_section_size  }
0x9c: {  	s7 =	simm.s32 $_size__tile_overlayer_lowered;
	s8 =	simm.s32 $_tile_overlayer_lowered  }
0x9d: {  	s23 =	simm.s32 $0x1BFF;
	s22 =	sshll.u32 s8, $0x1;
	s5 =	sadd.s32 s6, s20  }
0x9e: {  	s9 =	simm.s32 $0x0;
	s21 =	sshll.u32 s7, $0x1;
	s7 =	sadd.s32 s22, s5  }
0x9f: {  	[timem:s9], [sflag:s23] =	dma.local [hbm:s7], s21  }
0xa0: {  	_ =	swait.ge [sflag:s23], s21  }
0xa1: {  	s6 =	ssub.s32 $0x0, s21;
	[sflag:s23] =	ssyncset.done $0x0  }
0xa2: {  	[sflag:s23] =	ssyncadd.s32 s6;
	_ =	sdelay $0x1  }
0xa3: {  	s24 =	simm.s32 $0x1B8B  }
0xa4: {  	_ =	swait.ge [sflag:s24], $0x1  }
0xa5: {  	[sflag:s24] =	ssyncset.done $0x0  }
0xa6: {  	s25 =	simm.s32 $0x1B8E;
	[sflag:s24] =	ssyncadd.s32 $0xFFFFFFFF  }
0xa7: {  	s26 =	simm.s32 $execute0_lowered;
	[smem:$0x3FD2] =	sst s25  }
0xa8: {  	s6 =	sshll.u32 s26, $0x1;
	_ =	strace $0x80000046;
	[dreg:$0x1] =	wrdreg $0xFFFFFFFF  }
0xa9: {  	s28 =	simm.s32 $_size_execute0_lowered;
	s5 =	sadd.s32 s5, s6;
	[dreg:$0x0] =	wrdreg $0x0  }
0xaa: {  	s6 =	sshll.u32 s28, $0x1;
	[dreg:$0x2] =	wrdreg s5  }
0xab: {  	[dreg:$0x3] =	wrdreg s6  }
0xac: {  	[dreg:$0x4] =	wrdreg $0xC0  }
0xad: {  	_ =	task [dreg:s9], $0x5FFFF  }
0xae: {  	[dreg:$0x1] =	wrdreg $0xFFFFFFFF  }
0xaf: {  	[dreg:$0x0] =	wrdreg $0x60  }
0xb0: {  	[dreg:$0x2] =	wrdreg s2  }
0xb1: {  	[dreg:$0x3] =	wrdreg s19  }
0xb2: {  	[dreg:$0x4] =	wrdreg s4  }
0xb3: {  	[dreg:$0x5] =	wrdreg $0x9  }
0xb4: {  	_ =	task.clear_ibuf [dreg:s9], $0x6FFFF;
	_ =	strace $0x90000046  }
0xb5: {  	s29 =	simm.s32 $0x9;
	_ =	strace $0x80000048  }
0xb6: {  	_ =	swait.ge [sflag:s29], $0x1  }
0xb7: {  	[sflag:s29] =	ssyncadd.s32 $0xFFFFFFFF  }
0xb8: {  	_ =	strace $0x90000048  }
0xb9: {  	_ =	sfence  }
0xba: {  	s30 =	sld [smem:$0x0];
	_ =	sdelay $0x2  }
0xbb: {  	s31 =	sshll.u32 s1, $0xD;
	s1 =	sshrl.u32 s1, $0x2  }
0xbc: {  	s3 =	sand.u32 $0x4000, s31;
	s1 =	sadd.s32 s1, s30  }
0xbd: {  	s0 =	sor.u32 s3, s0;
	s1 =	sshll.u32 s1, $0x11  }
0xbe: {  	s0 =	sor.u32 s1, s0  }
0xbf: {  	s0 =	sadd.s32 $0x8F2B, s0  }
0xc0: {  	[sflag:s0] =	ssyncadd.remote.s32 $0x1  }
0xc1: {  	_ =	sfence.sel $0xFFFF  }
0xc2: {  	[dreg:$0x0] =	wrdreg $0xFFFFFFFF;
	(pc) =	sbr.abs _section_cstart, $3  }
0xc3: {  	[dreg:$0x1] =	wrdreg $0xFFFFFFFF  }
0xc4: {  	_ =	task.clear_ibuf [dreg:s9], $0x2FFFF;
	_ =	strace $0x9FFFFFFF  }
0xc5: {  	(tm) =	ssettm $0x7FFFFFFF  }
tec
execute0_lowered:
.L_overlay_start_1:
0x0: {  	(tag) =	ssettag $0x1  }
0x1: {  	s15 =	rddreg [dreg:$0x1]  }
0x2: {  	s4 =	rddreg [dreg:$0x2];
	s0 =	srdreg.scid  }
0x3: {  	s9 =	simm.s32 $0x0;
	s2 =	stileid.u32;
	s0 =	sand.u32 $0x1, s0  }
0x4: {  	[smem:$0x7FF] =	sst s9;
	s2 =	sshll.u32 s2, $0x1;
	s31 =	sadd.s32 $0x800, s4  }
0x5: {  	s16 =	sadd.s32 $0x1F000, s15;
	_ =	strace $0x80000047;
	[dreg:$0x9] =	wrdreg s31  }
0x6: {  	s1 =	ssub.s32 $0x2, s0;
	s2 =	sor.u32 s0, s2;
	[dreg:$0x8] =	wrdreg s16  }
.Ltmp0:
0x7: {  	s28 =	sadd.s32 $0x1, s2;
	[dreg:$0x4] =	wrdreg s2;
	(pc) =	sbr.rel .LBB2_1-.Ltmp0, $4  }
0x8: {  	s3 =	sshrl.u32 s1, $0x1;
	s29 =	sxor.u32 $0x1F, s2;
	[dreg:$0x5] =	wrdreg s28  }
0x9: {  	s30 =	ssub.s32 $0x20, s2;
	s26 =	ssub.s32 s1, s3;
	[dreg:$0x6] =	wrdreg s29  }
0xa: {  	[dreg:$0x7] =	wrdreg s30;
	s0 =	smax.u32 s26, $0x1  }
0xb: {  	s3 =	simm.s32 $0x0;
	[dreg:$0xa] =	wrdreg s0  }
.LBB2_25:
0xc: {  	[tilespmem:s0+$0xFFFFFFD0] =	vst v1  }
.LBB2_26:
0xd: {  	s0 =	sshll.u32 s6, $0x14;
	s1 =	sshll.u32 s7, $0xF  }
0xe: {  	s0 =	sadd.s32 s0, s1  }
0xf: {  	s0 =	sshrl.u32 s0, $0x3  }
0x10: {  	s31 =	simm.s32 $0x100;
	s3 =	rddreg [dreg:$0xb];
	s0 =	sadd.s32 s28, s0  }
0x11: {  	[hbm4b:s0+s9] =	stream.linear.scatter [tilespmem:s31], [sflag:$0x7], $0x8000, $0x38;
	[tilespmem:$0x1CC80] =	vst v63  }
.LBB2_27:
0x12: {  	s0 =	sld [smem:$0x7F9];
	_ =	sdelay $0x2  }
0x13: {  	p0 =	seq.s32 s0, $0x1  }
0x14: {  	s0 =	simm.s32 @!p0 $0x8  }
0x15: {  	_ =	swait.ge @!p0 [sflag:s0], $0x8000  }
0x16: {  	s30 =	sld [smem:$0x7FD];
	_ =	sdelay $0x1  }
0x17: {  	[sflag:s0] =	ssyncset.done @!p0 $0x0  }
0x18: {  	[sflag:s0] =	ssyncadd.s32 @!p0 $0xFFFF8000;
	p0 =	seq.s32 s30, $0x1  }
0x19: {  	s0 =	simm.s32 @!p0 $0x9  }
0x1a: {  	_ =	swait.ge @!p0 [sflag:s0], $0x8000  }
0x1b: {  	s31 =	sld [smem:$0x7F1];
	_ =	sdelay $0x1  }
0x1c: {  	[sflag:s0] =	ssyncset.done @!p0 $0x0  }
0x1d: {  	[sflag:s0] =	ssyncadd.s32 @!p0 $0xFFFF8000;
	p0 =	seq.s32 s31, $0x1  }
0x1e: {  	s0 =	simm.s32 @!p0 $0x7  }
0x1f: {  	_ =	swait.ge @!p0 [sflag:s0], $0x8000  }
0x20: {  	[sflag:s0] =	ssyncset.done @!p0 $0x0  }
0x21: {  	[sflag:s0] =	ssyncadd.s32 @!p0 $0xFFFF8000;
	s0 =	simm.s32 @!p2 $0x3  }
0x22: {  	_ =	swait.ge @!p2 [sflag:s0], $0x4000  }
0x23: {  	[sflag:s0] =	ssyncset.done @!p2 $0x0  }
0x24: {  	[sflag:s0] =	ssyncadd.s32 @!p2 $0xFFFFC000  }
0x25: {  	_ =	swait.ge @!p2 [sflag:s0], $0x4000  }
0x26: {  	[sflag:s0] =	ssyncset.done @!p2 $0x0  }
0x27: {  	[sflag:s0] =	ssyncadd.s32 @!p2 $0xFFFFC000;
	s0 =	simm.s32 @!p3 $0x3  }
0x28: {  	_ =	swait.ge @!p3 [sflag:s0], $0x4000  }
0x29: {  	[sflag:s0] =	ssyncset.done @!p3 $0x0  }
0x2a: {  	[sflag:s0] =	ssyncadd.s32 @!p3 $0xFFFFC000  }
0x2b: {  	_ =	swait.ge @!p3 [sflag:s0], $0x4000  }
0x2c: {  	[sflag:s0] =	ssyncset.done @!p3 $0x0  }
0x2d: {  	[sflag:s0] =	ssyncadd.s32 @!p3 $0xFFFFC000;
	s0 =	simm.s32 @!p4 $0x3  }
0x2e: {  	_ =	swait.ge @!p4 [sflag:s0], $0x4000  }
0x2f: {  	[sflag:s0] =	ssyncset.done @!p4 $0x0  }
0x30: {  	[sflag:s0] =	ssyncadd.s32 @!p4 $0xFFFFC000  }
0x31: {  	_ =	swait.ge @!p4 [sflag:s0], $0x4000  }
0x32: {  	[sflag:s0] =	ssyncset.done @!p4 $0x0  }
0x33: {  	[sflag:s0] =	ssyncadd.s32 @!p4 $0xFFFFC000;
	s0 =	simm.s32 @!p5 $0x3  }
0x34: {  	_ =	swait.ge @!p5 [sflag:s0], $0x4000  }
0x35: {  	[sflag:s0] =	ssyncset.done @!p5 $0x0  }
0x36: {  	[sflag:s0] =	ssyncadd.s32 @!p5 $0xFFFFC000  }
0x37: {  	_ =	swait.ge @!p5 [sflag:s0], $0x4000  }
0x38: {  	s3 =	sadd.s32 $0x1, s3;
	s1 =	rddreg [dreg:$0xa]  }
0x39: {  	p0 =	sne.s32 s3, s1  }
.Ltmp1:
0x3a: {  	_ = 	snop;
	(pc) =	sbr.rel @!p0 .LBB2_28-.Ltmp1, $3  }
0x3b: {  	_ =	sdelay $0x1  }
0x3c: {  	[sflag:s0] =	ssyncset.done @!p5 $0x0  }
0x3d: {  	[sflag:s0] =	ssyncadd.s32 @!p5 $0xFFFFC000  }
.LBB2_1:
0x3e: {  	s0 =	rddreg [dreg:$0x0]  }
0x3f: {  	[tilespmem:s9], [sflag:$0x1] =	stream.linear.gather [hbm4b:s0+s9], $0x4, $0x38;
	[tilespmem:$0x1CC80] =	vst v63  }
0x40: {  	[dreg:$0xb] =	wrdreg s3;
	s13 =	simm.s32 $0x18C80;
	s14 =	simm.s32 $0x1  }
0x41: {  	[tilespmem:s13], [sflag:$0x2] =	stream.linear.gather [hbm4b:s15+s9], $0x400, $0x38;
	[tilespmem:$0x1CC80] =	vst v63  }
0x42: {  	_ =	swait.ge [sflag:s14], $0x4  }
0x43: {  	[sflag:s14] =	ssyncset.done $0x0  }
0x44: {  	[sflag:s14] =	ssyncadd.s32 $0xFFFFFFFC  }
0x45: {  	v0 =	vld [tilespmem:$0x0];
	_ =	sdelay $0x4  }
0x46: {  	(v2sf) =	vpush v0, $0x0  }
0x47: {  	(v2sf) =	vpush v0, $0x1  }
0x48: {  	(v2sf) =	vpush v0, $0x2;
	_ =	sdelay $0x1  }
0x49: {  	(v2sf) =	vpush v0, $0x3;
	_ =	sdelay $0xa  }
0x4a: {  	s17 =	spop (v2sf)  }
0x4b: {  	s18 =	spop (v2sf)  }
0x4c: {  	s0 =	sadd.s32 $0xFF, s17;
	s5 =	spop (v2sf)  }
0x4d: {  	s1 =	sshra.s32 s0, $0x1F;
	s2 =	sand.u32 $0xFF, s0;
	p0 =	slt.s32 s0, $0x1  }
0x4e: {  	[dreg:$0xd] =	wrdreg s18;
	s20 =	sadd.s32 $0xFF, s18;
	s21 =	spop (v2sf)  }
0x4f: {  	s1 =	sshrl.u32 s1, $0x18;
	p1 =	sne.s32 s2, $0x0;
	s2 =	simm.s32 $0x1  }
0x50: {  	s3 =	sshra.s32 s20, $0x1F;
	s4 =	sand.u32 $0xFF, s20;
	p3 =	slt.s32 s20, $0x1  }
0x51: {  	[dreg:$0xe] =	wrdreg s5;
	s23 =	sadd.s32 $0xFF, s5;
	s1 =	sadd.s32 s1, s0  }
0x52: {  	p0 =	por !p0, !p1;
	s3 =	sshrl.u32 s3, $0x18;
	p4 =	sne.s32 s4, $0x0  }
0x53: {  	s24 =	sshra.s32 s23, $0x1F;
	s25 =	sand.u32 $0xFF, s23;
	p5 =	slt.s32 s23, $0x1  }
0x54: {  	s28 =	sadd.s32 $0xFF, s21;
	s19 =	sshra.s32 s1, $0x8;
	p0 =	por !p0, !p0  }
0x55: {  	s3 =	sadd.s32 s3, s20;
	s1 =	simm.s32 $0x1;
	p6 =	sne.s32 s25, $0x0  }
0x56: {  	s5 =	sand.u32 $0xFF, s28;
	s6 =	sshra.s32 s28, $0x1F;
	p1 =	slt.s32 s28, $0x1  }
0x57: {  	s2 =	simm.s32 @!p0 $0x0;
	s22 =	sshra.s32 s3, $0x8;
	p0 =	por !p3, !p4  }
0x58: {  	s3 =	sshrl.u32 s24, $0x18;
	p2 =	sne.s32 s5, $0x0;
	p0 =	por !p0, !p0  }
0x59: {  	s26 =	sadd.s32 s3, s23;
	s1 =	simm.s32 @!p0 $0x0;
	p0 =	por !p5, !p6  }
0x5a: {  	s8 =	ssub.s32 s22, s1;
	p0 =	por !p0, !p0;
	s1 =	simm.s32 $0x1  }
0x5b: {  	s7 =	sshrl.u32 s6, $0x18;
	s0 =	sshra.s32 s26, $0x8;
	s1 =	simm.s32 @!p0 $0x0  }
0x5c: {  	s30 =	ssub.s32 s19, s2;
	p0 =	por !p1, !p2;
	s9 =	ssub.s32 s0, s1  }
0x5d: {  	s0 =	sadd.s32 s7, s28;
	p0 =	por !p0, !p0;
	s1 =	simm.s32 $0x1  }
0x5e: {  	s18 =	sadd.s32 s8, s30;
	s0 =	sshra.s32 s0, $0x8;
	s1 =	simm.s32 @!p0 $0x0  }
0x5f: {  	s25 =	sadd.s32 s9, s18;
	s14 =	ssub.s32 s0, s1  }
0x60: {  	s10 =	rddreg [dreg:$0x4];
	s2 =	sadd.s32 s14, s25  }
0x61: {  	s0 =	smul.u32 s10, s2;
	_ =	sdelay $0x1  }
0x62: {  	[dreg:$0xc] =	wrdreg s17;
	s11 =	sadd.s32 $0x1F, s0  }
0x63: {  	s19 =	rddreg [dreg:$0x5];
	s12 =	sand.u32 $0x1F, s11  }
0x64: {  	p3 =	slt.s32 s0, $0xFFFFFFE2;
	s13 =	sshra.s32 s11, $0x1F;
	p4 =	sne.s32 s12, $0x0  }
0x65: {  	s1 =	simm.s32 $0x1;
	s17 =	sshrl.u32 s13, $0x1B;
	p0 =	por !p3, !p4  }
0x66: {  	s3 =	smul.u32 s19, s2;
	s0 =	sadd.s32 s17, s11;
	p0 =	por !p0, !p0  }
0x67: {  	s5 =	simm.s32 $0x1;
	s0 =	sshra.s32 s0, $0x5;
	s1 =	simm.s32 @!p0 $0x0  }
0x68: {  	s6 =	simm.s32 $0x1;
	s20 =	sadd.s32 $0x1F, s3;
	s26 =	ssub.s32 s0, s1  }
0x69: {  	p5 =	slt.s32 s3, $0xFFFFFFE2;
	s1 =	simm.s32 $0x1;
	p0 =	sge.s32 s26, s30  }
0x6a: {  	s22 =	sshra.s32 s20, $0x1F;
	s1 =	simm.s32 @!p0 $0x0;
	p0 =	sge.s32 s26, s18  }
0x6b: {  	s7 =	sand.u32 $0x1F, s20;
	s5 =	simm.s32 @!p0 $0x0;
	p0 =	sge.s32 s26, s25  }
0x6c: {  	p6 =	sne.s32 s7, $0x0;
	s1 =	sadd.s32 s5, s1;
	s6 =	simm.s32 @!p0 $0x0  }
0x6d: {  	s12 =	smov.u32 s25;
	s0 =	sshrl.u32 s22, $0x1B;
	s17 =	sadd.s32 s6, s1  }
0x6e: {  	s0 =	sadd.s32 s0, s20;
	p0 =	por !p5, !p6;
	p1 =	seq.s32 s17, $0x2  }
0x6f: {  	p0 =	por !p0, !p0;
	p2 =	seq.s32 s17, $0x1;
	s1 =	simm.s32 @!p1 $0x0  }
0x70: {  	s12 =	smov.u32 @p1 s18;
	s1 =	simm.s32 @p1 $0x1;
	p1 =	seq.s32 s17, $0x0  }
0x71: {  	s12 =	smov.u32 @p2 s30;
	[smem:$0x7F2] =	sst s1;
	s1 =	simm.s32 $0x1  }
0x72: {  	s0 =	sshra.s32 s0, $0x5;
	s12 =	simm.s32 @p1 $0x0;
	s1 =	simm.s32 @!p0 $0x0  }
0x73: {  	s3 =	simm.s32 @!p2 $0x0;
	s7 =	ssub.s32 s26, s12;
	s13 =	ssub.s32 s0, s1  }
0x74: {  	s3 =	simm.s32 @p2 $0x1;
	s6 =	sshll.u32 s7, $0x8;
	p2 =	sge.s32 s26, s13  }
0x75: {  	[smem:$0x7F3] =	sst s3;
	s3 =	simm.s32 @!p1 $0x0;
	p0 =	sne.s32 @!p2 s6, $0x1F00  }
0x76: {  	s3 =	simm.s32 @p1 $0x1;
	p1 =	por !p0, p2  }
0x77: {  	s0 =	sshll.u32 @!p1 s7, $0xC  }
0x78: {  	[smem:$0x7F4] =	sst s3;
	s0 =	sand.u32 @!p1 $0x1FFFF000, s0  }
0x79: {  	s1 =	simm.s32 @!p1 $0x0;
	s3 =	simm.s32 @!p1 $0x80;
	s0 =	sadd.s32 @!p1 s15, s0  }
0x7a: {  	[tilespmem:s3], [sflag:$0x4] =	stream.linear.gather @!p1 [hbm4b:s0+s1], $0x8400, $0x38;
	[tilespmem:$0x1CC80] =	vst v63  }
0x7b: {  	s0 =	simm.s32 @!p2 $0x0  }
0x7c: {  	s23 =	sadd.s32 $0x1, s26;
	p0 =	por p0, p2;
	s0 =	simm.s32 @p2 $0x1  }
0x7d: {  	s1 =	simm.s32 @!p0 $0x80;
	[smem:$0x7F5] =	sst s0;
	s0 =	simm.s32 @!p0 $0x0  }
0x7e: {  	[tilespmem:s1], [sflag:$0x4] =	stream.linear.gather @!p0 [hbm4b:s16+s0], $0x8000, $0x38;
	[tilespmem:$0x1CC80] =	vst v63  }
0x7f: {  	p0 =	sge.s32 s23, s30;
	s0 =	simm.s32 $0x1  }
0x80: {  	s1 =	simm.s32 $0x1;
	s0 =	simm.s32 @!p0 $0x0;
	p0 =	sge.s32 s23, s18  }
0x81: {  	s3 =	simm.s32 $0x1;
	s1 =	simm.s32 @!p0 $0x0;
	p0 =	sge.s32 s23, s25  }
0x82: {  	s0 =	sadd.s32 s1, s0;
	s3 =	simm.s32 @!p0 $0x0  }
0x83: {  	s0 =	sadd.s32 s3, s0  }
0x84: {  	p0 =	seq.s32 s0, $0x2  }
0x85: {  	s3 =	simm.s32 @!p0 $0x0  }
0x86: {  	p1 =	seq.s32 s0, $0x1;
	s3 =	simm.s32 @p0 $0x1  }
0x87: {  	s1 =	smov.u32 s25;
	[smem:$0x7F6] =	sst s3;
	s3 =	simm.s32 @!p1 $0x0  }
0x88: {  	s1 =	smov.u32 @p0 s18;
	p0 =	seq.s32 s0, $0x0;
	s3 =	simm.s32 @p1 $0x1  }
0x89: {  	s1 =	smov.u32 @p1 s30;
	[smem:$0x7F7] =	sst s3;
	s3 =	simm.s32 @!p0 $0x0  }
0x8a: {  	s1 =	simm.s32 @p0 $0x0;
	s3 =	simm.s32 @p0 $0x1  }
0x8b: {  	[smem:$0x7F8] =	sst s3;
	s3 =	ssub.s32 s23, s1  }
0x8c: {  	p2 =	sge.s32 s23, s13;
	s5 =	sshll.u32 s3, $0x8  }
0x8d: {  	p0 =	sne.s32 @!p2 s5, $0x1F00  }
0x8e: {  	p1 =	por !p0, p2  }
0x8f: {  	s4 =	sshll.u32 @!p1 s3, $0xC  }
0x90: {  	[dreg:$0x13] =	wrdreg s5;
	p0 =	por p0, p2;
	s4 =	sand.u32 @!p1 $0x1FFFF000, s4  }
0x91: {  	s5 =	simm.s32 @!p1 $0x0;
	s10 =	simm.s32 @!p1 $0x8480;
	s4 =	sadd.s32 @!p1 s15, s4  }
0x92: {  	[tilespmem:s10], [sflag:$0x5] =	stream.linear.gather @!p1 [hbm4b:s4+s5], $0x8400, $0x38;
	[tilespmem:$0x1CC80] =	vst v63  }
0x93: {  	s24 =	sadd.s32 $0x2, s26;
	s4 =	simm.s32 @!p0 $0x0;
	s5 =	simm.s32 @!p0 $0x8480  }
0x94: {  	[tilespmem:s5], [sflag:$0x5] =	stream.linear.gather @!p0 [hbm4b:s16+s4], $0x8000, $0x38;
	[tilespmem:$0x1CC80] =	vst v63  }
0x95: {  	s5 =	simm.s32 $0x1;
	p0 =	sge.s32 s24, s30  }
0x96: {  	s10 =	simm.s32 $0x1;
	s5 =	simm.s32 @!p0 $0x0;
	p0 =	sge.s32 s24, s18  }
0x97: {  	s11 =	simm.s32 $0x1;
	s10 =	simm.s32 @!p0 $0x0;
	p0 =	sge.s32 s24, s25  }
0x98: {  	s11 =	simm.s32 @!p0 $0x0;
	s5 =	sadd.s32 s10, s5  }
0x99: {  	s28 =	sadd.s32 s11, s5  }
0x9a: {  	s31 =	smov.u32 s25;
	p0 =	seq.s32 s28, $0x2  }
0x9b: {  	[dreg:$0x11] =	wrdreg s3;
	s3 =	simm.s32 @!p2 $0x0;
	s5 =	simm.s32 @!p0 $0x0  }
0x9c: {  	s31 =	smov.u32 @p0 s18;
	s5 =	simm.s32 @p0 $0x1;
	p0 =	seq.s32 s28, $0x1  }
0x9d: {  	s3 =	simm.s32 @p2 $0x1;
	[smem:$0x7FA] =	sst s5;
	s5 =	simm.s32 @!p0 $0x0  }
0x9e: {  	s31 =	smov.u32 @p0 s30;
	s5 =	simm.s32 @p0 $0x1;
	p0 =	seq.s32 s28, $0x0  }
0x9f: {  	[smem:$0x7F9] =	sst s3;
	s3 =	simm.s32 @!p0 $0x0  }
0xa0: {  	s31 =	simm.s32 @p0 $0x0;
	s3 =	simm.s32 @p0 $0x1  }
0xa1: {  	[smem:$0x7FC] =	sst s3;
	s3 =	ssub.s32 s24, s31  }
0xa2: {  	p1 =	sge.s32 s24, s13;
	[smem:$0x7FB] =	sst s5;
	s5 =	sshll.u32 s3, $0x8  }
0xa3: {  	s20 =	rddreg [dreg:$0x7];
	p0 =	sne.s32 @!p1 s5, $0x1F00  }
0xa4: {  	s29 =	simm.s32 $0x200;
	[dreg:$0xf] =	wrdreg s28;
	p2 =	por !p0, p1  }
0xa5: {  	s2 =	ssub.s32 $0x80, s2;
	[dreg:$0x10] =	wrdreg s3;
	s4 =	sshll.u32 @!p2 s3, $0xC  }
0xa6: {  	[dreg:$0x12] =	wrdreg s5;
	s5 =	simm.s32 @!p2 $0x0;
	s4 =	sand.u32 @!p2 $0x1FFFF000, s4  }
0xa7: {  	s10 =	simm.s32 @!p2 $0x10880;
	s3 =	simm.s32 @!p1 $0x0;
	s4 =	sadd.s32 @!p2 s15, s4  }
0xa8: {  	[tilespmem:s10], [sflag:$0x6] =	stream.linear.gather @!p2 [hbm4b:s4+s5], $0x8400, $0x38;
	[tilespmem:$0x1CC80] =	vst v63  }
0xa9: {  	s22 =	simm.s32 $0x2;
	s3 =	simm.s32 @p1 $0x1;
	s10 =	rddreg [dreg:$0x6]  }
0xaa: {  	p0 =	por p0, p1;
	[smem:$0x7FD] =	sst s3;
	s11 =	smul.u32 s10, s2  }
0xab: {  	s5 =	simm.s32 @!p0 $0x0;
	s10 =	simm.s32 @!p0 $0x10880;
	s2 =	smul.u32 s20, s2  }
0xac: {  	[tilespmem:s10], [sflag:$0x6] =	stream.linear.gather @!p0 [hbm4b:s16+s5], $0x8000, $0x38;
	[tilespmem:$0x1CC80] =	vst v63  }
0xad: {  	s10 =	simm.s32 $0x1;
	s15 =	sadd.s32 $0x1F, s11;
	p2 =	slt.s32 s11, $0xFFFFFFE2  }
0xae: {  	_ =	swait.ge [sflag:s22], $0x400;
	s23 =	sadd.s32 $0x1F, s2;
	p3 =	slt.s32 s2, $0xFFFFFFE2  }
0xaf: {  	s11 =	ssub.s32 $0x40, s18;
	s16 =	sshra.s32 s15, $0x1F;
	[sflag:s22] =	ssyncset.done $0x0  }
0xb0: {  	s5 =	sand.u32 $0x1F, s15;
	s24 =	sand.u32 $0x1F, s23;
	[sflag:s22] =	ssyncadd.s32 $0xFFFFFC00  }
0xb1: {  	s28 =	sshra.s32 s23, $0x1F;
	s19 =	sshrl.u32 s16, $0x1B;
	p5 =	sne.s32 s5, $0x0;
	v0 =	vld [tilespmem:$0x18C80]  }
0xb2: {  	p4 =	sne.s32 s24, $0x0;
	s2 =	sshrl.u32 s28, $0x1B;
	s5 =	simm.s32 $0x1;
	v1 =	vld [tilespmem:$0x18C90]  }
0xb3: {  	s16 =	sadd.s32 $0xFFFE0, s30;
	s22 =	ssub.s32 $0x60, s25;
	s24 =	simm.s32 $0x0;
	v2 =	vld [tilespmem:$0x18CA0]  }
0xb4: {  	s4 =	sadd.s32 s19, s15;
	p0 =	por !p2, !p5;
	s2 =	sadd.s32 s2, s23;
	v7 =	vld [tilespmem:$0x18CF0]  }
0xb5: {  	p6 =	por !p3, !p4;
	v3 =	vld [tilespmem:$0x18CB0];
	s23 =	ssub.s32 $0x20, s30;
	p0 =	por !p0, !p0  }
0xb6: {  	v4 =	vld [tilespmem:$0x18CC0];
	s4 =	sshra.s32 s4, $0x5;
	s10 =	simm.s32 @!p0 $0x0;
	p0 =	por !p6, !p6  }
0xb7: {  	v6 =	vld [tilespmem:$0x18CE0];
	s2 =	sshra.s32 s2, $0x5;
	s4 =	ssub.s32 s4, s10;
	s5 =	simm.s32 @!p0 $0x0  }
0xb8: {  	v5 =	vld [tilespmem:$0x18CD0];
	s10 =	ssub.s32 s2, s5;
	s5 =	sadd.s32 $0xFFFFFFC0, s18;
	s2 =	sadd.s32 $0xFFFFFFA0, s25  }
.LBB2_2:
0xb9: {  	p2 =	sne.s32 s29, $0xFC00;
	[tilespmem:s24+$0x18D70] =	vst v7  }
0xba: {  	[tilespmem:s24+$0x18D00] =	vst v0  }
0xbb: {  	[tilespmem:s24+$0x18D10] =	vst v1  }
.Ltmp2:
0xbc: {  	[tilespmem:s24+$0x18D20] =	vst v2;
	(pc) =	sbr.rel @p2 .LBB2_2-.Ltmp2, $4  }
0xbd: {  	[tilespmem:s24+$0x18D30] =	vst v3  }
0xbe: {  	[tilespmem:s24+$0x18D40] =	vst v4  }
0xbf: {  	[tilespmem:s24+$0x18D50] =	vst v5  }
0xc0: {  	[tilespmem:s24+$0x18D60] =	vst v6;
	s24 =	sshra.s32 s29, $0x2;
	s29 =	sadd.s32 $0x200, s29  }
0xc1: {  	p2 =	sge.s32 s4, s10  }
0xc2: {  	p0 =	sge.s32 @!p2 s4, s23;
	s29 =	simm.s32 @!p2 $0x1  }
0xc3: {  	s3 =	simm.s32 @!p2 $0x1;
	p3 =	sge.s32 @!p2 s4, s11;
	s19 =	simm.s32 @!p2 $0x1  }
0xc4: {  	p4 =	sge.s32 @!p2 s4, s22;
	p0 =	por !p0, p2;
	p3 =	por !p3, p2  }
0xc5: {  	s3 =	simm.s32 @p0 $0x0;
	s19 =	simm.s32 @p3 $0x0;
	p0 =	por !p4, p2  }
0xc6: {  	s3 =	sadd.s32 @!p2 s19, s3;
	s29 =	simm.s32 @p0 $0x0  }
0xc7: {  	s15 =	smov.u32 s16;
	s3 =	sadd.s32 @!p2 s29, s3  }
0xc8: {  	s19 =	smov.u32 s5;
	s29 =	smov.u32 s9;
	p0 =	seq.s32 @!p2 s3, $0x2  }
0xc9: {  	[tilespmem:s24+$0x18D70] =	vst v7;
	p3 =	seq.s32 @!p2 s3, $0x1;
	p4 =	seq.s32 @!p2 s3, $0x0;
	p0 =	por !p0, p2  }
0xca: {  	[tilespmem:s24+$0x18D00] =	vst v0;
	p3 =	por !p3, p2;
	s19 =	smov.u32 @p0 s2;
	s29 =	smov.u32 @p0 s14  }
0xcb: {  	[tilespmem:s24+$0x18D10] =	vst v1;
	p0 =	por !p4, p2;
	s15 =	smov.u32 @p3 s19;
	s19 =	smov.u32 s8  }
0xcc: {  	[tilespmem:s24+$0x18D20] =	vst v2;
	s19 =	smov.u32 @p3 s29;
	s29 =	smov.u32 s30;
	s15 =	simm.s32 @!p0 $0x0  }
0xcd: {  	[tilespmem:s24+$0x18D30] =	vst v3;
	s29 =	smov.u32 @p0 s19;
	s15 =	sadd.s32 @!p2 s4, s15  }
0xce: {  	[tilespmem:s24+$0x18D40] =	vst v4;
	s15 =	sadd.s32 @!p2 s29, s15  }
0xcf: {  	[tilespmem:s24+$0x18D50] =	vst v5;
	s28 =	rddreg [dreg:$0x2];
	s3 =	sshll.u32 @!p2 s3, $0x11;
	s15 =	sshll.u32 @!p2 s15, $0xC  }
0xd0: {  	[tilespmem:s24+$0x18D60] =	vst v6;
	s20 =	rddreg [dreg:$0x9];
	s24 =	simm.s32 @!p2 $0x18C80;
	s3 =	sadd.s32 @!p2 s3, s15  }
0xd1: {  	s19 =	simm.s32 @!p2 $0x0;
	s15 =	sadd.s32 @!p2 s28, s3;
	s3 =	sand.u32 @!p2 $0x1FFFF000, s3  }
0xd2: {  	[hbm4b:s15+s19] =	stream.linear.scatter @!p2 [tilespmem:s24], [sflag:$0x3], $0x4000, $0x38;
	[tilespmem:$0x1CC80] =	vst v63  }
0xd3: {  	s3 =	sadd.s32 @!p2 s3, s20  }
0xd4: {  	[hbm4b:s3+s19] =	stream.linear.scatter @!p2 [tilespmem:s24], [sflag:$0x3], $0x4000, $0x38;
	[tilespmem:$0x1CC80] =	vst v63  }
0xd5: {  	s3 =	sadd.s32 $0x1, s4  }
0xd6: {  	p3 =	sge.s32 s3, s10  }
0xd7: {  	p0 =	sge.s32 @!p3 s3, s23;
	s15 =	simm.s32 @!p3 $0x1  }
0xd8: {  	s19 =	simm.s32 @!p3 $0x1;
	p4 =	sge.s32 @!p3 s3, s11;
	s24 =	simm.s32 @!p3 $0x1  }
0xd9: {  	p5 =	sge.s32 @!p3 s3, s22;
	p0 =	por !p0, p3;
	p4 =	por !p4, p3  }
0xda: {  	s19 =	simm.s32 @p0 $0x0;
	s24 =	simm.s32 @p4 $0x0;
	p0 =	por !p5, p3  }
0xdb: {  	s19 =	sadd.s32 @!p3 s24, s19;
	s15 =	simm.s32 @p0 $0x0  }
0xdc: {  	s29 =	smov.u32 s16;
	s15 =	sadd.s32 @!p3 s15, s19  }
0xdd: {  	s24 =	smov.u32 s9;
	s19 =	smov.u32 s5;
	p0 =	seq.s32 @!p3 s15, $0x2  }
0xde: {  	p4 =	seq.s32 @!p3 s15, $0x1;
	p5 =	seq.s32 @!p3 s15, $0x0;
	p0 =	por !p0, p3  }
0xdf: {  	p4 =	por !p4, p3;
	s19 =	smov.u32 @p0 s2;
	s24 =	smov.u32 @p0 s14  }
0xe0: {  	p0 =	por !p5, p3;
	s29 =	smov.u32 @p4 s19;
	s19 =	smov.u32 s8  }
0xe1: {  	s19 =	smov.u32 @p4 s24;
	s24 =	smov.u32 s30;
	s29 =	simm.s32 @!p0 $0x0  }
0xe2: {  	s24 =	smov.u32 @p0 s19;
	s3 =	sadd.s32 @!p3 s3, s29  }
0xe3: {  	s3 =	sadd.s32 @!p3 s24, s3  }
0xe4: {  	s15 =	sshll.u32 @!p3 s15, $0x11;
	s3 =	sshll.u32 @!p3 s3, $0xC  }
0xe5: {  	s19 =	simm.s32 @!p3 $0x0;
	s3 =	sadd.s32 @!p3 s15, s3  }
0xe6: {  	s24 =	simm.s32 @!p3 $0x18C80;
	s15 =	sadd.s32 @!p3 s28, s3;
	s3 =	sand.u32 @!p3 $0x1FFFF000, s3  }
0xe7: {  	[hbm4b:s15+s19] =	stream.linear.scatter @!p3 [tilespmem:s24], [sflag:$0x3], $0x4000, $0x38;
	[tilespmem:$0x1CC80] =	vst v63  }
0xe8: {  	s3 =	sadd.s32 @!p3 s3, s20  }
0xe9: {  	[hbm4b:s3+s19] =	stream.linear.scatter @!p3 [tilespmem:s24], [sflag:$0x3], $0x4000, $0x38;
	[tilespmem:$0x1CC80] =	vst v63  }
0xea: {  	s3 =	sadd.s32 $0x2, s4  }
0xeb: {  	p4 =	sge.s32 s3, s10  }
0xec: {  	p0 =	sge.s32 @!p4 s3, s23;
	s15 =	simm.s32 @!p4 $0x1  }
0xed: {  	s19 =	simm.s32 @!p4 $0x1;
	p5 =	sge.s32 @!p4 s3, s11;
	s24 =	simm.s32 @!p4 $0x1  }
0xee: {  	p1 =	sge.s32 @!p4 s3, s22;
	p0 =	por !p0, p4;
	p5 =	por !p5, p4  }
0xef: {  	s19 =	simm.s32 @p0 $0x0;
	s24 =	simm.s32 @p5 $0x0;
	p0 =	por !p1, p4  }
0xf0: {  	s19 =	sadd.s32 @!p4 s24, s19;
	s15 =	simm.s32 @p0 $0x0  }
0xf1: {  	s29 =	smov.u32 s16;
	s15 =	sadd.s32 @!p4 s15, s19  }
0xf2: {  	s24 =	smov.u32 s9;
	s19 =	smov.u32 s5;
	p0 =	seq.s32 @!p4 s15, $0x2  }
0xf3: {  	p1 =	seq.s32 @!p4 s15, $0x1;
	p5 =	seq.s32 @!p4 s15, $0x0;
	p0 =	por !p0, p4  }
0xf4: {  	p1 =	por !p1, p4;
	s19 =	smov.u32 @p0 s2;
	s24 =	smov.u32 @p0 s14  }
0xf5: {  	p0 =	por !p5, p4;
	s29 =	smov.u32 @p1 s19;
	s19 =	smov.u32 s8  }
0xf6: {  	s19 =	smov.u32 @p1 s24;
	s24 =	smov.u32 s30;
	s29 =	simm.s32 @!p0 $0x0  }
0xf7: {  	s24 =	smov.u32 @p0 s19;
	s3 =	sadd.s32 @!p4 s3, s29  }
0xf8: {  	s3 =	sadd.s32 @!p4 s24, s3  }
0xf9: {  	s15 =	sshll.u32 @!p4 s15, $0x11;
	s3 =	sshll.u32 @!p4 s3, $0xC  }
0xfa: {  	s19 =	simm.s32 @!p4 $0x0;
	s3 =	sadd.s32 @!p4 s15, s3  }
0xfb: {  	s24 =	simm.s32 @!p4 $0x18C80;
	s15 =	sadd.s32 @!p4 s28, s3;
	s3 =	sand.u32 @!p4 $0x1FFFF000, s3  }
0xfc: {  	[hbm4b:s15+s19] =	stream.linear.scatter @!p4 [tilespmem:s24], [sflag:$0x3], $0x4000, $0x38;
	[tilespmem:$0x1CC80] =	vst v63  }
0xfd: {  	s3 =	sadd.s32 @!p4 s3, s20  }
0xfe: {  	[hbm4b:s3+s19] =	stream.linear.scatter @!p4 [tilespmem:s24], [sflag:$0x3], $0x4000, $0x38;
	[tilespmem:$0x1CC80] =	vst v63  }
0xff: {  	s3 =	sadd.s32 $0x3, s4  }
0x100: {  	p5 =	sge.s32 s3, s10  }
0x101: {  	p0 =	sge.s32 @!p5 s3, s23  }
0x102: {  	s4 =	simm.s32 @!p5 $0x1;
	p0 =	por !p0, p5  }
0x103: {  	s4 =	simm.s32 @p0 $0x0;
	p0 =	sge.s32 @!p5 s3, s11  }
0x104: {  	s10 =	simm.s32 @!p5 $0x1;
	p1 =	sge.s32 @!p5 s3, s22;
	p0 =	por !p0, p5  }
0x105: {  	s11 =	simm.s32 @!p5 $0x1;
	s10 =	simm.s32 @p0 $0x0;
	p0 =	por !p1, p5  }
0x106: {  	s4 =	sadd.s32 @!p5 s10, s4;
	s11 =	simm.s32 @p0 $0x0  }
0x107: {  	s29 =	sld [smem:$0x7F5];
	s4 =	sadd.s32 @!p5 s11, s4  }
0x108: {  	s15 =	rddreg [dreg:$0x1];
	p0 =	seq.s32 @!p5 s4, $0x2  }
0x109: {  	s10 =	rddreg [dreg:$0xc];
	p1 =	seq.s32 @!p5 s4, $0x1;
	p0 =	por !p0, p5  }
0x10a: {  	p6 =	seq.s32 @!p5 s4, $0x0;
	p1 =	por !p1, p5;
	s5 =	smov.u32 @p0 s2  }
0x10b: {  	s9 =	smov.u32 @p0 s14;
	p0 =	por !p6, p5;
	s16 =	smov.u32 @p1 s5  }
0x10c: {  	s2 =	smov.u32 s30;
	s8 =	smov.u32 @p1 s9;
	s16 =	simm.s32 @!p0 $0x0  }
0x10d: {  	s11 =	rddreg [dreg:$0xd];
	s2 =	smov.u32 @p0 s8;
	s3 =	sadd.s32 @!p5 s3, s16  }
0x10e: {  	s14 =	rddreg [dreg:$0xe];
	s2 =	sadd.s32 @!p5 s2, s3  }
0x10f: {  	p0 =	seq.s32 s29, $0x1;
	s3 =	sshll.u32 @!p5 s4, $0x11;
	s2 =	sshll.u32 @!p5 s2, $0xC  }
.Ltmp3:
0x110: {  	s5 =	simm.s32 @!p5 $0x18C80;
	s2 =	sadd.s32 @!p5 s3, s2;
	(pc) =	sbr.rel @p0 .LBB2_9-.Ltmp3, $4  }
0x111: {  	s4 =	simm.s32 @!p5 $0x0;
	s3 =	sadd.s32 @!p5 s28, s2;
	s2 =	sand.u32 @!p5 $0x1FFFF000, s2  }
0x112: {  	[hbm4b:s3+s4] =	stream.linear.scatter @!p5 [tilespmem:s5], [sflag:$0x3], $0x4000, $0x38;
	[tilespmem:$0x1CC80] =	vst v63  }
0x113: {  	s9 =	simm.s32 $0x0;
	s16 =	rddreg [dreg:$0x8];
	s2 =	sadd.s32 @!p5 s2, s20  }
0x114: {  	[hbm4b:s2+s4] =	stream.linear.scatter @!p5 [tilespmem:s5], [sflag:$0x3], $0x4000, $0x38;
	[tilespmem:$0x1CC80] =	vst v63  }
0x115: {  	s2 =	sld [smem:$0x7F2]  }
0x116: {  	s24 =	sld [smem:$0x7F3]  }
0x117: {  	s3 =	sld [smem:$0x7F4]  }
0x118: {  	s4 =	smov.u32 s21;
	p0 =	seq.s32 s2, $0x1  }
0x119: {  	s4 =	smov.u32 @p0 s14;
	p0 =	seq.s32 s24, $0x1  }
0x11a: {  	s4 =	smov.u32 @p0 s11;
	p0 =	seq.s32 s3, $0x1  }
0x11b: {  	s29 =	sadd.s32 $0x100, s6;
	s4 =	smov.u32 @p0 s10  }
0x11c: {  	p0 =	sge.s32 s4, s29  }
0x11d: {  	s3 =	ssub.s32 @!p0 s4, s6  }
0x11e: {  	p6 =	sne.s32 s6, $0x1F00;
	s3 =	sadd.s32 @!p0 $0x1, s3  }
0x11f: {  	s2 =	simm.s32 @p6 $0x4;
	p1 =	sgt.s32 @!p0 s3, $0x100  }
0x120: {  	_ =	swait.ge @p6 [sflag:s2], $0x8400;
	p0 =	por p0, p1  }
.Ltmp4:
0x121: {  	[sflag:s2] =	ssyncset.done @p6 $0x0;
	(pc) =	sbr.rel @p0 .LBB2_8-.Ltmp4, $4  }
0x122: {  	[sflag:s2] =	ssyncadd.s32 @p6 $0xFFFF7C00;
	s2 =	simm.s32 @!p6 $0x4  }
0x123: {  	_ =	swait.ge @!p6 [sflag:s2], $0x8000  }
0x124: {  	[sflag:s2] =	ssyncset.done @!p6 $0x0  }
0x125: {  	[sflag:s2] =	ssyncadd.s32 @!p6 $0xFFFF8000  }
0x126: {  	s2 =	sshll.u32 s12, $0x11;
	s3 =	sshll.u32 s4, $0x9  }
0x127: {  	s24 =	sshll.u32 s26, $0x11;
	s2 =	sadd.s32 s3, s2  }
0x128: {  	s2 =	ssub.s32 s2, s24  }
0x129: {  	s2 =	sshra.s32 s2, $0x2  }
0x12a: {  	s29 =	ssub.s32 s6, s4;
	s2 =	sadd.s32 $0x170, s2  }
0x12b: {  	s3 =	sadd.s32 $0x100, s29;
	[tilespmem:s2+$0xFFFFFF90] =	vst v0  }
0x12c: {  	p0 =	sne.s32 s3, $0x1;
	[tilespmem:s2+$0x0] =	vst v7  }
.Ltmp5:
0x12d: {  	[tilespmem:s2+$0xFFFFFFF0] =	vst v6;
	(pc) =	sbr.rel @!p0 .LBB2_7-.Ltmp5, $4  }
0x12e: {  	[tilespmem:s2+$0xFFFFFFE0] =	vst v5  }
0x12f: {  	[tilespmem:s2+$0xFFFFFFD0] =	vst v4  }
0x130: {  	[tilespmem:s2+$0xFFFFFFC0] =	vst v3  }
0x131: {  	s4 =	sadd.s32 $0xFFFFFFFF, s3;
	[tilespmem:s2+$0xFFFFFFB0] =	vst v2  }
.LBB2_6:
0x132: {  	p6 =	sne.s32 s4, $0x1;
	s4 =	sadd.s32 $0xFFFFFFFF, s4;
	[tilespmem:s2+$0xFFFFFFA0] =	vst v1;
	s2 =	sadd.s32 $0x80, s2  }
0x133: {  	[tilespmem:s2+$0xFFFFFF90] =	vst v0  }
0x134: {  	[tilespmem:s2+$0x0] =	vst v7  }
.Ltmp6:
0x135: {  	[tilespmem:s2+$0xFFFFFFF0] =	vst v6;
	(pc) =	sbr.rel @p6 .LBB2_6-.Ltmp6, $4  }
0x136: {  	[tilespmem:s2+$0xFFFFFFE0] =	vst v5  }
0x137: {  	[tilespmem:s2+$0xFFFFFFD0] =	vst v4  }
0x138: {  	[tilespmem:s2+$0xFFFFFFC0] =	vst v3  }
0x139: {  	[tilespmem:s2+$0xFFFFFFB0] =	vst v2  }
.LBB2_7:
0x13a: {  	[tilespmem:s2+$0xFFFFFFA0] =	vst v1  }
.LBB2_8:
0x13b: {  	s2 =	sshll.u32 s17, $0x14;
	s3 =	sshll.u32 s7, $0xF  }
0x13c: {  	s2 =	sadd.s32 s2, s3  }
0x13d: {  	s2 =	sshrl.u32 s2, $0x3  }
0x13e: {  	s24 =	simm.s32 $0x100;
	s29 =	simm.s32 $0x7;
	s2 =	sadd.s32 s28, s2  }
0x13f: {  	[hbm4b:s2+s9] =	stream.linear.scatter [tilespmem:s24], [sflag:$0x7], $0x8000, $0x38;
	[tilespmem:$0x1CC80] =	vst v63  }
0x140: {  	_ =	swait.ge [sflag:s29], $0x8000  }
0x141: {  	[sflag:s29] =	ssyncset.done $0x0  }
0x142: {  	[sflag:s29] =	ssyncadd.s32 $0xFFFF8000  }
.LBB2_9:
0x143: {  	s3 =	sadd.s32 $0x3, s26  }
0x144: {  	s2 =	simm.s32 $0x1;
	p0 =	sge.s32 s3, s30  }
0x145: {  	s4 =	simm.s32 $0x1;
	s2 =	simm.s32 @!p0 $0x0;
	p0 =	sge.s32 s3, s18  }
0x146: {  	s5 =	simm.s32 $0x1;
	s4 =	simm.s32 @!p0 $0x0;
	p0 =	sge.s32 s3, s25  }
0x147: {  	s2 =	sadd.s32 s4, s2;
	s5 =	simm.s32 @!p0 $0x0  }
0x148: {  	s6 =	sadd.s32 s5, s2  }
0x149: {  	p0 =	seq.s32 s6, $0x2  }
0x14a: {  	s2 =	simm.s32 @!p0 $0x0  }
0x14b: {  	p1 =	seq.s32 s6, $0x1;
	s2 =	simm.s32 @p0 $0x1  }
0x14c: {  	s25 =	smov.u32 @p0 s18;
	[smem:$0x7EE] =	sst s2;
	s2 =	simm.s32 @!p1 $0x0  }
0x14d: {  	p0 =	seq.s32 s6, $0x0;
	s25 =	smov.u32 @p1 s30;
	s2 =	simm.s32 @p1 $0x1  }
0x14e: {  	s25 =	simm.s32 @p0 $0x0;
	[smem:$0x7EF] =	sst s2;
	s2 =	simm.s32 @!p0 $0x0  }
0x14f: {  	s7 =	ssub.s32 s3, s25;
	s2 =	simm.s32 @p0 $0x1  }
0x150: {  	p6 =	sge.s32 s3, s13;
	[smem:$0x7F0] =	sst s2;
	s2 =	sshll.u32 s7, $0x8  }
0x151: {  	p0 =	sne.s32 @!p6 s2, $0x1F00  }
0x152: {  	p1 =	por !p0, p6  }
0x153: {  	s3 =	sshll.u32 @!p1 s7, $0xC  }
0x154: {  	s3 =	sand.u32 @!p1 $0x1FFFF000, s3  }
0x155: {  	s4 =	simm.s32 @!p1 $0x0;
	s5 =	simm.s32 @!p1 $0x80;
	s3 =	sadd.s32 @!p1 s15, s3  }
0x156: {  	[tilespmem:s5], [sflag:$0x4] =	stream.linear.gather @!p1 [hbm4b:s3+s4], $0x8400, $0x38;
	[tilespmem:$0x1CC80] =	vst v63  }
0x157: {  	s3 =	simm.s32 @!p6 $0x0  }
0x158: {  	s30 =	sld [smem:$0x7F9];
	p0 =	por p0, p6;
	s3 =	simm.s32 @p6 $0x1  }
0x159: {  	s4 =	simm.s32 @!p0 $0x80;
	[smem:$0x7F1] =	sst s3;
	s3 =	simm.s32 @!p0 $0x0  }
0x15a: {  	[tilespmem:s4], [sflag:$0x4] =	stream.linear.gather @!p0 [hbm4b:s16+s3], $0x8000, $0x38;
	[tilespmem:$0x1CC80] =	vst v63  }
0x15b: {  	p0 =	seq.s32 s30, $0x1  }
.Ltmp7:
0x15c: {  	_ = 	snop;
	(pc) =	sbr.rel @p0 .LBB2_15-.Ltmp7, $1  }
0x15d: {  	_ =	sdelay $0x3  }
0x15e: {  	s3 =	sld [smem:$0x7F6]  }
0x15f: {  	s29 =	sld [smem:$0x7F7]  }
0x160: {  	s4 =	sld [smem:$0x7F8]  }
0x161: {  	s5 =	smov.u32 s21;
	p0 =	seq.s32 s3, $0x1  }
0x162: {  	p1 =	seq.s32 s29, $0x1;
	s5 =	smov.u32 @p0 s14  }
0x163: {  	s12 =	rddreg [dreg:$0x13];
	s5 =	smov.u32 @p1 s11;
	p1 =	seq.s32 s4, $0x1  }
0x164: {  	s30 =	sadd.s32 $0x100, s12;
	s5 =	smov.u32 @p1 s10  }
0x165: {  	p1 =	sge.s32 s5, s30  }
0x166: {  	s4 =	ssub.s32 @!p1 s5, s12  }
0x167: {  	p0 =	sne.s32 s12, $0x1F00;
	s4 =	sadd.s32 @!p1 $0x1, s4  }
0x168: {  	s3 =	simm.s32 @p0 $0x5;
	p6 =	sgt.s32 @!p1 s4, $0x100  }
0x169: {  	_ =	swait.ge @p0 [sflag:s3], $0x8400;
	p1 =	por p1, p6  }
.Ltmp8:
0x16a: {  	[sflag:s3] =	ssyncset.done @p0 $0x0;
	(pc) =	sbr.rel @p1 .LBB2_14-.Ltmp8, $4  }
0x16b: {  	[sflag:s3] =	ssyncadd.s32 @p0 $0xFFFF7C00;
	s3 =	simm.s32 @!p0 $0x5  }
0x16c: {  	_ =	swait.ge @!p0 [sflag:s3], $0x8000  }
0x16d: {  	[sflag:s3] =	ssyncset.done @!p0 $0x0  }
0x16e: {  	[sflag:s3] =	ssyncadd.s32 @!p0 $0xFFFF8000  }
0x16f: {  	s3 =	sshll.u32 s1, $0x11;
	s4 =	sshll.u32 s5, $0x9  }
0x170: {  	s24 =	sshll.u32 s26, $0x11;
	s29 =	sshll.u32 s1, $0x8;
	s3 =	sadd.s32 s4, s3  }
0x171: {  	s30 =	sshll.u32 s26, $0x8;
	s1 =	sadd.s32 s29, s5;
	s3 =	ssub.s32 s3, s24  }
0x172: {  	s1 =	ssub.s32 s1, s30;
	s3 =	sshra.s32 s3, $0x2  }
0x173: {  	s1 =	sadd.s32 $0xFFFFFF00, s1;
	s4 =	sadd.s32 $0x540, s3  }
0x174: {  	s1 =	sadd.s32 $0x1, s1;
	[tilespmem:s4+$0xFFFFFFC0] =	vst v0  }
0x175: {  	[tilespmem:s4+$0x30] =	vst v7;
	p0 =	slt.s32 s1, $0x100  }
.Ltmp9:
0x176: {  	[tilespmem:s4+$0x20] =	vst v6;
	(pc) =	sbr.rel @!p0 .LBB2_13-.Ltmp9, $4  }
0x177: {  	[tilespmem:s4+$0x10] =	vst v5  }
0x178: {  	[tilespmem:s4+$0x0] =	vst v4  }
0x179: {  	[tilespmem:s4+$0xFFFFFFF0] =	vst v3  }
0x17a: {  	[tilespmem:s4+$0xFFFFFFE0] =	vst v2  }
.LBB2_12:
0x17b: {  	s1 =	sadd.s32 $0x1, s1;
	[tilespmem:s4+$0xFFFFFFD0] =	vst v1;
	s4 =	sadd.s32 $0x80, s4  }
0x17c: {  	[tilespmem:s4+$0xFFFFFFC0] =	vst v0;
	p0 =	slt.s32 s1, $0x100  }
0x17d: {  	[tilespmem:s4+$0x30] =	vst v7  }
.Ltmp10:
0x17e: {  	[tilespmem:s4+$0x20] =	vst v6;
	(pc) =	sbr.rel @p0 .LBB2_12-.Ltmp10, $4  }
0x17f: {  	[tilespmem:s4+$0x10] =	vst v5  }
0x180: {  	[tilespmem:s4+$0x0] =	vst v4  }
0x181: {  	[tilespmem:s4+$0xFFFFFFF0] =	vst v3  }
0x182: {  	[tilespmem:s4+$0xFFFFFFE0] =	vst v2  }
.LBB2_13:
0x183: {  	[tilespmem:s4+$0xFFFFFFD0] =	vst v1  }
.LBB2_14:
0x184: {  	s1 =	rddreg [dreg:$0x11]  }
0x185: {  	s0 =	sshll.u32 s0, $0x14;
	s1 =	sshll.u32 s1, $0xF  }
0x186: {  	s0 =	sadd.s32 s0, s1  }
0x187: {  	s0 =	sshrl.u32 s0, $0x3  }
0x188: {  	s30 =	simm.s32 $0x8500;
	s0 =	sadd.s32 s28, s0  }
0x189: {  	[hbm4b:s0+s9] =	stream.linear.scatter [tilespmem:s30], [sflag:$0x8], $0x8000, $0x38;
	[tilespmem:$0x1CC80] =	vst v63  }
.LBB2_15:
0x18a: {  	s0 =	sld [smem:$0x7FD];
	_ =	sdelay $0x2  }
0x18b: {  	p0 =	seq.s32 s0, $0x1  }
.Ltmp11:
0x18c: {  	_ = 	snop;
	(pc) =	sbr.rel @p0 .LBB2_21-.Ltmp11, $1  }
0x18d: {  	_ =	sdelay $0x3  }
0x18e: {  	s0 =	sld [smem:$0x7FA]  }
0x18f: {  	s29 =	sld [smem:$0x7FB]  }
0x190: {  	s3 =	sld [smem:$0x7FC]  }
0x191: {  	s1 =	smov.u32 s21;
	p0 =	seq.s32 s0, $0x1  }
0x192: {  	p1 =	seq.s32 s29, $0x1;
	s1 =	smov.u32 @p0 s14  }
0x193: {  	s4 =	rddreg [dreg:$0x12];
	s1 =	smov.u32 @p1 s11;
	p1 =	seq.s32 s3, $0x1  }
0x194: {  	s30 =	sadd.s32 $0x100, s4;
	s1 =	smov.u32 @p1 s10  }
0x195: {  	p1 =	sge.s32 s1, s30  }
0x196: {  	s3 =	ssub.s32 @!p1 s1, s4  }
0x197: {  	p0 =	sne.s32 s4, $0x1F00;
	s3 =	sadd.s32 @!p1 $0x1, s3  }
0x198: {  	s0 =	simm.s32 @p0 $0x6;
	p6 =	sgt.s32 @!p1 s3, $0x100  }
0x199: {  	_ =	swait.ge @p0 [sflag:s0], $0x8400;
	p1 =	por p1, p6  }
.Ltmp12:
0x19a: {  	[sflag:s0] =	ssyncset.done @p0 $0x0;
	(pc) =	sbr.rel @p1 .LBB2_20-.Ltmp12, $4  }
0x19b: {  	[sflag:s0] =	ssyncadd.s32 @p0 $0xFFFF7C00;
	s0 =	simm.s32 @!p0 $0x6  }
0x19c: {  	_ =	swait.ge @!p0 [sflag:s0], $0x8000  }
0x19d: {  	[sflag:s0] =	ssyncset.done @!p0 $0x0  }
0x19e: {  	[sflag:s0] =	ssyncadd.s32 @!p0 $0xFFFF8000  }
0x19f: {  	s0 =	sshll.u32 s31, $0x11;
	s3 =	sshll.u32 s1, $0x9  }
0x1a0: {  	s24 =	sshll.u32 s26, $0x11;
	s29 =	sshll.u32 s31, $0x8;
	s0 =	sadd.s32 s3, s0  }
0x1a1: {  	s31 =	sshll.u32 s26, $0x8;
	s30 =	sadd.s32 s29, s1;
	s0 =	ssub.s32 s0, s24  }
0x1a2: {  	s1 =	ssub.s32 s30, s31;
	s0 =	sshra.s32 s0, $0x2  }
0x1a3: {  	s1 =	sadd.s32 $0xFFFFFE00, s1;
	s0 =	sadd.s32 $0x940, s0  }
0x1a4: {  	s1 =	sadd.s32 $0x1, s1;
	[tilespmem:s0+$0xFFFFFFC0] =	vst v0  }
0x1a5: {  	[tilespmem:s0+$0x30] =	vst v7;
	p0 =	slt.s32 s1, $0x100  }
.Ltmp13:
0x1a6: {  	[tilespmem:s0+$0x20] =	vst v6;
	(pc) =	sbr.rel @!p0 .LBB2_19-.Ltmp13, $4  }
0x1a7: {  	[tilespmem:s0+$0x10] =	vst v5  }
0x1a8: {  	[tilespmem:s0+$0x0] =	vst v4  }
0x1a9: {  	[tilespmem:s0+$0xFFFFFFF0] =	vst v3  }
0x1aa: {  	[tilespmem:s0+$0xFFFFFFE0] =	vst v2  }
.LBB2_18:
0x1ab: {  	s1 =	sadd.s32 $0x1, s1;
	[tilespmem:s0+$0xFFFFFFD0] =	vst v1;
	s0 =	sadd.s32 $0x80, s0  }
0x1ac: {  	[tilespmem:s0+$0xFFFFFFC0] =	vst v0;
	p0 =	slt.s32 s1, $0x100  }
0x1ad: {  	[tilespmem:s0+$0x30] =	vst v7  }
.Ltmp14:
0x1ae: {  	[tilespmem:s0+$0x20] =	vst v6;
	(pc) =	sbr.rel @p0 .LBB2_18-.Ltmp14, $4  }
0x1af: {  	[tilespmem:s0+$0x10] =	vst v5  }
0x1b0: {  	[tilespmem:s0+$0x0] =	vst v4  }
0x1b1: {  	[tilespmem:s0+$0xFFFFFFF0] =	vst v3  }
0x1b2: {  	[tilespmem:s0+$0xFFFFFFE0] =	vst v2  }
.LBB2_19:
0x1b3: {  	[tilespmem:s0+$0xFFFFFFD0] =	vst v1  }
.LBB2_20:
0x1b4: {  	s0 =	rddreg [dreg:$0xf]  }
0x1b5: {  	s1 =	rddreg [dreg:$0x10]  }
0x1b6: {  	s0 =	sshll.u32 s0, $0x14;
	s1 =	sshll.u32 s1, $0xF  }
0x1b7: {  	s0 =	sadd.s32 s0, s1  }
0x1b8: {  	s0 =	sshrl.u32 s0, $0x3  }
0x1b9: {  	s31 =	simm.s32 $0x10900;
	s0 =	sadd.s32 s28, s0  }
0x1ba: {  	[hbm4b:s0+s9] =	stream.linear.scatter [tilespmem:s31], [sflag:$0x9], $0x8000, $0x38;
	[tilespmem:$0x1CC80] =	vst v63  }
.LBB2_21:
0x1bb: {  	s0 =	sld [smem:$0x7F1];
	_ =	sdelay $0x2  }
0x1bc: {  	p0 =	seq.s32 s0, $0x1  }
.Ltmp15:
0x1bd: {  	_ = 	snop;
	(pc) =	sbr.rel @p0 .LBB2_27-.Ltmp15, $2  }
0x1be: {  	_ =	sdelay $0x2  }
0x1bf: {  	s3 =	rddreg [dreg:$0xb]  }
0x1c0: {  	s0 =	sld [smem:$0x7EE]  }
0x1c1: {  	s30 =	sld [smem:$0x7EF]  }
0x1c2: {  	s1 =	sld [smem:$0x7F0]  }
0x1c3: {  	p0 =	seq.s32 s0, $0x1  }
0x1c4: {  	p1 =	seq.s32 s30, $0x1;
	s21 =	smov.u32 @p0 s14  }
0x1c5: {  	s21 =	smov.u32 @p1 s11;
	p1 =	seq.s32 s1, $0x1  }
0x1c6: {  	s31 =	sadd.s32 $0x100, s2;
	s21 =	smov.u32 @p1 s10  }
0x1c7: {  	p1 =	sge.s32 s21, s31  }
0x1c8: {  	s1 =	ssub.s32 @!p1 s21, s2  }
0x1c9: {  	p0 =	sne.s32 s2, $0x1F00;
	s1 =	sadd.s32 @!p1 $0x1, s1  }
0x1ca: {  	s0 =	simm.s32 @p0 $0x4;
	p6 =	sgt.s32 @!p1 s1, $0x100  }
0x1cb: {  	_ =	swait.ge @p0 [sflag:s0], $0x8400;
	p1 =	por p1, p6  }
.Ltmp16:
0x1cc: {  	[sflag:s0] =	ssyncset.done @p0 $0x0;
	(pc) =	sbr.rel @p1 .LBB2_26-.Ltmp16, $4  }
0x1cd: {  	[sflag:s0] =	ssyncadd.s32 @p0 $0xFFFF7C00;
	s0 =	simm.s32 @!p0 $0x4  }
0x1ce: {  	_ =	swait.ge @!p0 [sflag:s0], $0x8000  }
0x1cf: {  	[sflag:s0] =	ssyncset.done @!p0 $0x0  }
0x1d0: {  	[sflag:s0] =	ssyncadd.s32 @!p0 $0xFFFF8000  }
0x1d1: {  	s0 =	sshll.u32 s25, $0x11;
	s1 =	sshll.u32 s21, $0x9  }
0x1d2: {  	s30 =	sshll.u32 s26, $0x11;
	s31 =	sshll.u32 s25, $0x8;
	s0 =	sadd.s32 s1, s0  }
0x1d3: {  	s2 =	sshll.u32 s26, $0x8;
	s1 =	sadd.s32 s31, s21;
	s0 =	ssub.s32 s0, s30  }
0x1d4: {  	s1 =	ssub.s32 s1, s2;
	s0 =	sshra.s32 s0, $0x2  }
0x1d5: {  	s1 =	sadd.s32 $0xFFFFFD00, s1;
	s0 =	sadd.s32 $0xFFFE8140, s0  }
0x1d6: {  	s1 =	sadd.s32 $0x1, s1;
	[tilespmem:s0+$0xFFFFFFC0] =	vst v0  }
0x1d7: {  	[tilespmem:s0+$0x30] =	vst v7;
	p0 =	slt.s32 s1, $0x100  }
.Ltmp17:
0x1d8: {  	[tilespmem:s0+$0x20] =	vst v6;
	(pc) =	sbr.rel @!p0 .LBB2_25-.Ltmp17, $4  }
0x1d9: {  	[tilespmem:s0+$0x10] =	vst v5  }
0x1da: {  	[tilespmem:s0+$0x0] =	vst v4  }
0x1db: {  	[tilespmem:s0+$0xFFFFFFF0] =	vst v3  }
0x1dc: {  	[tilespmem:s0+$0xFFFFFFE0] =	vst v2  }
.LBB2_24:
0x1dd: {  	s1 =	sadd.s32 $0x1, s1;
	[tilespmem:s0+$0xFFFFFFD0] =	vst v1;
	s0 =	sadd.s32 $0x80, s0  }
0x1de: {  	[tilespmem:s0+$0xFFFFFFC0] =	vst v0;
	p0 =	slt.s32 s1, $0x100  }
0x1df: {  	[tilespmem:s0+$0x30] =	vst v7  }
.Ltmp18:
0x1e0: {  	[tilespmem:s0+$0x20] =	vst v6;
	(pc) =	sbr.rel @p0 .LBB2_24-.Ltmp18, $4  }
0x1e1: {  	[tilespmem:s0+$0x10] =	vst v5  }
0x1e2: {  	[tilespmem:s0+$0x0] =	vst v4  }
0x1e3: {  	[tilespmem:s0+$0xFFFFFFF0] =	vst v3  }
0x1e4: {  	[tilespmem:s0+$0xFFFFFFE0] =	vst v2  }
.Ltmp19:
0x1e5: {  	_ = 	snop;
	(pc) =	sbr.rel .LBB2_25-.Ltmp19, $1  }
0x1e6: {  	_ =	sdelay $0x3  }
.LBB2_28:
0x1e7: {  	_ =	sfence.sel $0x180000  }
0x1e8: {  	[bflag:$0x0] =	sbarrier.arrive $0xFFFF  }
0x1e9: {  	_ =	strace $0x90000047  }
0x1ea: {  	s0 =	stileid.u32;
	[bflag:$0x2] =	sbarrier.arrive $0xFFFF  }
0x1eb: {  	p0 =	sne.s32 s0, $0x0;
	s0 =	rddreg [dreg:$0x3]  }
0x1ec: {  	s0 =	sadd.s32 @!p0 $0x100000, s0  }
0x1ed: {  	[sflag:s0] =	ssyncadd.tile.s32 @!p0 $0x1;
	_ =	shalt  }
.Lfunc_end2:
_tile_overlayer_lowered:
.L_overlay_start_2:
0x1ee: {  	(tag) =	ssettag $0x2  }
0x1ef: {  	s0 =	rddreg [dreg:$0x0];
	s2 =	stileid.u32  }
0x1f0: {  	s1 =	rddreg [dreg:$0x1];
	p0 =	sne.s32 s2, $0x0  }
0x1f1: {  	s3 =	rddreg [dreg:$0x2];
	[bflag:$0x3] =	sbarrier.arrive $0xFFFF;
	s2 =	simm.s32 @!p0 $0x1C0A  }
0x1f2: {  	[timem:s3], [sflag:s2] =	dma.local @!p0 [hbm:s0], s1  }
0x1f3: {  	s0 =	simm.s32 @!p0 $0xA  }
0x1f4: {  	_ =	swait.ge @!p0 [sflag:s0], s1  }
0x1f5: {  	s1 =	ssub.s32 @!p0 $0x0, s1;
	[sflag:s0] =	ssyncset.done @!p0 $0x0  }
0x1f6: {  	[sflag:s0] =	ssyncadd.s32 @!p0 s1  }
0x1f7: {  	[bflag:$0x3] =	sbarrier.arrive $0xFFFF  }
0x1f8: {  	_ =	shalt  }

</sc_bundles>
